<compile_context>
chip_gen: v7x
topology: tpu7x:2x2x1
jax: 0.10.2.dev20260603
libtpu: 0.0.44.dev20260713+nightly
codegen_flags: <defaults>
</compile_context>

<pallas_src>
import functools

import numpy as np
import jax
import jax.numpy as jnp
from jax import lax
from jax.experimental import pallas as pl
from jax.experimental.pallas import tpu as pltpu
from jax.experimental.pallas import tpu_sc as plsc

_N, _H, _A = 16384, 64, 8
_D = _H * _A
_K = 512
_GAMMA = 0.99
_W = 16
_Q = 48

_NTILES = 32
_CPT = _N // _NTILES
_PCOLS = 1152

_T512 = np.tril(np.ones((512, 512), np.float32)).T


def _adv_kernel(r_ref, d_ref, o_ref):
    s = jnp.sum(r_ref[...] * d_ref[...], axis=1, keepdims=True)
    o_ref[...] = s.reshape(1, 2048, 1)


def _sel_kernel(a_ref, t512_ref, idx_ref, w_ref):
    a = a_ref[...]
    ab = lax.bitcast_convert_type(a, jnp.int32)

    def body(_, carry):
        lo, hi = carry
        mid = lo + (hi - lo) // 2
        cnt = jnp.sum((ab >= mid).astype(jnp.int32))
        ok = cnt >= _K
        return (jnp.where(ok, mid, lo), jnp.where(ok, hi, mid))

    lo, _hi = lax.fori_loop(
        0, 31, body, (jnp.int32(0), jnp.int32(0x43000000)))
    t_lo = jnp.maximum(lo - _W, 0)
    t_hi = lo + _W
    n_above = jnp.sum((ab > t_hi).astype(jnp.int32))
    n_amb = jnp.sum(((ab >= t_lo) & (ab <= t_hi)).astype(jnp.int32))
    alpha = (_K - n_above).astype(jnp.float32) / n_amb.astype(jnp.float32)

    m = ab >= t_lo
    mf = m.astype(jnp.float32)
    sel = jnp.where(ab > t_hi, 1.0, jnp.where(m, alpha, 0.0))
    w = jnp.exp(a) * sel

    lp = jnp.dot(mf, t512_ref[...], preferred_element_type=jnp.float32)
    gpos = lp - 1.0

    gg = lax.broadcasted_iota(jnp.int32, (32, 512), 0)
    jj = lax.broadcasted_iota(jnp.int32, (32, 512), 1)
    nf = (gg * 512 + jj).astype(jnp.float32)

    idx_cols = []
    w_cols = []
    for q in range(_Q):
        eq = m & (gpos == float(q))
        ci = jnp.sum(jnp.where(eq, nf, 0.0), axis=1, keepdims=True)
        cw = jnp.sum(jnp.where(eq, w, 0.0), axis=1, keepdims=True)
        idx_cols.append(ci)
        w_cols.append(cw)
    zpad = jnp.zeros((32, 128 - _Q), jnp.float32)
    idx_ref[...] = jnp.concatenate(idx_cols + [zpad], axis=1).astype(jnp.int32)
    w_ref[...] = jnp.concatenate(w_cols + [zpad], axis=1)


def _sc_kernel(cidx_hbm, cw_hbm, act_hbm, out_hbm,
               idx_v, w_v, rows0, rows1, rows2, s1_v, s2_v, s0_v,
               sem0, sem1, sem2):
    wid = lax.axis_index("s") * 2 + lax.axis_index("c")
    pltpu.sync_copy(cidx_hbm.at[wid, pl.ds(0, _Q)], idx_v)
    pltpu.sync_copy(cw_hbm.at[wid, pl.ds(0, _Q)], w_v)

    rows = (rows0, rows1, rows2)
    sems = (sem0, sem1, sem2)
    copies = []
    for c in range(_Q // 16):
        ivec = idx_v[pl.ds(c * 16, 16)]
        copies.append(pltpu.async_copy(act_hbm.at[ivec], rows[c], sems[c]))

    zf = jnp.zeros((16,), jnp.float32)
    for j in range(_D // 16):
        s1_v[pl.ds(j * 16, 16)] = zf
        s2_v[pl.ds(j * 16, 16)] = zf

    ones = jnp.ones((16,), jnp.float32)
    s0 = zf
    for c in range(_Q // 16):
        copies[c].wait()
        rows_v = rows[c]
        wv = w_v[pl.ds(c * 16, 16)]
        s0 = s0 + wv
        wb = [wv[k] * ones for k in range(16)]

        def col_body(j2, _):
            a1a = a1b = a2a = a2b = zf
            for k in range(0, 16, 2):
                ra = rows_v[k, pl.ds(j2 * 16, 16)]
                rb = rows_v[k + 1, pl.ds(j2 * 16, 16)]
                ta = wb[k] * ra
                tb = wb[k + 1] * rb
                a1a, a1b = a1a + ta, a1b + tb
                a2a, a2b = a2a + ta * ra, a2b + tb * rb
            s1_v[pl.ds(j2 * 16, 16)] += a1a + a1b
            s2_v[pl.ds(j2 * 16, 16)] += a2a + a2b
            return 0

        lax.fori_loop(0, _D // 16, col_body, 0)

    s0_v[pl.ds(0, 16)] = s0
    pltpu.sync_copy(s1_v, out_hbm.at[wid, pl.ds(0, _D)])
    pltpu.sync_copy(s2_v, out_hbm.at[wid, pl.ds(_D, _D)])
    pltpu.sync_copy(s0_v, out_hbm.at[wid, pl.ds(2 * _D, 16)])


def _fin_kernel(p_ref, m_ref, s_ref):
    x = p_ref[...]
    col = jnp.sum(x, axis=0)
    s0 = jnp.sum(col[2 * _D:2 * _D + 16])
    mean = (col[0:_D] / s0).reshape(1, _D)
    m_ref[...] = mean
    s_ref[...] = jnp.sqrt(jnp.maximum(
        (col[_D:2 * _D].reshape(1, _D) / s0) - mean * mean, 0.0))


def _make_sc_call():
    return functools.partial(
        pl.kernel,
        mesh=plsc.VectorSubcoreMesh(core_axis_name="c", subcore_axis_name="s"),
        out_type=jax.ShapeDtypeStruct((_NTILES, _PCOLS), jnp.float32),
        scratch_types=[
            pltpu.VMEM((_Q,), jnp.int32),
            pltpu.VMEM((_Q,), jnp.float32),
            pltpu.VMEM((16, _D), jnp.float32),
            pltpu.VMEM((16, _D), jnp.float32),
            pltpu.VMEM((16, _D), jnp.float32),
            pltpu.VMEM((_D,), jnp.float32),
            pltpu.VMEM((_D,), jnp.float32),
            pltpu.VMEM((16,), jnp.float32),
            pltpu.SemaphoreType.DMA,
            pltpu.SemaphoreType.DMA,
            pltpu.SemaphoreType.DMA,
        ],
    )(_sc_kernel)


def kernel(actions, rewards):
    r2 = rewards.reshape(_N, _H)
    a2 = actions.reshape(_N, _D)
    disc = (jnp.float32(_GAMMA) **
            jnp.arange(_H, dtype=jnp.float32)).reshape(1, _H)

    adv3 = pl.pallas_call(
        _adv_kernel,
        grid=(8,),
        in_specs=[
            pl.BlockSpec((2048, _H), lambda i: (i, 0)),
            pl.BlockSpec((1, _H), lambda i: (0, 0)),
        ],
        out_specs=pl.BlockSpec((1, 2048, 1), lambda i: (i, 0, 0)),
        out_shape=jax.ShapeDtypeStruct((8, 2048, 1), jnp.float32),
    )(r2, disc)

    cidx, cw = pl.pallas_call(
        _sel_kernel,
        in_specs=[
            pl.BlockSpec((_NTILES, _CPT), lambda: (0, 0)),
            pl.BlockSpec((_CPT, _CPT), lambda: (0, 0)),
        ],
        out_specs=[
            pl.BlockSpec((_NTILES, 128), lambda: (0, 0)),
            pl.BlockSpec((_NTILES, 128), lambda: (0, 0)),
        ],
        out_shape=[
            jax.ShapeDtypeStruct((_NTILES, 128), jnp.int32),
            jax.ShapeDtypeStruct((_NTILES, 128), jnp.float32),
        ],
    )(adv3.reshape(_NTILES, _CPT), jnp.asarray(_T512))

    partials = _make_sc_call()(cidx, cw, a2)

    means, stds = pl.pallas_call(
        _fin_kernel,
        in_specs=[pl.BlockSpec((_NTILES, _PCOLS), lambda: (0, 0))],
        out_specs=[
            pl.BlockSpec((1, _D), lambda: (0, 0)),
            pl.BlockSpec((1, _D), lambda: (0, 0)),
        ],
        out_shape=[
            jax.ShapeDtypeStruct((1, _D), jnp.float32),
            jax.ShapeDtypeStruct((1, _D), jnp.float32),
        ],
    )(partials)

    return means.reshape(1, _H, _A), stds.reshape(1, _H, _A)

# --- scband reference (transcript-rebuilt; emitter-appended) ---
"""Pipeline reference for scband-simple-mppiplanner-28716151341719 (READ-ONLY COPY).

The authoritative reference and input builder live on the scoring server;
editing this copy changes nothing except your own understanding.
"""

import jax, jax.numpy as jnp
import numpy as np

NUM_CANDIDATES = 16384
HORIZON = 64
ACTION_DIM = 8
TOP_K = 512
GAMMA = 0.99
TEMPERATURE = 1.0


def setup_inputs(seed: int = 0) -> dict:
    key = jax.random.key(seed)
    k1, k2 = jax.random.split(key)
    actions = jax.random.normal(k1, (NUM_CANDIDATES, HORIZON, ACTION_DIM), dtype=jnp.float32)
    rewards = jax.random.uniform(k2, (NUM_CANDIDATES, HORIZON, 1), dtype=jnp.float32)
    return {"actions": actions, "rewards": rewards}


def reference(actions, rewards):
    # Discounted reward sum as advantage (per candidate trajectory)
    H = rewards.shape[-2]
    timesteps = jnp.arange(H, dtype=rewards.dtype)
    discounts = GAMMA ** timesteps
    discounted_rewards = rewards * discounts.reshape(1, -1, 1)
    advantage = discounted_rewards.sum(axis=-2, keepdims=True)  # [N, 1, 1]

    # topk over candidate dim (K_DIM = -3)
    adv_flat = advantage[:, 0, 0]  # [N]
    vals, top_idx = jax.lax.top_k(adv_flat, TOP_K)  # [K], [K]

    # gather best actions: actions.gather(K_DIM, top_k_expanded)
    best_actions = jnp.take(actions, top_idx, axis=0)  # [K, H, A]

    # MPPI exponential weighting
    omegas = jnp.exp(TEMPERATURE * vals)[:, None, None]  # [K, 1, 1]
    omega_sum = omegas.sum(axis=0, keepdims=True)
    action_means = (omegas * best_actions).sum(axis=0, keepdims=True) / omega_sum  # [1, H, A]
    action_stds = jnp.sqrt((omegas * (best_actions - action_means) ** 2).sum(axis=0, keepdims=True) / omega_sum)
    return action_means, action_stds

if __name__ == "__main__":
    import jax
    _d = setup_inputs()
    print(jax.jit(kernel)(*tuple(_d.values())))

</pallas_src>

<mosaic_0001>
#map = affine_map<(d0, d1) -> (0, 0)>
module attributes {stable_mosaic.version = 14 : i64} {
  func.func @_sc_kernel(%arg0: i32, %arg1: i32, %arg2: memref<32x128xi32, #tpu.memory_space<hbm>>, %arg3: memref<32x128xf32, #tpu.memory_space<hbm>>, %arg4: memref<16384x512xf32, #tpu.memory_space<hbm>>, %arg5: memref<32x1152xf32, #tpu.memory_space<hbm>>, %arg6: memref<48xi32, #tpu.memory_space<vmem>>, %arg7: memref<48xf32, #tpu.memory_space<vmem>>, %arg8: memref<16x512xf32, #tpu.memory_space<vmem>>, %arg9: memref<16x512xf32, #tpu.memory_space<vmem>>, %arg10: memref<16x512xf32, #tpu.memory_space<vmem>>, %arg11: memref<512xf32, #tpu.memory_space<vmem>>, %arg12: memref<512xf32, #tpu.memory_space<vmem>>, %arg13: memref<16xf32, #tpu.memory_space<vmem>>, %arg14: memref<!tpu.dma_semaphore, #tpu.memory_space<semaphore_mem>>, %arg15: memref<!tpu.dma_semaphore, #tpu.memory_space<semaphore_mem>>, %arg16: memref<!tpu.dma_semaphore, #tpu.memory_space<semaphore_mem>>) attributes {dimension_semantics = [#tpu.dimension_semantics<core_parallel>, #tpu.dimension_semantics<subcore_parallel>], iteration_bounds = array<i64: 2, 16>, scalar_prefetch = 0 : i64, scratch_operands = 11 : i64, tpu.core_type = #tpu.core_type<sc_vector_subcore>, window_params = [{transform_indices = #map}, {transform_indices = #map}, {transform_indices = #map}, {transform_indices = #map}]} {
    %mul3A = arith.constant 2 : i32
    %mul3A_0 = arith.muli %arg1, %mul3A : i32
    %add3A = arith.addi %mul3A_0, %arg0 : i32
    "tpu.region"() ({
      %run_scoped3A = tpu.sem_alloc : memref<!tpu.dma_semaphore, #tpu.memory_space<semaphore_mem>>
      %dma_start3A_509 = arith.constant 0 : i32
      %dma_start3A_510 = tpu.memref_slice %arg2[%add3A, %dma_start3A_509] : memref<32x128xi32, #tpu.memory_space<hbm>> -> memref<1x48xi32, #tpu.memory_space<hbm>>
      %dma_start3A_511 = tpu.memref_squeeze %dma_start3A_510 : memref<1x48xi32, #tpu.memory_space<hbm>> -> memref<48xi32, #tpu.memory_space<hbm>>
      %dma_start3A_512 = arith.constant 0 : i32
      %dma_start3A_513 = tpu.memref_slice %arg2[%add3A, %dma_start3A_512] : memref<32x128xi32, #tpu.memory_space<hbm>> -> memref<1x48xi32, #tpu.memory_space<hbm>>
      %dma_start3A_514 = tpu.memref_squeeze %dma_start3A_513 : memref<1x48xi32, #tpu.memory_space<hbm>> -> memref<48xi32, #tpu.memory_space<hbm>>
      tpu.enqueue_dma source(%dma_start3A_514 : memref<48xi32, #tpu.memory_space<hbm>>) target(%arg6 : memref<48xi32, #tpu.memory_space<vmem>>) target_semaphore(%run_scoped3A : memref<!tpu.dma_semaphore, #tpu.memory_space<semaphore_mem>>)
      %dma_wait3A_515 = arith.constant 0 : i32
      %dma_wait3A_516 = tpu.memref_slice %arg2[%add3A, %dma_wait3A_515] : memref<32x128xi32, #tpu.memory_space<hbm>> -> memref<1x48xi32, #tpu.memory_space<hbm>>
      %dma_wait3A_517 = tpu.memref_squeeze %dma_wait3A_516 : memref<1x48xi32, #tpu.memory_space<hbm>> -> memref<48xi32, #tpu.memory_space<hbm>>
      %dma_wait3A_518 = arith.constant 0 : i32
      %dma_wait3A_519 = tpu.memref_slice %arg2[%add3A, %dma_wait3A_518] : memref<32x128xi32, #tpu.memory_space<hbm>> -> memref<1x48xi32, #tpu.memory_space<hbm>>
      %dma_wait3A_520 = tpu.memref_squeeze %dma_wait3A_519 : memref<1x48xi32, #tpu.memory_space<hbm>> -> memref<48xi32, #tpu.memory_space<hbm>>
      tpu.wait_dma2 semaphore(%run_scoped3A : memref<!tpu.dma_semaphore, #tpu.memory_space<semaphore_mem>>) src(%dma_wait3A_520 : memref<48xi32, #tpu.memory_space<hbm>>) dst(%arg6 : memref<48xi32, #tpu.memory_space<vmem>>)
      tpu.yield
    }) : () -> ()
    "tpu.region"() ({
      %run_scoped3A = tpu.sem_alloc : memref<!tpu.dma_semaphore, #tpu.memory_space<semaphore_mem>>
      %dma_start3A_509 = arith.constant 0 : i32
      %dma_start3A_510 = tpu.memref_slice %arg3[%add3A, %dma_start3A_509] : memref<32x128xf32, #tpu.memory_space<hbm>> -> memref<1x48xf32, #tpu.memory_space<hbm>>
      %dma_start3A_511 = tpu.memref_squeeze %dma_start3A_510 : memref<1x48xf32, #tpu.memory_space<hbm>> -> memref<48xf32, #tpu.memory_space<hbm>>
      %dma_start3A_512 = arith.constant 0 : i32
      %dma_start3A_513 = tpu.memref_slice %arg3[%add3A, %dma_start3A_512] : memref<32x128xf32, #tpu.memory_space<hbm>> -> memref<1x48xf32, #tpu.memory_space<hbm>>
      %dma_start3A_514 = tpu.memref_squeeze %dma_start3A_513 : memref<1x48xf32, #tpu.memory_space<hbm>> -> memref<48xf32, #tpu.memory_space<hbm>>
      tpu.enqueue_dma source(%dma_start3A_514 : memref<48xf32, #tpu.memory_space<hbm>>) target(%arg7 : memref<48xf32, #tpu.memory_space<vmem>>) target_semaphore(%run_scoped3A : memref<!tpu.dma_semaphore, #tpu.memory_space<semaphore_mem>>)
      %dma_wait3A_515 = arith.constant 0 : i32
      %dma_wait3A_516 = tpu.memref_slice %arg3[%add3A, %dma_wait3A_515] : memref<32x128xf32, #tpu.memory_space<hbm>> -> memref<1x48xf32, #tpu.memory_space<hbm>>
      %dma_wait3A_517 = tpu.memref_squeeze %dma_wait3A_516 : memref<1x48xf32, #tpu.memory_space<hbm>> -> memref<48xf32, #tpu.memory_space<hbm>>
      %dma_wait3A_518 = arith.constant 0 : i32
      %dma_wait3A_519 = tpu.memref_slice %arg3[%add3A, %dma_wait3A_518] : memref<32x128xf32, #tpu.memory_space<hbm>> -> memref<1x48xf32, #tpu.memory_space<hbm>>
      %dma_wait3A_520 = tpu.memref_squeeze %dma_wait3A_519 : memref<1x48xf32, #tpu.memory_space<hbm>> -> memref<48xf32, #tpu.memory_space<hbm>>
      tpu.wait_dma2 semaphore(%run_scoped3A : memref<!tpu.dma_semaphore, #tpu.memory_space<semaphore_mem>>) src(%dma_wait3A_520 : memref<48xf32, #tpu.memory_space<hbm>>) dst(%arg7 : memref<48xf32, #tpu.memory_space<vmem>>)
      tpu.yield
    }) : () -> ()
    %get3A = arith.constant 0 : index
    %get3A_1 = tpu.vector_load %arg6[%get3A] {strides = array<i32>} : memref<48xi32, #tpu.memory_space<vmem>>, vector<16xi32>,
    %get3A_2 = vector.shape_cast %get3A_1 : vector<16xi32> to vector<16xi32>
    %dma_start3A = arith.constant 0 : i32
    %dma_start3A_3 = arith.constant 0 : i32
    %dma_start3A_4 = tpu.memref_slice %arg4[%dma_start3A, %dma_start3A_3] : memref<16384x512xf32, #tpu.memory_space<hbm>> -> memref<16384x512xf32, #tpu.memory_space<hbm>>
    tpu.enqueue_indirect_dma source(%dma_start3A_4 : memref<16384x512xf32, #tpu.memory_space<hbm>>) target(%arg8 : memref<16x512xf32, #tpu.memory_space<vmem>>) offsets(%get3A_2 : vector<16xi32>) semaphore(%arg14 : memref<!tpu.dma_semaphore, #tpu.memory_space<semaphore_mem>>)
    %get3A_5 = arith.constant 16 : index
    %get3A_6 = tpu.vector_load %arg6[%get3A_5] {strides = array<i32>} : memref<48xi32, #tpu.memory_space<vmem>>, vector<16xi32>,
    %get3A_7 = vector.shape_cast %get3A_6 : vector<16xi32> to vector<16xi32>
    %dma_start3A_8 = arith.constant 0 : i32
    %dma_start3A_9 = arith.constant 0 : i32
    %dma_start3A_10 = tpu.memref_slice %arg4[%dma_start3A_8, %dma_start3A_9] : memref<16384x512xf32, #tpu.memory_space<hbm>> -> memref<16384x512xf32, #tpu.memory_space<hbm>>
    tpu.enqueue_indirect_dma source(%dma_start3A_10 : memref<16384x512xf32, #tpu.memory_space<hbm>>) target(%arg9 : memref<16x512xf32, #tpu.memory_space<vmem>>) offsets(%get3A_7 : vector<16xi32>) semaphore(%arg15 : memref<!tpu.dma_semaphore, #tpu.memory_space<semaphore_mem>>)
    %get3A_11 = arith.constant 32 : index
    %get3A_12 = tpu.vector_load %arg6[%get3A_11] {strides = array<i32>} : memref<48xi32, #tpu.memory_space<vmem>>, vector<16xi32>,
    %get3A_13 = vector.shape_cast %get3A_12 : vector<16xi32> to vector<16xi32>
    %dma_start3A_14 = arith.constant 0 : i32
    %dma_start3A_15 = arith.constant 0 : i32
    %dma_start3A_16 = tpu.memref_slice %arg4[%dma_start3A_14, %dma_start3A_15] : memref<16384x512xf32, #tpu.memory_space<hbm>> -> memref<16384x512xf32, #tpu.memory_space<hbm>>
    tpu.enqueue_indirect_dma source(%dma_start3A_16 : memref<16384x512xf32, #tpu.memory_space<hbm>>) target(%arg10 : memref<16x512xf32, #tpu.memory_space<vmem>>) offsets(%get3A_13 : vector<16xi32>) semaphore(%arg16 : memref<!tpu.dma_semaphore, #tpu.memory_space<semaphore_mem>>)
    %broadcast_in_dim3A = arith.constant 0.000000e+00 : f32
    %broadcast_in_dim3A_17 = vector.broadcast %broadcast_in_dim3A : f32 to vector<16xf32>
    %swap3A = arith.constant 0 : index
    %swap3A_18 = tpu.vector_load %arg11[%swap3A] {strides = array<i32>} : memref<512xf32, #tpu.memory_space<vmem>>, vector<16xf32>,
    %swap3A_19 = vector.shape_cast %swap3A_18 : vector<16xf32> to vector<16xf32>
    %swap3A_20 = vector.shape_cast %broadcast_in_dim3A_17 : vector<16xf32> to vector<16xf32>
    tpu.vector_store %arg11[%swap3A], %swap3A_20 {strides = array<i32>} : memref<512xf32, #tpu.memory_space<vmem>>, vector<16xf32>,
    %swap3A_21 = arith.constant 0 : index
    %swap3A_22 = tpu.vector_load %arg12[%swap3A_21] {strides = array<i32>} : memref<512xf32, #tpu.memory_space<vmem>>, vector<16xf32>,
    %swap3A_23 = vector.shape_cast %swap3A_22 : vector<16xf32> to vector<16xf32>
    %swap3A_24 = vector.shape_cast %broadcast_in_dim3A_17 : vector<16xf32> to vector<16xf32>
    tpu.vector_store %arg12[%swap3A_21], %swap3A_24 {strides = array<i32>} : memref<512xf32, #tpu.memory_space<vmem>>, vector<16xf32>,
    %swap3A_25 = arith.constant 16 : index
    %swap3A_26 = tpu.vector_load %arg11[%swap3A_25] {strides = array<i32>} : memref<512xf32, #tpu.memory_space<vmem>>, vector<16xf32>,
    %swap3A_27 = vector.shape_cast %swap3A_26 : vector<16xf32> to vector<16xf32>
    %swap3A_28 = vector.shape_cast %broadcast_in_dim3A_17 : vector<16xf32> to vector<16xf32>
    tpu.vector_store %arg11[%swap3A_25], %swap3A_28 {strides = array<i32>} : memref<512xf32, #tpu.memory_space<vmem>>, vector<16xf32>,
    %swap3A_29 = arith.constant 16 : index
    %swap3A_30 = tpu.vector_load %arg12[%swap3A_29] {strides = array<i32>} : memref<512xf32, #tpu.memory_space<vmem>>, vector<16xf32>,
    %swap3A_31 = vector.shape_cast %swap3A_30 : vector<16xf32> to vector<16xf32>
    %swap3A_32 = vector.shape_cast %broadcast_in_dim3A_17 : vector<16xf32> to vector<16xf32>
    tpu.vector_store %arg12[%swap3A_29], %swap3A_32 {strides = array<i32>} : memref<512xf32, #tpu.memory_space<vmem>>, vector<16xf32>,
    %swap3A_33 = arith.constant 32 : index
    %swap3A_34 = tpu.vector_load %arg11[%swap3A_33] {strides = array<i32>} : memref<512xf32, #tpu.memory_space<vmem>>, vector<16xf32>,
    %swap3A_35 = vector.shape_cast %swap3A_34 : vector<16xf32> to vector<16xf32>
    %swap3A_36 = vector.shape_cast %broadcast_in_dim3A_17 : vector<16xf32> to vector<16xf32>
    tpu.vector_store %arg11[%swap3A_33], %swap3A_36 {strides = array<i32>} : memref<512xf32, #tpu.memory_space<vmem>>, vector<16xf32>,
    %swap3A_37 = arith.constant 32 : index
    %swap3A_38 = tpu.vector_load %arg12[%swap3A_37] {strides = array<i32>} : memref<512xf32, #tpu.memory_space<vmem>>, vector<16xf32>,
    %swap3A_39 = vector.shape_cast %swap3A_38 : vector<16xf32> to vector<16xf32>
    %swap3A_40 = vector.shape_cast %broadcast_in_dim3A_17 : vector<16xf32> to vector<16xf32>
    tpu.vector_store %arg12[%swap3A_37], %swap3A_40 {strides = array<i32>} : memref<512xf32, #tpu.memory_space<vmem>>, vector<16xf32>,
    %swap3A_41 = arith.constant 48 : index
    %swap3A_42 = tpu.vector_load %arg11[%swap3A_41] {strides = array<i32>} : memref<512xf32, #tpu.memory_space<vmem>>, vector<16xf32>,
    %swap3A_43 = vector.shape_cast %swap3A_42 : vector<16xf32> to vector<16xf32>
    %swap3A_44 = vector.shape_cast %broadcast_in_dim3A_17 : vector<16xf32> to vector<16xf32>
    tpu.vector_store %arg11[%swap3A_41], %swap3A_44 {strides = array<i32>} : memref<512xf32, #tpu.memory_space<vmem>>, vector<16xf32>,
    %swap3A_45 = arith.constant 48 : index
    %swap3A_46 = tpu.vector_load %arg12[%swap3A_45] {strides = array<i32>} : memref<512xf32, #tpu.memory_space<vmem>>, vector<16xf32>,
    %swap3A_47 = vector.shape_cast %swap3A_46 : vector<16xf32> to vector<16xf32>
    %swap3A_48 = vector.shape_cast %broadcast_in_dim3A_17 : vector<16xf32> to vector<16xf32>
    tpu.vector_store %arg12[%swap3A_45], %swap3A_48 {strides = array<i32>} : memref<512xf32, #tpu.memory_space<vmem>>, vector<16xf32>,
    %swap3A_49 = arith.constant 64 : index
    %swap3A_50 = tpu.vector_load %arg11[%swap3A_49] {strides = array<i32>} : memref<512xf32, #tpu.memory_space<vmem>>, vector<16xf32>,
    %swap3A_51 = vector.shape_cast %swap3A_50 : vector<16xf32> to vector<16xf32>
    %swap3A_52 = vector.shape_cast %broadcast_in_dim3A_17 : vector<16xf32> to vector<16xf32>
    tpu.vector_store %arg11[%swap3A_49], %swap3A_52 {strides = array<i32>} : memref<512xf32, #tpu.memory_space<vmem>>, vector<16xf32>,
    %swap3A_53 = arith.constant 64 : index
    %swap3A_54 = tpu.vector_load %arg12[%swap3A_53] {strides = array<i32>} : memref<512xf32, #tpu.memory_space<vmem>>, vector<16xf32>,
    %swap3A_55 = vector.shape_cast %swap3A_54 : vector<16xf32> to vector<16xf32>
    %swap3A_56 = vector.shape_cast %broadcast_in_dim3A_17 : vector<16xf32> to vector<16xf32>
    tpu.vector_store %arg12[%swap3A_53], %swap3A_56 {strides = array<i32>} : memref<512xf32, #tpu.memory_space<vmem>>, vector<16xf32>,
    %swap3A_57 = arith.constant 80 : index
    %swap3A_58 = tpu.vector_load %arg11[%swap3A_57] {strides = array<i32>} : memref<512xf32, #tpu.memory_space<vmem>>, vector<16xf32>,
    %swap3A_59 = vector.shape_cast %swap3A_58 : vector<16xf32> to vector<16xf32>
    %swap3A_60 = vector.shape_cast %broadcast_in_dim3A_17 : vector<16xf32> to vector<16xf32>
    tpu.vector_store %arg11[%swap3A_57], %swap3A_60 {strides = array<i32>} : memref<512xf32, #tpu.memory_space<vmem>>, vector<16xf32>,
    %swap3A_61 = arith.constant 80 : index
    %swap3A_62 = tpu.vector_load %arg12[%swap3A_61] {strides = array<i32>} : memref<512xf32, #tpu.memory_space<vmem>>, vector<16xf32>,
    %swap3A_63 = vector.shape_cast %swap3A_62 : vector<16xf32> to vector<16xf32>
    %swap3A_64 = vector.shape_cast %broadcast_in_dim3A_17 : vector<16xf32> to vector<16xf32>
    tpu.vector_store %arg12[%swap3A_61], %swap3A_64 {strides = array<i32>} : memref<512xf32, #tpu.memory_space<vmem>>, vector<16xf32>,
    %swap3A_65 = arith.constant 96 : index
    %swap3A_66 = tpu.vector_load %arg11[%swap3A_65] {strides = array<i32>} : memref<512xf32, #tpu.memory_space<vmem>>, vector<16xf32>,
    %swap3A_67 = vector.shape_cast %swap3A_66 : vector<16xf32> to vector<16xf32>
    %swap3A_68 = vector.shape_cast %broadcast_in_dim3A_17 : vector<16xf32> to vector<16xf32>
    tpu.vector_store %arg11[%swap3A_65], %swap3A_68 {strides = array<i32>} : memref<512xf32, #tpu.memory_space<vmem>>, vector<16xf32>,
    %swap3A_69 = arith.constant 96 : index
    %swap3A_70 = tpu.vector_load %arg12[%swap3A_69] {strides = array<i32>} : memref<512xf32, #tpu.memory_space<vmem>>, vector<16xf32>,
    %swap3A_71 = vector.shape_cast %swap3A_70 : vector<16xf32> to vector<16xf32>
    %swap3A_72 = vector.shape_cast %broadcast_in_dim3A_17 : vector<16xf32> to vector<16xf32>
    tpu.vector_store %arg12[%swap3A_69], %swap3A_72 {strides = array<i32>} : memref<512xf32, #tpu.memory_space<vmem>>, vector<16xf32>,
    %swap3A_73 = arith.constant 112 : index
    %swap3A_74 = tpu.vector_load %arg11[%swap3A_73] {strides = array<i32>} : memref<512xf32, #tpu.memory_space<vmem>>, vector<16xf32>,
    %swap3A_75 = vector.shape_cast %swap3A_74 : vector<16xf32> to vector<16xf32>
    %swap3A_76 = vector.shape_cast %broadcast_in_dim3A_17 : vector<16xf32> to vector<16xf32>
    tpu.vector_store %arg11[%swap3A_73], %swap3A_76 {strides = array<i32>} : memref<512xf32, #tpu.memory_space<vmem>>, vector<16xf32>,
    %swap3A_77 = arith.constant 112 : index
    %swap3A_78 = tpu.vector_load %arg12[%swap3A_77] {strides = array<i32>} : memref<512xf32, #tpu.memory_space<vmem>>, vector<16xf32>,
    %swap3A_79 = vector.shape_cast %swap3A_78 : vector<16xf32> to vector<16xf32>
    %swap3A_80 = vector.shape_cast %broadcast_in_dim3A_17 : vector<16xf32> to vector<16xf32>
    tpu.vector_store %arg12[%swap3A_77], %swap3A_80 {strides = array<i32>} : memref<512xf32, #tpu.memory_space<vmem>>, vector<16xf32>,
    %swap3A_81 = arith.constant 128 : index
    %swap3A_82 = tpu.vector_load %arg11[%swap3A_81] {strides = array<i32>} : memref<512xf32, #tpu.memory_space<vmem>>, vector<16xf32>,
    %swap3A_83 = vector.shape_cast %swap3A_82 : vector<16xf32> to vector<16xf32>
    %swap3A_84 = vector.shape_cast %broadcast_in_dim3A_17 : vector<16xf32> to vector<16xf32>
    tpu.vector_store %arg11[%swap3A_81], %swap3A_84 {strides = array<i32>} : memref<512xf32, #tpu.memory_space<vmem>>, vector<16xf32>,
    %swap3A_85 = arith.constant 128 : index
    %swap3A_86 = tpu.vector_load %arg12[%swap3A_85] {strides = array<i32>} : memref<512xf32, #tpu.memory_space<vmem>>, vector<16xf32>,
    %swap3A_87 = vector.shape_cast %swap3A_86 : vector<16xf32> to vector<16xf32>
    %swap3A_88 = vector.shape_cast %broadcast_in_dim3A_17 : vector<16xf32> to vector<16xf32>
    tpu.vector_store %arg12[%swap3A_85], %swap3A_88 {strides = array<i32>} : memref<512xf32, #tpu.memory_space<vmem>>, vector<16xf32>,
    %swap3A_89 = arith.constant 144 : index
    %swap3A_90 = tpu.vector_load %arg11[%swap3A_89] {strides = array<i32>} : memref<512xf32, #tpu.memory_space<vmem>>, vector<16xf32>,
    %swap3A_91 = vector.shape_cast %swap3A_90 : vector<16xf32> to vector<16xf32>
    %swap3A_92 = vector.shape_cast %broadcast_in_dim3A_17 : vector<16xf32> to vector<16xf32>
    tpu.vector_store %arg11[%swap3A_89], %swap3A_92 {strides = array<i32>} : memref<512xf32, #tpu.memory_space<vmem>>, vector<16xf32>,
    %swap3A_93 = arith.constant 144 : index
    %swap3A_94 = tpu.vector_load %arg12[%swap3A_93] {strides = array<i32>} : memref<512xf32, #tpu.memory_space<vmem>>, vector<16xf32>,
    %swap3A_95 = vector.shape_cast %swap3A_94 : vector<16xf32> to vector<16xf32>
    %swap3A_96 = vector.shape_cast %broadcast_in_dim3A_17 : vector<16xf32> to vector<16xf32>
    tpu.vector_store %arg12[%swap3A_93], %swap3A_96 {strides = array<i32>} : memref<512xf32, #tpu.memory_space<vmem>>, vector<16xf32>,
    %swap3A_97 = arith.constant 160 : index
    %swap3A_98 = tpu.vector_load %arg11[%swap3A_97] {strides = array<i32>} : memref<512xf32, #tpu.memory_space<vmem>>, vector<16xf32>,
    %swap3A_99 = vector.shape_cast %swap3A_98 : vector<16xf32> to vector<16xf32>
    %swap3A_100 = vector.shape_cast %broadcast_in_dim3A_17 : vector<16xf32> to vector<16xf32>
    tpu.vector_store %arg11[%swap3A_97], %swap3A_100 {strides = array<i32>} : memref<512xf32, #tpu.memory_space<vmem>>, vector<16xf32>,
    %swap3A_101 = arith.constant 160 : index
    %swap3A_102 = tpu.vector_load %arg12[%swap3A_101] {strides = array<i32>} : memref<512xf32, #tpu.memory_space<vmem>>, vector<16xf32>,
    %swap3A_103 = vector.shape_cast %swap3A_102 : vector<16xf32> to vector<16xf32>
    %swap3A_104 = vector.shape_cast %broadcast_in_dim3A_17 : vector<16xf32> to vector<16xf32>
    tpu.vector_store %arg12[%swap3A_101], %swap3A_104 {strides = array<i32>} : memref<512xf32, #tpu.memory_space<vmem>>, vector<16xf32>,
    %swap3A_105 = arith.constant 176 : index
    %swap3A_106 = tpu.vector_load %arg11[%swap3A_105] {strides = array<i32>} : memref<512xf32, #tpu.memory_space<vmem>>, vector<16xf32>,
    %swap3A_107 = vector.shape_cast %swap3A_106 : vector<16xf32> to vector<16xf32>
    %swap3A_108 = vector.shape_cast %broadcast_in_dim3A_17 : vector<16xf32> to vector<16xf32>
    tpu.vector_store %arg11[%swap3A_105], %swap3A_108 {strides = array<i32>} : memref<512xf32, #tpu.memory_space<vmem>>, vector<16xf32>,
    %swap3A_109 = arith.constant 176 : index
    %swap3A_110 = tpu.vector_load %arg12[%swap3A_109] {strides = array<i32>} : memref<512xf32, #tpu.memory_space<vmem>>, vector<16xf32>,
    %swap3A_111 = vector.shape_cast %swap3A_110 : vector<16xf32> to vector<16xf32>
    %swap3A_112 = vector.shape_cast %broadcast_in_dim3A_17 : vector<16xf32> to vector<16xf32>
    tpu.vector_store %arg12[%swap3A_109], %swap3A_112 {strides = array<i32>} : memref<512xf32, #tpu.memory_space<vmem>>, vector<16xf32>,
    %swap3A_113 = arith.constant 192 : index
    %swap3A_114 = tpu.vector_load %arg11[%swap3A_113] {strides = array<i32>} : memref<512xf32, #tpu.memory_space<vmem>>, vector<16xf32>,
    %swap3A_115 = vector.shape_cast %swap3A_114 : vector<16xf32> to vector<16xf32>
    %swap3A_116 = vector.shape_cast %broadcast_in_dim3A_17 : vector<16xf32> to vector<16xf32>
    tpu.vector_store %arg11[%swap3A_113], %swap3A_116 {strides = array<i32>} : memref<512xf32, #tpu.memory_space<vmem>>, vector<16xf32>,
    %swap3A_117 = arith.constant 192 : index
    %swap3A_118 = tpu.vector_load %arg12[%swap3A_117] {strides = array<i32>} : memref<512xf32, #tpu.memory_space<vmem>>, vector<16xf32>,
    %swap3A_119 = vector.shape_cast %swap3A_118 : vector<16xf32> to vector<16xf32>
    %swap3A_120 = vector.shape_cast %broadcast_in_dim3A_17 : vector<16xf32> to vector<16xf32>
    tpu.vector_store %arg12[%swap3A_117], %swap3A_120 {strides = array<i32>} : memref<512xf32, #tpu.memory_space<vmem>>, vector<16xf32>,
    %swap3A_121 = arith.constant 208 : index
    %swap3A_122 = tpu.vector_load %arg11[%swap3A_121] {strides = array<i32>} : memref<512xf32, #tpu.memory_space<vmem>>, vector<16xf32>,
    %swap3A_123 = vector.shape_cast %swap3A_122 : vector<16xf32> to vector<16xf32>
    %swap3A_124 = vector.shape_cast %broadcast_in_dim3A_17 : vector<16xf32> to vector<16xf32>
    tpu.vector_store %arg11[%swap3A_121], %swap3A_124 {strides = array<i32>} : memref<512xf32, #tpu.memory_space<vmem>>, vector<16xf32>,
    %swap3A_125 = arith.constant 208 : index
    %swap3A_126 = tpu.vector_load %arg12[%swap3A_125] {strides = array<i32>} : memref<512xf32, #tpu.memory_space<vmem>>, vector<16xf32>,
    %swap3A_127 = vector.shape_cast %swap3A_126 : vector<16xf32> to vector<16xf32>
    %swap3A_128 = vector.shape_cast %broadcast_in_dim3A_17 : vector<16xf32> to vector<16xf32>
    tpu.vector_store %arg12[%swap3A_125], %swap3A_128 {strides = array<i32>} : memref<512xf32, #tpu.memory_space<vmem>>, vector<16xf32>,
    %swap3A_129 = arith.constant 224 : index
    %swap3A_130 = tpu.vector_load %arg11[%swap3A_129] {strides = array<i32>} : memref<512xf32, #tpu.memory_space<vmem>>, vector<16xf32>,
    %swap3A_131 = vector.shape_cast %swap3A_130 : vector<16xf32> to vector<16xf32>
    %swap3A_132 = vector.shape_cast %broadcast_in_dim3A_17 : vector<16xf32> to vector<16xf32>
    tpu.vector_store %arg11[%swap3A_129], %swap3A_132 {strides = array<i32>} : memref<512xf32, #tpu.memory_space<vmem>>, vector<16xf32>,
    %swap3A_133 = arith.constant 224 : index
    %swap3A_134 = tpu.vector_load %arg12[%swap3A_133] {strides = array<i32>} : memref<512xf32, #tpu.memory_space<vmem>>, vector<16xf32>,
    %swap3A_135 = vector.shape_cast %swap3A_134 : vector<16xf32> to vector<16xf32>
    %swap3A_136 = vector.shape_cast %broadcast_in_dim3A_17 : vector<16xf32> to vector<16xf32>
    tpu.vector_store %arg12[%swap3A_133], %swap3A_136 {strides = array<i32>} : memref<512xf32, #tpu.memory_space<vmem>>, vector<16xf32>,
    %swap3A_137 = arith.constant 240 : index
    %swap3A_138 = tpu.vector_load %arg11[%swap3A_137] {strides = array<i32>} : memref<512xf32, #tpu.memory_space<vmem>>, vector<16xf32>,
    %swap3A_139 = vector.shape_cast %swap3A_138 : vector<16xf32> to vector<16xf32>
    %swap3A_140 = vector.shape_cast %broadcast_in_dim3A_17 : vector<16xf32> to vector<16xf32>
    tpu.vector_store %arg11[%swap3A_137], %swap3A_140 {strides = array<i32>} : memref<512xf32, #tpu.memory_space<vmem>>, vector<16xf32>,
    %swap3A_141 = arith.constant 240 : index
    %swap3A_142 = tpu.vector_load %arg12[%swap3A_141] {strides = array<i32>} : memref<512xf32, #tpu.memory_space<vmem>>, vector<16xf32>,
    %swap3A_143 = vector.shape_cast %swap3A_142 : vector<16xf32> to vector<16xf32>
    %swap3A_144 = vector.shape_cast %broadcast_in_dim3A_17 : vector<16xf32> to vector<16xf32>
    tpu.vector_store %arg12[%swap3A_141], %swap3A_144 {strides = array<i32>} : memref<512xf32, #tpu.memory_space<vmem>>, vector<16xf32>,
    %swap3A_145 = arith.constant 256 : index
    %swap3A_146 = tpu.vector_load %arg11[%swap3A_145] {strides = array<i32>} : memref<512xf32, #tpu.memory_space<vmem>>, vector<16xf32>,
    %swap3A_147 = vector.shape_cast %swap3A_146 : vector<16xf32> to vector<16xf32>
    %swap3A_148 = vector.shape_cast %broadcast_in_dim3A_17 : vector<16xf32> to vector<16xf32>
    tpu.vector_store %arg11[%swap3A_145], %swap3A_148 {strides = array<i32>} : memref<512xf32, #tpu.memory_space<vmem>>, vector<16xf32>,
    %swap3A_149 = arith.constant 256 : index
    %swap3A_150 = tpu.vector_load %arg12[%swap3A_149] {strides = array<i32>} : memref<512xf32, #tpu.memory_space<vmem>>, vector<16xf32>,
    %swap3A_151 = vector.shape_cast %swap3A_150 : vector<16xf32> to vector<16xf32>
    %swap3A_152 = vector.shape_cast %broadcast_in_dim3A_17 : vector<16xf32> to vector<16xf32>
    tpu.vector_store %arg12[%swap3A_149], %swap3A_152 {strides = array<i32>} : memref<512xf32, #tpu.memory_space<vmem>>, vector<16xf32>,
    %swap3A_153 = arith.constant 272 : index
    %swap3A_154 = tpu.vector_load %arg11[%swap3A_153] {strides = array<i32>} : memref<512xf32, #tpu.memory_space<vmem>>, vector<16xf32>,
    %swap3A_155 = vector.shape_cast %swap3A_154 : vector<16xf32> to vector<16xf32>
    %swap3A_156 = vector.shape_cast %broadcast_in_dim3A_17 : vector<16xf32> to vector<16xf32>
    tpu.vector_store %arg11[%swap3A_153], %swap3A_156 {strides = array<i32>} : memref<512xf32, #tpu.memory_space<vmem>>, vector<16xf32>,
    %swap3A_157 = arith.constant 272 : index
    %swap3A_158 = tpu.vector_load %arg12[%swap3A_157] {strides = array<i32>} : memref<512xf32, #tpu.memory_space<vmem>>, vector<16xf32>,
    %swap3A_159 = vector.shape_cast %swap3A_158 : vector<16xf32> to vector<16xf32>
    %swap3A_160 = vector.shape_cast %broadcast_in_dim3A_17 : vector<16xf32> to vector<16xf32>
    tpu.vector_store %arg12[%swap3A_157], %swap3A_160 {strides = array<i32>} : memref<512xf32, #tpu.memory_space<vmem>>, vector<16xf32>,
    %swap3A_161 = arith.constant 288 : index
    %swap3A_162 = tpu.vector_load %arg11[%swap3A_161] {strides = array<i32>} : memref<512xf32, #tpu.memory_space<vmem>>, vector<16xf32>,
    %swap3A_163 = vector.shape_cast %swap3A_162 : vector<16xf32> to vector<16xf32>
    %swap3A_164 = vector.shape_cast %broadcast_in_dim3A_17 : vector<16xf32> to vector<16xf32>
    tpu.vector_store %arg11[%swap3A_161], %swap3A_164 {strides = array<i32>} : memref<512xf32, #tpu.memory_space<vmem>>, vector<16xf32>,
    %swap3A_165 = arith.constant 288 : index
    %swap3A_166 = tpu.vector_load %arg12[%swap3A_165] {strides = array<i32>} : memref<512xf32, #tpu.memory_space<vmem>>, vector<16xf32>,
    %swap3A_167 = vector.shape_cast %swap3A_166 : vector<16xf32> to vector<16xf32>
    %swap3A_168 = vector.shape_cast %broadcast_in_dim3A_17 : vector<16xf32> to vector<16xf32>
    tpu.vector_store %arg12[%swap3A_165], %swap3A_168 {strides = array<i32>} : memref<512xf32, #tpu.memory_space<vmem>>, vector<16xf32>,
    %swap3A_169 = arith.constant 304 : index
    %swap3A_170 = tpu.vector_load %arg11[%swap3A_169] {strides = array<i32>} : memref<512xf32, #tpu.memory_space<vmem>>, vector<16xf32>,
    %swap3A_171 = vector.shape_cast %swap3A_170 : vector<16xf32> to vector<16xf32>
    %swap3A_172 = vector.shape_cast %broadcast_in_dim3A_17 : vector<16xf32> to vector<16xf32>
    tpu.vector_store %arg11[%swap3A_169], %swap3A_172 {strides = array<i32>} : memref<512xf32, #tpu.memory_space<vmem>>, vector<16xf32>,
    %swap3A_173 = arith.constant 304 : index
    %swap3A_174 = tpu.vector_load %arg12[%swap3A_173] {strides = array<i32>} : memref<512xf32, #tpu.memory_space<vmem>>, vector<16xf32>,
    %swap3A_175 = vector.shape_cast %swap3A_174 : vector<16xf32> to vector<16xf32>
    %swap3A_176 = vector.shape_cast %broadcast_in_dim3A_17 : vector<16xf32> to vector<16xf32>
    tpu.vector_store %arg12[%swap3A_173], %swap3A_176 {strides = array<i32>} : memref<512xf32, #tpu.memory_space<vmem>>, vector<16xf32>,
    %swap3A_177 = arith.constant 320 : index
    %swap3A_178 = tpu.vector_load %arg11[%swap3A_177] {strides = array<i32>} : memref<512xf32, #tpu.memory_space<vmem>>, vector<16xf32>,
    %swap3A_179 = vector.shape_cast %swap3A_178 : vector<16xf32> to vector<16xf32>
    %swap3A_180 = vector.shape_cast %broadcast_in_dim3A_17 : vector<16xf32> to vector<16xf32>
    tpu.vector_store %arg11[%swap3A_177], %swap3A_180 {strides = array<i32>} : memref<512xf32, #tpu.memory_space<vmem>>, vector<16xf32>,
    %swap3A_181 = arith.constant 320 : index
    %swap3A_182 = tpu.vector_load %arg12[%swap3A_181] {strides = array<i32>} : memref<512xf32, #tpu.memory_space<vmem>>, vector<16xf32>,
    %swap3A_183 = vector.shape_cast %swap3A_182 : vector<16xf32> to vector<16xf32>
    %swap3A_184 = vector.shape_cast %broadcast_in_dim3A_17 : vector<16xf32> to vector<16xf32>
    tpu.vector_store %arg12[%swap3A_181], %swap3A_184 {strides = array<i32>} : memref<512xf32, #tpu.memory_space<vmem>>, vector<16xf32>,
    %swap3A_185 = arith.constant 336 : index
    %swap3A_186 = tpu.vector_load %arg11[%swap3A_185] {strides = array<i32>} : memref<512xf32, #tpu.memory_space<vmem>>, vector<16xf32>,
    %swap3A_187 = vector.shape_cast %swap3A_186 : vector<16xf32> to vector<16xf32>
    %swap3A_188 = vector.shape_cast %broadcast_in_dim3A_17 : vector<16xf32> to vector<16xf32>
    tpu.vector_store %arg11[%swap3A_185], %swap3A_188 {strides = array<i32>} : memref<512xf32, #tpu.memory_space<vmem>>, vector<16xf32>,
    %swap3A_189 = arith.constant 336 : index
    %swap3A_190 = tpu.vector_load %arg12[%swap3A_189] {strides = array<i32>} : memref<512xf32, #tpu.memory_space<vmem>>, vector<16xf32>,
    %swap3A_191 = vector.shape_cast %swap3A_190 : vector<16xf32> to vector<16xf32>
    %swap3A_192 = vector.shape_cast %broadcast_in_dim3A_17 : vector<16xf32> to vector<16xf32>
    tpu.vector_store %arg12[%swap3A_189], %swap3A_192 {strides = array<i32>} : memref<512xf32, #tpu.memory_space<vmem>>, vector<16xf32>,
    %swap3A_193 = arith.constant 352 : index
    %swap3A_194 = tpu.vector_load %arg11[%swap3A_193] {strides = array<i32>} : memref<512xf32, #tpu.memory_space<vmem>>, vector<16xf32>,
    %swap3A_195 = vector.shape_cast %swap3A_194 : vector<16xf32> to vector<16xf32>
    %swap3A_196 = vector.shape_cast %broadcast_in_dim3A_17 : vector<16xf32> to vector<16xf32>
    tpu.vector_store %arg11[%swap3A_193], %swap3A_196 {strides = array<i32>} : memref<512xf32, #tpu.memory_space<vmem>>, vector<16xf32>,
    %swap3A_197 = arith.constant 352 : index
    %swap3A_198 = tpu.vector_load %arg12[%swap3A_197] {strides = array<i32>} : memref<512xf32, #tpu.memory_space<vmem>>, vector<16xf32>,
    %swap3A_199 = vector.shape_cast %swap3A_198 : vector<16xf32> to vector<16xf32>
    %swap3A_200 = vector.shape_cast %broadcast_in_dim3A_17 : vector<16xf32> to vector<16xf32>
    tpu.vector_store %arg12[%swap3A_197], %swap3A_200 {strides = array<i32>} : memref<512xf32, #tpu.memory_space<vmem>>, vector<16xf32>,
    %swap3A_201 = arith.constant 368 : index
    %swap3A_202 = tpu.vector_load %arg11[%swap3A_201] {strides = array<i32>} : memref<512xf32, #tpu.memory_space<vmem>>, vector<16xf32>,
    %swap3A_203 = vector.shape_cast %swap3A_202 : vector<16xf32> to vector<16xf32>
    %swap3A_204 = vector.shape_cast %broadcast_in_dim3A_17 : vector<16xf32> to vector<16xf32>
    tpu.vector_store %arg11[%swap3A_201], %swap3A_204 {strides = array<i32>} : memref<512xf32, #tpu.memory_space<vmem>>, vector<16xf32>,
    %swap3A_205 = arith.constant 368 : index
    %swap3A_206 = tpu.vector_load %arg12[%swap3A_205] {strides = array<i32>} : memref<512xf32, #tpu.memory_space<vmem>>, vector<16xf32>,
    %swap3A_207 = vector.shape_cast %swap3A_206 : vector<16xf32> to vector<16xf32>
    %swap3A_208 = vector.shape_cast %broadcast_in_dim3A_17 : vector<16xf32> to vector<16xf32>
    tpu.vector_store %arg12[%swap3A_205], %swap3A_208 {strides = array<i32>} : memref<512xf32, #tpu.memory_space<vmem>>, vector<16xf32>,
    %swap3A_209 = arith.constant 384 : index
    %swap3A_210 = tpu.vector_load %arg11[%swap3A_209] {strides = array<i32>} : memref<512xf32, #tpu.memory_space<vmem>>, vector<16xf32>,
    %swap3A_211 = vector.shape_cast %swap3A_210 : vector<16xf32> to vector<16xf32>
    %swap3A_212 = vector.shape_cast %broadcast_in_dim3A_17 : vector<16xf32> to vector<16xf32>
    tpu.vector_store %arg11[%swap3A_209], %swap3A_212 {strides = array<i32>} : memref<512xf32, #tpu.memory_space<vmem>>, vector<16xf32>,
    %swap3A_213 = arith.constant 384 : index
    %swap3A_214 = tpu.vector_load %arg12[%swap3A_213] {strides = array<i32>} : memref<512xf32, #tpu.memory_space<vmem>>, vector<16xf32>,
    %swap3A_215 = vector.shape_cast %swap3A_214 : vector<16xf32> to vector<16xf32>
    %swap3A_216 = vector.shape_cast %broadcast_in_dim3A_17 : vector<16xf32> to vector<16xf32>
    tpu.vector_store %arg12[%swap3A_213], %swap3A_216 {strides = array<i32>} : memref<512xf32, #tpu.memory_space<vmem>>, vector<16xf32>,
    %swap3A_217 = arith.constant 400 : index
    %swap3A_218 = tpu.vector_load %arg11[%swap3A_217] {strides = array<i32>} : memref<512xf32, #tpu.memory_space<vmem>>, vector<16xf32>,
    %swap3A_219 = vector.shape_cast %swap3A_218 : vector<16xf32> to vector<16xf32>
    %swap3A_220 = vector.shape_cast %broadcast_in_dim3A_17 : vector<16xf32> to vector<16xf32>
    tpu.vector_store %arg11[%swap3A_217], %swap3A_220 {strides = array<i32>} : memref<512xf32, #tpu.memory_space<vmem>>, vector<16xf32>,
    %swap3A_221 = arith.constant 400 : index
    %swap3A_222 = tpu.vector_load %arg12[%swap3A_221] {strides = array<i32>} : memref<512xf32, #tpu.memory_space<vmem>>, vector<16xf32>,
    %swap3A_223 = vector.shape_cast %swap3A_222 : vector<16xf32> to vector<16xf32>
    %swap3A_224 = vector.shape_cast %broadcast_in_dim3A_17 : vector<16xf32> to vector<16xf32>
    tpu.vector_store %arg12[%swap3A_221], %swap3A_224 {strides = array<i32>} : memref<512xf32, #tpu.memory_space<vmem>>, vector<16xf32>,
    %swap3A_225 = arith.constant 416 : index
    %swap3A_226 = tpu.vector_load %arg11[%swap3A_225] {strides = array<i32>} : memref<512xf32, #tpu.memory_space<vmem>>, vector<16xf32>,
    %swap3A_227 = vector.shape_cast %swap3A_226 : vector<16xf32> to vector<16xf32>
    %swap3A_228 = vector.shape_cast %broadcast_in_dim3A_17 : vector<16xf32> to vector<16xf32>
    tpu.vector_store %arg11[%swap3A_225], %swap3A_228 {strides = array<i32>} : memref<512xf32, #tpu.memory_space<vmem>>, vector<16xf32>,
    %swap3A_229 = arith.constant 416 : index
    %swap3A_230 = tpu.vector_load %arg12[%swap3A_229] {strides = array<i32>} : memref<512xf32, #tpu.memory_space<vmem>>, vector<16xf32>,
    %swap3A_231 = vector.shape_cast %swap3A_230 : vector<16xf32> to vector<16xf32>
    %swap3A_232 = vector.shape_cast %broadcast_in_dim3A_17 : vector<16xf32> to vector<16xf32>
    tpu.vector_store %arg12[%swap3A_229], %swap3A_232 {strides = array<i32>} : memref<512xf32, #tpu.memory_space<vmem>>, vector<16xf32>,
    %swap3A_233 = arith.constant 432 : index
    %swap3A_234 = tpu.vector_load %arg11[%swap3A_233] {strides = array<i32>} : memref<512xf32, #tpu.memory_space<vmem>>, vector<16xf32>,
    %swap3A_235 = vector.shape_cast %swap3A_234 : vector<16xf32> to vector<16xf32>
    %swap3A_236 = vector.shape_cast %broadcast_in_dim3A_17 : vector<16xf32> to vector<16xf32>
    tpu.vector_store %arg11[%swap3A_233], %swap3A_236 {strides = array<i32>} : memref<512xf32, #tpu.memory_space<vmem>>, vector<16xf32>,
    %swap3A_237 = arith.constant 432 : index
    %swap3A_238 = tpu.vector_load %arg12[%swap3A_237] {strides = array<i32>} : memref<512xf32, #tpu.memory_space<vmem>>, vector<16xf32>,
    %swap3A_239 = vector.shape_cast %swap3A_238 : vector<16xf32> to vector<16xf32>
    %swap3A_240 = vector.shape_cast %broadcast_in_dim3A_17 : vector<16xf32> to vector<16xf32>
    tpu.vector_store %arg12[%swap3A_237], %swap3A_240 {strides = array<i32>} : memref<512xf32, #tpu.memory_space<vmem>>, vector<16xf32>,
    %swap3A_241 = arith.constant 448 : index
    %swap3A_242 = tpu.vector_load %arg11[%swap3A_241] {strides = array<i32>} : memref<512xf32, #tpu.memory_space<vmem>>, vector<16xf32>,
    %swap3A_243 = vector.shape_cast %swap3A_242 : vector<16xf32> to vector<16xf32>
    %swap3A_244 = vector.shape_cast %broadcast_in_dim3A_17 : vector<16xf32> to vector<16xf32>
    tpu.vector_store %arg11[%swap3A_241], %swap3A_244 {strides = array<i32>} : memref<512xf32, #tpu.memory_space<vmem>>, vector<16xf32>,
    %swap3A_245 = arith.constant 448 : index
    %swap3A_246 = tpu.vector_load %arg12[%swap3A_245] {strides = array<i32>} : memref<512xf32, #tpu.memory_space<vmem>>, vector<16xf32>,
    %swap3A_247 = vector.shape_cast %swap3A_246 : vector<16xf32> to vector<16xf32>
    %swap3A_248 = vector.shape_cast %broadcast_in_dim3A_17 : vector<16xf32> to vector<16xf32>
    tpu.vector_store %arg12[%swap3A_245], %swap3A_248 {strides = array<i32>} : memref<512xf32, #tpu.memory_space<vmem>>, vector<16xf32>,
    %swap3A_249 = arith.constant 464 : index
    %swap3A_250 = tpu.vector_load %arg11[%swap3A_249] {strides = array<i32>} : memref<512xf32, #tpu.memory_space<vmem>>, vector<16xf32>,
    %swap3A_251 = vector.shape_cast %swap3A_250 : vector<16xf32> to vector<16xf32>
    %swap3A_252 = vector.shape_cast %broadcast_in_dim3A_17 : vector<16xf32> to vector<16xf32>
    tpu.vector_store %arg11[%swap3A_249], %swap3A_252 {strides = array<i32>} : memref<512xf32, #tpu.memory_space<vmem>>, vector<16xf32>,
    %swap3A_253 = arith.constant 464 : index
    %swap3A_254 = tpu.vector_load %arg12[%swap3A_253] {strides = array<i32>} : memref<512xf32, #tpu.memory_space<vmem>>, vector<16xf32>,
    %swap3A_255 = vector.shape_cast %swap3A_254 : vector<16xf32> to vector<16xf32>
    %swap3A_256 = vector.shape_cast %broadcast_in_dim3A_17 : vector<16xf32> to vector<16xf32>
    tpu.vector_store %arg12[%swap3A_253], %swap3A_256 {strides = array<i32>} : memref<512xf32, #tpu.memory_space<vmem>>, vector<16xf32>,
    %swap3A_257 = arith.constant 480 : index
    %swap3A_258 = tpu.vector_load %arg11[%swap3A_257] {strides = array<i32>} : memref<512xf32, #tpu.memory_space<vmem>>, vector<16xf32>,
    %swap3A_259 = vector.shape_cast %swap3A_258 : vector<16xf32> to vector<16xf32>
    %swap3A_260 = vector.shape_cast %broadcast_in_dim3A_17 : vector<16xf32> to vector<16xf32>
    tpu.vector_store %arg11[%swap3A_257], %swap3A_260 {strides = array<i32>} : memref<512xf32, #tpu.memory_space<vmem>>, vector<16xf32>,
    %swap3A_261 = arith.constant 480 : index
    %swap3A_262 = tpu.vector_load %arg12[%swap3A_261] {strides = array<i32>} : memref<512xf32, #tpu.memory_space<vmem>>, vector<16xf32>,
    %swap3A_263 = vector.shape_cast %swap3A_262 : vector<16xf32> to vector<16xf32>
    %swap3A_264 = vector.shape_cast %broadcast_in_dim3A_17 : vector<16xf32> to vector<16xf32>
    tpu.vector_store %arg12[%swap3A_261], %swap3A_264 {strides = array<i32>} : memref<512xf32, #tpu.memory_space<vmem>>, vector<16xf32>,
    %swap3A_265 = arith.constant 496 : index
    %swap3A_266 = tpu.vector_load %arg11[%swap3A_265] {strides = array<i32>} : memref<512xf32, #tpu.memory_space<vmem>>, vector<16xf32>,
    %swap3A_267 = vector.shape_cast %swap3A_266 : vector<16xf32> to vector<16xf32>
    %swap3A_268 = vector.shape_cast %broadcast_in_dim3A_17 : vector<16xf32> to vector<16xf32>
    tpu.vector_store %arg11[%swap3A_265], %swap3A_268 {strides = array<i32>} : memref<512xf32, #tpu.memory_space<vmem>>, vector<16xf32>,
    %swap3A_269 = arith.constant 496 : index
    %swap3A_270 = tpu.vector_load %arg12[%swap3A_269] {strides = array<i32>} : memref<512xf32, #tpu.memory_space<vmem>>, vector<16xf32>,
    %swap3A_271 = vector.shape_cast %swap3A_270 : vector<16xf32> to vector<16xf32>
    %swap3A_272 = vector.shape_cast %broadcast_in_dim3A_17 : vector<16xf32> to vector<16xf32>
    tpu.vector_store %arg12[%swap3A_269], %swap3A_272 {strides = array<i32>} : memref<512xf32, #tpu.memory_space<vmem>>, vector<16xf32>,
    %broadcast_in_dim3A_273 = arith.constant 1.000000e+00 : f32
    %broadcast_in_dim3A_274 = vector.broadcast %broadcast_in_dim3A_273 : f32 to vector<16xf32>
    %dma_wait3A = arith.constant 0 : i32
    %dma_wait3A_275 = arith.constant 0 : i32
    %dma_wait3A_276 = tpu.memref_slice %arg4[%dma_wait3A, %dma_wait3A_275] : memref<16384x512xf32, #tpu.memory_space<hbm>> -> memref<16384x512xf32, #tpu.memory_space<hbm>>
    tpu.wait_indirect_dma semaphore(%arg14 : memref<!tpu.dma_semaphore, #tpu.memory_space<semaphore_mem>>) src(%dma_wait3A_276 : memref<16384x512xf32, #tpu.memory_space<hbm>>) dst(%arg8 : memref<16x512xf32, #tpu.memory_space<vmem>>)
    %get3A_277 = arith.constant 0 : index
    %get3A_278 = tpu.vector_load %arg7[%get3A_277] {strides = array<i32>} : memref<48xf32, #tpu.memory_space<vmem>>, vector<16xf32>,
    %get3A_279 = vector.shape_cast %get3A_278 : vector<16xf32> to vector<16xf32>
    %add3A_280 = arith.addf %broadcast_in_dim3A_17, %get3A_279 : vector<16xf32>
    %slice3A = vector.extract_strided_slice %get3A_279 {offsets = [0], sizes = [1], strides = [1]} : vector<16xf32> to vector<1xf32>
    %squeeze3A = vector.extract %slice3A[0] : f32 from vector<1xf32>
    %mul3A_281 = vector.broadcast %squeeze3A : f32 to vector<16xf32>
    %mul3A_282 = arith.mulf %mul3A_281, %broadcast_in_dim3A_274 : vector<16xf32>
    %slice3A_283 = vector.extract_strided_slice %get3A_279 {offsets = [1], sizes = [1], strides = [1]} : vector<16xf32> to vector<1xf32>
    %squeeze3A_284 = vector.extract %slice3A_283[0] : f32 from vector<1xf32>
    %mul3A_285 = vector.broadcast %squeeze3A_284 : f32 to vector<16xf32>
    %mul3A_286 = arith.mulf %mul3A_285, %broadcast_in_dim3A_274 : vector<16xf32>
    %slice3A_287 = vector.extract_strided_slice %get3A_279 {offsets = [2], sizes = [1], strides = [1]} : vector<16xf32> to vector<1xf32>
    %squeeze3A_288 = vector.extract %slice3A_287[0] : f32 from vector<1xf32>
    %mul3A_289 = vector.broadcast %squeeze3A_288 : f32 to vector<16xf32>
    %mul3A_290 = arith.mulf %mul3A_289, %broadcast_in_dim3A_274 : vector<16xf32>
    %slice3A_291 = vector.extract_strided_slice %get3A_279 {offsets = [3], sizes = [1], strides = [1]} : vector<16xf32> to vector<1xf32>
    %squeeze3A_292 = vector.extract %slice3A_291[0] : f32 from vector<1xf32>
    %mul3A_293 = vector.broadcast %squeeze3A_292 : f32 to vector<16xf32>
    %mul3A_294 = arith.mulf %mul3A_293, %broadcast_in_dim3A_274 : vector<16xf32>
    %slice3A_295 = vector.extract_strided_slice %get3A_279 {offsets = [4], sizes = [1], strides = [1]} : vector<16xf32> to vector<1xf32>
    %squeeze3A_296 = vector.extract %slice3A_295[0] : f32 from vector<1xf32>
    %mul3A_297 = vector.broadcast %squeeze3A_296 : f32 to vector<16xf32>
    %mul3A_298 = arith.mulf %mul3A_297, %broadcast_in_dim3A_274 : vector<16xf32>
    %slice3A_299 = vector.extract_strided_slice %get3A_279 {offsets = [5], sizes = [1], strides = [1]} : vector<16xf32> to vector<1xf32>
    %squeeze3A_300 = vector.extract %slice3A_299[0] : f32 from vector<1xf32>
    %mul3A_301 = vector.broadcast %squeeze3A_300 : f32 to vector<16xf32>
    %mul3A_302 = arith.mulf %mul3A_301, %broadcast_in_dim3A_274 : vector<16xf32>
    %slice3A_303 = vector.extract_strided_slice %get3A_279 {offsets = [6], sizes = [1], strides = [1]} : vector<16xf32> to vector<1xf32>
    %squeeze3A_304 = vector.extract %slice3A_303[0] : f32 from vector<1xf32>
    %mul3A_305 = vector.broadcast %squeeze3A_304 : f32 to vector<16xf32>
    %mul3A_306 = arith.mulf %mul3A_305, %broadcast_in_dim3A_274 : vector<16xf32>
    %slice3A_307 = vector.extract_strided_slice %get3A_279 {offsets = [7], sizes = [1], strides = [1]} : vector<16xf32> to vector<1xf32>
    %squeeze3A_308 = vector.extract %slice3A_307[0] : f32 from vector<1xf32>
    %mul3A_309 = vector.broadcast %squeeze3A_308 : f32 to vector<16xf32>
    %mul3A_310 = arith.mulf %mul3A_309, %broadcast_in_dim3A_274 : vector<16xf32>
    %slice3A_311 = vector.extract_strided_slice %get3A_279 {offsets = [8], sizes = [1], strides = [1]} : vector<16xf32> to vector<1xf32>
    %squeeze3A_312 = vector.extract %slice3A_311[0] : f32 from vector<1xf32>
    %mul3A_313 = vector.broadcast %squeeze3A_312 : f32 to vector<16xf32>
    %mul3A_314 = arith.mulf %mul3A_313, %broadcast_in_dim3A_274 : vector<16xf32>
    %slice3A_315 = vector.extract_strided_slice %get3A_279 {offsets = [9], sizes = [1], strides = [1]} : vector<16xf32> to vector<1xf32>
    %squeeze3A_316 = vector.extract %slice3A_315[0] : f32 from vector<1xf32>
    %mul3A_317 = vector.broadcast %squeeze3A_316 : f32 to vector<16xf32>
    %mul3A_318 = arith.mulf %mul3A_317, %broadcast_in_dim3A_274 : vector<16xf32>
    %slice3A_319 = vector.extract_strided_slice %get3A_279 {offsets = [10], sizes = [1], strides = [1]} : vector<16xf32> to vector<1xf32>
    %squeeze3A_320 = vector.extract %slice3A_319[0] : f32 from vector<1xf32>
    %mul3A_321 = vector.broadcast %squeeze3A_320 : f32 to vector<16xf32>
    %mul3A_322 = arith.mulf %mul3A_321, %broadcast_in_dim3A_274 : vector<16xf32>
    %slice3A_323 = vector.extract_strided_slice %get3A_279 {offsets = [11], sizes = [1], strides = [1]} : vector<16xf32> to vector<1xf32>
    %squeeze3A_324 = vector.extract %slice3A_323[0] : f32 from vector<1xf32>
    %mul3A_325 = vector.broadcast %squeeze3A_324 : f32 to vector<16xf32>
    %mul3A_326 = arith.mulf %mul3A_325, %broadcast_in_dim3A_274 : vector<16xf32>
    %slice3A_327 = vector.extract_strided_slice %get3A_279 {offsets = [12], sizes = [1], strides = [1]} : vector<16xf32> to vector<1xf32>
    %squeeze3A_328 = vector.extract %slice3A_327[0] : f32 from vector<1xf32>
    %mul3A_329 = vector.broadcast %squeeze3A_328 : f32 to vector<16xf32>
    %mul3A_330 = arith.mulf %mul3A_329, %broadcast_in_dim3A_274 : vector<16xf32>
    %slice3A_331 = vector.extract_strided_slice %get3A_279 {offsets = [13], sizes = [1], strides = [1]} : vector<16xf32> to vector<1xf32>
    %squeeze3A_332 = vector.extract %slice3A_331[0] : f32 from vector<1xf32>
    %mul3A_333 = vector.broadcast %squeeze3A_332 : f32 to vector<16xf32>
    %mul3A_334 = arith.mulf %mul3A_333, %broadcast_in_dim3A_274 : vector<16xf32>
    %slice3A_335 = vector.extract_strided_slice %get3A_279 {offsets = [14], sizes = [1], strides = [1]} : vector<16xf32> to vector<1xf32>
    %squeeze3A_336 = vector.extract %slice3A_335[0] : f32 from vector<1xf32>
    %mul3A_337 = vector.broadcast %squeeze3A_336 : f32 to vector<16xf32>
    %mul3A_338 = arith.mulf %mul3A_337, %broadcast_in_dim3A_274 : vector<16xf32>
    %slice3A_339 = vector.extract_strided_slice %get3A_279 {offsets = [15], sizes = [1], strides = [1]} : vector<16xf32> to vector<1xf32>
    %squeeze3A_340 = vector.extract %slice3A_339[0] : f32 from vector<1xf32>
    %mul3A_341 = vector.broadcast %squeeze3A_340 : f32 to vector<16xf32>
    %mul3A_342 = arith.mulf %mul3A_341, %broadcast_in_dim3A_274 : vector<16xf32>
    %scan3A = arith.constant 0 : i32
    %scan3A_343 = arith.constant 0 : i32
    %scan3A_344 = arith.constant 32 : i32
    %scan3A_345 = arith.addi %scan3A_343, %scan3A_344 : i32
    %scan3A_346 = arith.constant 1 : i32
    %scan3A_347 = scf.for %scan3A_509 = %scan3A_343 to %scan3A_345 step %scan3A_346 iter_args(%scan3A_510 = %scan3A) -> (i32)  : i32 {
      %mul3A_511 = arith.constant 16 : i32
      %mul3A_512 = arith.muli %scan3A_509, %mul3A_511 : i32
      %get3A_513 = arith.constant 0 : i32
      %get3A_514 = arith.index_cast %get3A_513 : i32 to index
      %get3A_515 = arith.index_cast %mul3A_512 : i32 to index
      %get3A_516 = tpu.vector_load %arg8[%get3A_514, %get3A_515] {strides = array<i32>} : memref<16x512xf32, #tpu.memory_space<vmem>>, vector<1x16xf32>,
      %get3A_517 = vector.shape_cast %get3A_516 : vector<1x16xf32> to vector<16xf32>
      %mul3A_518 = arith.constant 16 : i32
      %mul3A_519 = arith.muli %scan3A_509, %mul3A_518 : i32
      %get3A_520 = arith.constant 1 : i32
      %get3A_521 = arith.index_cast %get3A_520 : i32 to index
      %get3A_522 = arith.index_cast %mul3A_519 : i32 to index
      %get3A_523 = tpu.vector_load %arg8[%get3A_521, %get3A_522] {strides = array<i32>} : memref<16x512xf32, #tpu.memory_space<vmem>>, vector<1x16xf32>,
      %get3A_524 = vector.shape_cast %get3A_523 : vector<1x16xf32> to vector<16xf32>
      %mul3A_525 = arith.mulf %mul3A_282, %get3A_517 : vector<16xf32>
      %mul3A_526 = arith.mulf %mul3A_286, %get3A_524 : vector<16xf32>
      %add3A_527 = arith.addf %broadcast_in_dim3A_17, %mul3A_525 : vector<16xf32>
      %add3A_528 = arith.addf %broadcast_in_dim3A_17, %mul3A_526 : vector<16xf32>
      %mul3A_529 = arith.mulf %mul3A_525, %get3A_517 : vector<16xf32>
      %add3A_530 = arith.addf %broadcast_in_dim3A_17, %mul3A_529 : vector<16xf32>
      %mul3A_531 = arith.mulf %mul3A_526, %get3A_524 : vector<16xf32>
      %add3A_532 = arith.addf %broadcast_in_dim3A_17, %mul3A_531 : vector<16xf32>
      %mul3A_533 = arith.constant 16 : i32
      %mul3A_534 = arith.muli %scan3A_509, %mul3A_533 : i32
      %get3A_535 = arith.constant 2 : i32
      %get3A_536 = arith.index_cast %get3A_535 : i32 to index
      %get3A_537 = arith.index_cast %mul3A_534 : i32 to index
      %get3A_538 = tpu.vector_load %arg8[%get3A_536, %get3A_537] {strides = array<i32>} : memref<16x512xf32, #tpu.memory_space<vmem>>, vector<1x16xf32>,
      %get3A_539 = vector.shape_cast %get3A_538 : vector<1x16xf32> to vector<16xf32>
      %mul3A_540 = arith.constant 16 : i32
      %mul3A_541 = arith.muli %scan3A_509, %mul3A_540 : i32
      %get3A_542 = arith.constant 3 : i32
      %get3A_543 = arith.index_cast %get3A_542 : i32 to index
      %get3A_544 = arith.index_cast %mul3A_541 : i32 to index
      %get3A_545 = tpu.vector_load %arg8[%get3A_543, %get3A_544] {strides = array<i32>} : memref<16x512xf32, #tpu.memory_space<vmem>>, vector<1x16xf32>,
      %get3A_546 = vector.shape_cast %get3A_545 : vector<1x16xf32> to vector<16xf32>
      %mul3A_547 = arith.mulf %mul3A_290, %get3A_539 : vector<16xf32>
      %mul3A_548 = arith.mulf %mul3A_294, %get3A_546 : vector<16xf32>
      %add3A_549 = arith.addf %add3A_527, %mul3A_547 : vector<16xf32>
      %add3A_550 = arith.addf %add3A_528, %mul3A_548 : vector<16xf32>
      %mul3A_551 = arith.mulf %mul3A_547, %get3A_539 : vector<16xf32>
      %add3A_552 = arith.addf %add3A_530, %mul3A_551 : vector<16xf32>
      %mul3A_553 = arith.mulf %mul3A_548, %get3A_546 : vector<16xf32>
      %add3A_554 = arith.addf %add3A_532, %mul3A_553 : vector<16xf32>
      %mul3A_555 = arith.constant 16 : i32
      %mul3A_556 = arith.muli %scan3A_509, %mul3A_555 : i32
      %get3A_557 = arith.constant 4 : i32
      %get3A_558 = arith.index_cast %get3A_557 : i32 to index
      %get3A_559 = arith.index_cast %mul3A_556 : i32 to index
      %get3A_560 = tpu.vector_load %arg8[%get3A_558, %get3A_559] {strides = array<i32>} : memref<16x512xf32, #tpu.memory_space<vmem>>, vector<1x16xf32>,
      %get3A_561 = vector.shape_cast %get3A_560 : vector<1x16xf32> to vector<16xf32>
      %mul3A_562 = arith.constant 16 : i32
      %mul3A_563 = arith.muli %scan3A_509, %mul3A_562 : i32
      %get3A_564 = arith.constant 5 : i32
      %get3A_565 = arith.index_cast %get3A_564 : i32 to index
      %get3A_566 = arith.index_cast %mul3A_563 : i32 to index
      %get3A_567 = tpu.vector_load %arg8[%get3A_565, %get3A_566] {strides = array<i32>} : memref<16x512xf32, #tpu.memory_space<vmem>>, vector<1x16xf32>,
      %get3A_568 = vector.shape_cast %get3A_567 : vector<1x16xf32> to vector<16xf32>
      %mul3A_569 = arith.mulf %mul3A_298, %get3A_561 : vector<16xf32>
      %mul3A_570 = arith.mulf %mul3A_302, %get3A_568 : vector<16xf32>
      %add3A_571 = arith.addf %add3A_549, %mul3A_569 : vector<16xf32>
      %add3A_572 = arith.addf %add3A_550, %mul3A_570 : vector<16xf32>
      %mul3A_573 = arith.mulf %mul3A_569, %get3A_561 : vector<16xf32>
      %add3A_574 = arith.addf %add3A_552, %mul3A_573 : vector<16xf32>
      %mul3A_575 = arith.mulf %mul3A_570, %get3A_568 : vector<16xf32>
      %add3A_576 = arith.addf %add3A_554, %mul3A_575 : vector<16xf32>
      %mul3A_577 = arith.constant 16 : i32
      %mul3A_578 = arith.muli %scan3A_509, %mul3A_577 : i32
      %get3A_579 = arith.constant 6 : i32
      %get3A_580 = arith.index_cast %get3A_579 : i32 to index
      %get3A_581 = arith.index_cast %mul3A_578 : i32 to index
      %get3A_582 = tpu.vector_load %arg8[%get3A_580, %get3A_581] {strides = array<i32>} : memref<16x512xf32, #tpu.memory_space<vmem>>, vector<1x16xf32>,
      %get3A_583 = vector.shape_cast %get3A_582 : vector<1x16xf32> to vector<16xf32>
      %mul3A_584 = arith.constant 16 : i32
      %mul3A_585 = arith.muli %scan3A_509, %mul3A_584 : i32
      %get3A_586 = arith.constant 7 : i32
      %get3A_587 = arith.index_cast %get3A_586 : i32 to index
      %get3A_588 = arith.index_cast %mul3A_585 : i32 to index
      %get3A_589 = tpu.vector_load %arg8[%get3A_587, %get3A_588] {strides = array<i32>} : memref<16x512xf32, #tpu.memory_space<vmem>>, vector<1x16xf32>,
      %get3A_590 = vector.shape_cast %get3A_589 : vector<1x16xf32> to vector<16xf32>
      %mul3A_591 = arith.mulf %mul3A_306, %get3A_583 : vector<16xf32>
      %mul3A_592 = arith.mulf %mul3A_310, %get3A_590 : vector<16xf32>
      %add3A_593 = arith.addf %add3A_571, %mul3A_591 : vector<16xf32>
      %add3A_594 = arith.addf %add3A_572, %mul3A_592 : vector<16xf32>
      %mul3A_595 = arith.mulf %mul3A_591, %get3A_583 : vector<16xf32>
      %add3A_596 = arith.addf %add3A_574, %mul3A_595 : vector<16xf32>
      %mul3A_597 = arith.mulf %mul3A_592, %get3A_590 : vector<16xf32>
      %add3A_598 = arith.addf %add3A_576, %mul3A_597 : vector<16xf32>
      %mul3A_599 = arith.constant 16 : i32
      %mul3A_600 = arith.muli %scan3A_509, %mul3A_599 : i32
      %get3A_601 = arith.constant 8 : i32
      %get3A_602 = arith.index_cast %get3A_601 : i32 to index
      %get3A_603 = arith.index_cast %mul3A_600 : i32 to index
      %get3A_604 = tpu.vector_load %arg8[%get3A_602, %get3A_603] {strides = array<i32>} : memref<16x512xf32, #tpu.memory_space<vmem>>, vector<1x16xf32>,
      %get3A_605 = vector.shape_cast %get3A_604 : vector<1x16xf32> to vector<16xf32>
      %mul3A_606 = arith.constant 16 : i32
      %mul3A_607 = arith.muli %scan3A_509, %mul3A_606 : i32
      %get3A_608 = arith.constant 9 : i32
      %get3A_609 = arith.index_cast %get3A_608 : i32 to index
      %get3A_610 = arith.index_cast %mul3A_607 : i32 to index
      %get3A_611 = tpu.vector_load %arg8[%get3A_609, %get3A_610] {strides = array<i32>} : memref<16x512xf32, #tpu.memory_space<vmem>>, vector<1x16xf32>,
      %get3A_612 = vector.shape_cast %get3A_611 : vector<1x16xf32> to vector<16xf32>
      %mul3A_613 = arith.mulf %mul3A_314, %get3A_605 : vector<16xf32>
      %mul3A_614 = arith.mulf %mul3A_318, %get3A_612 : vector<16xf32>
      %add3A_615 = arith.addf %add3A_593, %mul3A_613 : vector<16xf32>
      %add3A_616 = arith.addf %add3A_594, %mul3A_614 : vector<16xf32>
      %mul3A_617 = arith.mulf %mul3A_613, %get3A_605 : vector<16xf32>
      %add3A_618 = arith.addf %add3A_596, %mul3A_617 : vector<16xf32>
      %mul3A_619 = arith.mulf %mul3A_614, %get3A_612 : vector<16xf32>
      %add3A_620 = arith.addf %add3A_598, %mul3A_619 : vector<16xf32>
      %mul3A_621 = arith.constant 16 : i32
      %mul3A_622 = arith.muli %scan3A_509, %mul3A_621 : i32
      %get3A_623 = arith.constant 10 : i32
      %get3A_624 = arith.index_cast %get3A_623 : i32 to index
      %get3A_625 = arith.index_cast %mul3A_622 : i32 to index
      %get3A_626 = tpu.vector_load %arg8[%get3A_624, %get3A_625] {strides = array<i32>} : memref<16x512xf32, #tpu.memory_space<vmem>>, vector<1x16xf32>,
      %get3A_627 = vector.shape_cast %get3A_626 : vector<1x16xf32> to vector<16xf32>
      %mul3A_628 = arith.constant 16 : i32
      %mul3A_629 = arith.muli %scan3A_509, %mul3A_628 : i32
      %get3A_630 = arith.constant 11 : i32
      %get3A_631 = arith.index_cast %get3A_630 : i32 to index
      %get3A_632 = arith.index_cast %mul3A_629 : i32 to index
      %get3A_633 = tpu.vector_load %arg8[%get3A_631, %get3A_632] {strides = array<i32>} : memref<16x512xf32, #tpu.memory_space<vmem>>, vector<1x16xf32>,
      %get3A_634 = vector.shape_cast %get3A_633 : vector<1x16xf32> to vector<16xf32>
      %mul3A_635 = arith.mulf %mul3A_322, %get3A_627 : vector<16xf32>
      %mul3A_636 = arith.mulf %mul3A_326, %get3A_634 : vector<16xf32>
      %add3A_637 = arith.addf %add3A_615, %mul3A_635 : vector<16xf32>
      %add3A_638 = arith.addf %add3A_616, %mul3A_636 : vector<16xf32>
      %mul3A_639 = arith.mulf %mul3A_635, %get3A_627 : vector<16xf32>
      %add3A_640 = arith.addf %add3A_618, %mul3A_639 : vector<16xf32>
      %mul3A_641 = arith.mulf %mul3A_636, %get3A_634 : vector<16xf32>
      %add3A_642 = arith.addf %add3A_620, %mul3A_641 : vector<16xf32>
      %mul3A_643 = arith.constant 16 : i32
      %mul3A_644 = arith.muli %scan3A_509, %mul3A_643 : i32
      %get3A_645 = arith.constant 12 : i32
      %get3A_646 = arith.index_cast %get3A_645 : i32 to index
      %get3A_647 = arith.index_cast %mul3A_644 : i32 to index
      %get3A_648 = tpu.vector_load %arg8[%get3A_646, %get3A_647] {strides = array<i32>} : memref<16x512xf32, #tpu.memory_space<vmem>>, vector<1x16xf32>,
      %get3A_649 = vector.shape_cast %get3A_648 : vector<1x16xf32> to vector<16xf32>
      %mul3A_650 = arith.constant 16 : i32
      %mul3A_651 = arith.muli %scan3A_509, %mul3A_650 : i32
      %get3A_652 = arith.constant 13 : i32
      %get3A_653 = arith.index_cast %get3A_652 : i32 to index
      %get3A_654 = arith.index_cast %mul3A_651 : i32 to index
      %get3A_655 = tpu.vector_load %arg8[%get3A_653, %get3A_654] {strides = array<i32>} : memref<16x512xf32, #tpu.memory_space<vmem>>, vector<1x16xf32>,
      %get3A_656 = vector.shape_cast %get3A_655 : vector<1x16xf32> to vector<16xf32>
      %mul3A_657 = arith.mulf %mul3A_330, %get3A_649 : vector<16xf32>
      %mul3A_658 = arith.mulf %mul3A_334, %get3A_656 : vector<16xf32>
      %add3A_659 = arith.addf %add3A_637, %mul3A_657 : vector<16xf32>
      %add3A_660 = arith.addf %add3A_638, %mul3A_658 : vector<16xf32>
      %mul3A_661 = arith.mulf %mul3A_657, %get3A_649 : vector<16xf32>
      %add3A_662 = arith.addf %add3A_640, %mul3A_661 : vector<16xf32>
      %mul3A_663 = arith.mulf %mul3A_658, %get3A_656 : vector<16xf32>
      %add3A_664 = arith.addf %add3A_642, %mul3A_663 : vector<16xf32>
      %mul3A_665 = arith.constant 16 : i32
      %mul3A_666 = arith.muli %scan3A_509, %mul3A_665 : i32
      %get3A_667 = arith.constant 14 : i32
      %get3A_668 = arith.index_cast %get3A_667 : i32 to index
      %get3A_669 = arith.index_cast %mul3A_666 : i32 to index
      %get3A_670 = tpu.vector_load %arg8[%get3A_668, %get3A_669] {strides = array<i32>} : memref<16x512xf32, #tpu.memory_space<vmem>>, vector<1x16xf32>,
      %get3A_671 = vector.shape_cast %get3A_670 : vector<1x16xf32> to vector<16xf32>
      %mul3A_672 = arith.constant 16 : i32
      %mul3A_673 = arith.muli %scan3A_509, %mul3A_672 : i32
      %get3A_674 = arith.constant 15 : i32
      %get3A_675 = arith.index_cast %get3A_674 : i32 to index
      %get3A_676 = arith.index_cast %mul3A_673 : i32 to index
      %get3A_677 = tpu.vector_load %arg8[%get3A_675, %get3A_676] {strides = array<i32>} : memref<16x512xf32, #tpu.memory_space<vmem>>, vector<1x16xf32>,
      %get3A_678 = vector.shape_cast %get3A_677 : vector<1x16xf32> to vector<16xf32>
      %mul3A_679 = arith.mulf %mul3A_338, %get3A_671 : vector<16xf32>
      %mul3A_680 = arith.mulf %mul3A_342, %get3A_678 : vector<16xf32>
      %add3A_681 = arith.addf %add3A_659, %mul3A_679 : vector<16xf32>
      %add3A_682 = arith.addf %add3A_660, %mul3A_680 : vector<16xf32>
      %mul3A_683 = arith.mulf %mul3A_679, %get3A_671 : vector<16xf32>
      %add3A_684 = arith.addf %add3A_662, %mul3A_683 : vector<16xf32>
      %mul3A_685 = arith.mulf %mul3A_680, %get3A_678 : vector<16xf32>
      %add3A_686 = arith.addf %add3A_664, %mul3A_685 : vector<16xf32>
      %mul3A_687 = arith.constant 16 : i32
      %mul3A_688 = arith.muli %scan3A_509, %mul3A_687 : i32
      %get3A_689 = arith.index_cast %mul3A_688 : i32 to index
      %get3A_690 = tpu.vector_load %arg11[%get3A_689] {strides = array<i32>} : memref<512xf32, #tpu.memory_space<vmem>>, vector<16xf32>,
      %get3A_691 = vector.shape_cast %get3A_690 : vector<16xf32> to vector<16xf32>
      %add3A_692 = arith.addf %add3A_681, %add3A_682 : vector<16xf32>
      %add3A_693 = arith.addf %get3A_691, %add3A_692 : vector<16xf32>
      %swap3A_694 = arith.index_cast %mul3A_688 : i32 to index
      %swap3A_695 = tpu.vector_load %arg11[%swap3A_694] {strides = array<i32>} : memref<512xf32, #tpu.memory_space<vmem>>, vector<16xf32>,
      %swap3A_696 = vector.shape_cast %swap3A_695 : vector<16xf32> to vector<16xf32>
      %swap3A_697 = vector.shape_cast %add3A_693 : vector<16xf32> to vector<16xf32>
      tpu.vector_store %arg11[%swap3A_694], %swap3A_697 {strides = array<i32>} : memref<512xf32, #tpu.memory_space<vmem>>, vector<16xf32>,
      %mul3A_698 = arith.constant 16 : i32
      %mul3A_699 = arith.muli %scan3A_509, %mul3A_698 : i32
      %get3A_700 = arith.index_cast %mul3A_699 : i32 to index
      %get3A_701 = tpu.vector_load %arg12[%get3A_700] {strides = array<i32>} : memref<512xf32, #tpu.memory_space<vmem>>, vector<16xf32>,
      %get3A_702 = vector.shape_cast %get3A_701 : vector<16xf32> to vector<16xf32>
      %add3A_703 = arith.addf %add3A_684, %add3A_686 : vector<16xf32>
      %add3A_704 = arith.addf %get3A_702, %add3A_703 : vector<16xf32>
      %swap3A_705 = arith.index_cast %mul3A_699 : i32 to index
      %swap3A_706 = tpu.vector_load %arg12[%swap3A_705] {strides = array<i32>} : memref<512xf32, #tpu.memory_space<vmem>>, vector<16xf32>,
      %swap3A_707 = vector.shape_cast %swap3A_706 : vector<16xf32> to vector<16xf32>
      %swap3A_708 = vector.shape_cast %add3A_704 : vector<16xf32> to vector<16xf32>
      tpu.vector_store %arg12[%swap3A_705], %swap3A_708 {strides = array<i32>} : memref<512xf32, #tpu.memory_space<vmem>>, vector<16xf32>,
      %scan3A_709 = arith.constant 0 : i32
      scf.yield %scan3A_709 : i32
    }
    %scan3A_348 = arith.constant 32 : i32
    %dma_wait3A_349 = arith.constant 0 : i32
    %dma_wait3A_350 = arith.constant 0 : i32
    %dma_wait3A_351 = tpu.memref_slice %arg4[%dma_wait3A_349, %dma_wait3A_350] : memref<16384x512xf32, #tpu.memory_space<hbm>> -> memref<16384x512xf32, #tpu.memory_space<hbm>>
    tpu.wait_indirect_dma semaphore(%arg15 : memref<!tpu.dma_semaphore, #tpu.memory_space<semaphore_mem>>) src(%dma_wait3A_351 : memref<16384x512xf32, #tpu.memory_space<hbm>>) dst(%arg9 : memref<16x512xf32, #tpu.memory_space<vmem>>)
    %get3A_352 = arith.constant 16 : index
    %get3A_353 = tpu.vector_load %arg7[%get3A_352] {strides = array<i32>} : memref<48xf32, #tpu.memory_space<vmem>>, vector<16xf32>,
    %get3A_354 = vector.shape_cast %get3A_353 : vector<16xf32> to vector<16xf32>
    %add3A_355 = arith.addf %add3A_280, %get3A_354 : vector<16xf32>
    %slice3A_356 = vector.extract_strided_slice %get3A_354 {offsets = [0], sizes = [1], strides = [1]} : vector<16xf32> to vector<1xf32>
    %squeeze3A_357 = vector.extract %slice3A_356[0] : f32 from vector<1xf32>
    %mul3A_358 = vector.broadcast %squeeze3A_357 : f32 to vector<16xf32>
    %mul3A_359 = arith.mulf %mul3A_358, %broadcast_in_dim3A_274 : vector<16xf32>
    %slice3A_360 = vector.extract_strided_slice %get3A_354 {offsets = [1], sizes = [1], strides = [1]} : vector<16xf32> to vector<1xf32>
    %squeeze3A_361 = vector.extract %slice3A_360[0] : f32 from vector<1xf32>
    %mul3A_362 = vector.broadcast %squeeze3A_361 : f32 to vector<16xf32>
    %mul3A_363 = arith.mulf %mul3A_362, %broadcast_in_dim3A_274 : vector<16xf32>
    %slice3A_364 = vector.extract_strided_slice %get3A_354 {offsets = [2], sizes = [1], strides = [1]} : vector<16xf32> to vector<1xf32>
    %squeeze3A_365 = vector.extract %slice3A_364[0] : f32 from vector<1xf32>
    %mul3A_366 = vector.broadcast %squeeze3A_365 : f32 to vector<16xf32>
    %mul3A_367 = arith.mulf %mul3A_366, %broadcast_in_dim3A_274 : vector<16xf32>
    %slice3A_368 = vector.extract_strided_slice %get3A_354 {offsets = [3], sizes = [1], strides = [1]} : vector<16xf32> to vector<1xf32>
    %squeeze3A_369 = vector.extract %slice3A_368[0] : f32 from vector<1xf32>
    %mul3A_370 = vector.broadcast %squeeze3A_369 : f32 to vector<16xf32>
    %mul3A_371 = arith.mulf %mul3A_370, %broadcast_in_dim3A_274 : vector<16xf32>
    %slice3A_372 = vector.extract_strided_slice %get3A_354 {offsets = [4], sizes = [1], strides = [1]} : vector<16xf32> to vector<1xf32>
    %squeeze3A_373 = vector.extract %slice3A_372[0] : f32 from vector<1xf32>
    %mul3A_374 = vector.broadcast %squeeze3A_373 : f32 to vector<16xf32>
    %mul3A_375 = arith.mulf %mul3A_374, %broadcast_in_dim3A_274 : vector<16xf32>
    %slice3A_376 = vector.extract_strided_slice %get3A_354 {offsets = [5], sizes = [1], strides = [1]} : vector<16xf32> to vector<1xf32>
    %squeeze3A_377 = vector.extract %slice3A_376[0] : f32 from vector<1xf32>
    %mul3A_378 = vector.broadcast %squeeze3A_377 : f32 to vector<16xf32>
    %mul3A_379 = arith.mulf %mul3A_378, %broadcast_in_dim3A_274 : vector<16xf32>
    %slice3A_380 = vector.extract_strided_slice %get3A_354 {offsets = [6], sizes = [1], strides = [1]} : vector<16xf32> to vector<1xf32>
    %squeeze3A_381 = vector.extract %slice3A_380[0] : f32 from vector<1xf32>
    %mul3A_382 = vector.broadcast %squeeze3A_381 : f32 to vector<16xf32>
    %mul3A_383 = arith.mulf %mul3A_382, %broadcast_in_dim3A_274 : vector<16xf32>
    %slice3A_384 = vector.extract_strided_slice %get3A_354 {offsets = [7], sizes = [1], strides = [1]} : vector<16xf32> to vector<1xf32>
    %squeeze3A_385 = vector.extract %slice3A_384[0] : f32 from vector<1xf32>
    %mul3A_386 = vector.broadcast %squeeze3A_385 : f32 to vector<16xf32>
    %mul3A_387 = arith.mulf %mul3A_386, %broadcast_in_dim3A_274 : vector<16xf32>
    %slice3A_388 = vector.extract_strided_slice %get3A_354 {offsets = [8], sizes = [1], strides = [1]} : vector<16xf32> to vector<1xf32>
    %squeeze3A_389 = vector.extract %slice3A_388[0] : f32 from vector<1xf32>
    %mul3A_390 = vector.broadcast %squeeze3A_389 : f32 to vector<16xf32>
    %mul3A_391 = arith.mulf %mul3A_390, %broadcast_in_dim3A_274 : vector<16xf32>
    %slice3A_392 = vector.extract_strided_slice %get3A_354 {offsets = [9], sizes = [1], strides = [1]} : vector<16xf32> to vector<1xf32>
    %squeeze3A_393 = vector.extract %slice3A_392[0] : f32 from vector<1xf32>
    %mul3A_394 = vector.broadcast %squeeze3A_393 : f32 to vector<16xf32>
    %mul3A_395 = arith.mulf %mul3A_394, %broadcast_in_dim3A_274 : vector<16xf32>
    %slice3A_396 = vector.extract_strided_slice %get3A_354 {offsets = [10], sizes = [1], strides = [1]} : vector<16xf32> to vector<1xf32>
    %squeeze3A_397 = vector.extract %slice3A_396[0] : f32 from vector<1xf32>
    %mul3A_398 = vector.broadcast %squeeze3A_397 : f32 to vector<16xf32>
    %mul3A_399 = arith.mulf %mul3A_398, %broadcast_in_dim3A_274 : vector<16xf32>
    %slice3A_400 = vector.extract_strided_slice %get3A_354 {offsets = [11], sizes = [1], strides = [1]} : vector<16xf32> to vector<1xf32>
    %squeeze3A_401 = vector.extract %slice3A_400[0] : f32 from vector<1xf32>
    %mul3A_402 = vector.broadcast %squeeze3A_401 : f32 to vector<16xf32>
    %mul3A_403 = arith.mulf %mul3A_402, %broadcast_in_dim3A_274 : vector<16xf32>
    %slice3A_404 = vector.extract_strided_slice %get3A_354 {offsets = [12], sizes = [1], strides = [1]} : vector<16xf32> to vector<1xf32>
    %squeeze3A_405 = vector.extract %slice3A_404[0] : f32 from vector<1xf32>
    %mul3A_406 = vector.broadcast %squeeze3A_405 : f32 to vector<16xf32>
    %mul3A_407 = arith.mulf %mul3A_406, %broadcast_in_dim3A_274 : vector<16xf32>
    %slice3A_408 = vector.extract_strided_slice %get3A_354 {offsets = [13], sizes = [1], strides = [1]} : vector<16xf32> to vector<1xf32>
    %squeeze3A_409 = vector.extract %slice3A_408[0] : f32 from vector<1xf32>
    %mul3A_410 = vector.broadcast %squeeze3A_409 : f32 to vector<16xf32>
    %mul3A_411 = arith.mulf %mul3A_410, %broadcast_in_dim3A_274 : vector<16xf32>
    %slice3A_412 = vector.extract_strided_slice %get3A_354 {offsets = [14], sizes = [1], strides = [1]} : vector<16xf32> to vector<1xf32>
    %squeeze3A_413 = vector.extract %slice3A_412[0] : f32 from vector<1xf32>
    %mul3A_414 = vector.broadcast %squeeze3A_413 : f32 to vector<16xf32>
    %mul3A_415 = arith.mulf %mul3A_414, %broadcast_in_dim3A_274 : vector<16xf32>
    %slice3A_416 = vector.extract_strided_slice %get3A_354 {offsets = [15], sizes = [1], strides = [1]} : vector<16xf32> to vector<1xf32>
    %squeeze3A_417 = vector.extract %slice3A_416[0] : f32 from vector<1xf32>
    %mul3A_418 = vector.broadcast %squeeze3A_417 : f32 to vector<16xf32>
    %mul3A_419 = arith.mulf %mul3A_418, %broadcast_in_dim3A_274 : vector<16xf32>
    %scan3A_420 = arith.constant 0 : i32
    %scan3A_421 = arith.constant 0 : i32
    %scan3A_422 = arith.constant 32 : i32
    %scan3A_423 = arith.addi %scan3A_421, %scan3A_422 : i32
    %scan3A_424 = arith.constant 1 : i32
    %scan3A_425 = scf.for %scan3A_509 = %scan3A_421 to %scan3A_423 step %scan3A_424 iter_args(%scan3A_510 = %scan3A_420) -> (i32)  : i32 {
      %mul3A_511 = arith.constant 16 : i32
      %mul3A_512 = arith.muli %scan3A_509, %mul3A_511 : i32
      %get3A_513 = arith.constant 0 : i32
      %get3A_514 = arith.index_cast %get3A_513 : i32 to index
      %get3A_515 = arith.index_cast %mul3A_512 : i32 to index
      %get3A_516 = tpu.vector_load %arg9[%get3A_514, %get3A_515] {strides = array<i32>} : memref<16x512xf32, #tpu.memory_space<vmem>>, vector<1x16xf32>,
      %get3A_517 = vector.shape_cast %get3A_516 : vector<1x16xf32> to vector<16xf32>
      %mul3A_518 = arith.constant 16 : i32
      %mul3A_519 = arith.muli %scan3A_509, %mul3A_518 : i32
      %get3A_520 = arith.constant 1 : i32
      %get3A_521 = arith.index_cast %get3A_520 : i32 to index
      %get3A_522 = arith.index_cast %mul3A_519 : i32 to index
      %get3A_523 = tpu.vector_load %arg9[%get3A_521, %get3A_522] {strides = array<i32>} : memref<16x512xf32, #tpu.memory_space<vmem>>, vector<1x16xf32>,
      %get3A_524 = vector.shape_cast %get3A_523 : vector<1x16xf32> to vector<16xf32>
      %mul3A_525 = arith.mulf %mul3A_359, %get3A_517 : vector<16xf32>
      %mul3A_526 = arith.mulf %mul3A_363, %get3A_524 : vector<16xf32>
      %add3A_527 = arith.addf %broadcast_in_dim3A_17, %mul3A_525 : vector<16xf32>
      %add3A_528 = arith.addf %broadcast_in_dim3A_17, %mul3A_526 : vector<16xf32>
      %mul3A_529 = arith.mulf %mul3A_525, %get3A_517 : vector<16xf32>
      %add3A_530 = arith.addf %broadcast_in_dim3A_17, %mul3A_529 : vector<16xf32>
      %mul3A_531 = arith.mulf %mul3A_526, %get3A_524 : vector<16xf32>
      %add3A_532 = arith.addf %broadcast_in_dim3A_17, %mul3A_531 : vector<16xf32>
      %mul3A_533 = arith.constant 16 : i32
      %mul3A_534 = arith.muli %scan3A_509, %mul3A_533 : i32
      %get3A_535 = arith.constant 2 : i32
      %get3A_536 = arith.index_cast %get3A_535 : i32 to index
      %get3A_537 = arith.index_cast %mul3A_534 : i32 to index
      %get3A_538 = tpu.vector_load %arg9[%get3A_536, %get3A_537] {strides = array<i32>} : memref<16x512xf32, #tpu.memory_space<vmem>>, vector<1x16xf32>,
      %get3A_539 = vector.shape_cast %get3A_538 : vector<1x16xf32> to vector<16xf32>
      %mul3A_540 = arith.constant 16 : i32
      %mul3A_541 = arith.muli %scan3A_509, %mul3A_540 : i32
      %get3A_542 = arith.constant 3 : i32
      %get3A_543 = arith.index_cast %get3A_542 : i32 to index
      %get3A_544 = arith.index_cast %mul3A_541 : i32 to index
      %get3A_545 = tpu.vector_load %arg9[%get3A_543, %get3A_544] {strides = array<i32>} : memref<16x512xf32, #tpu.memory_space<vmem>>, vector<1x16xf32>,
      %get3A_546 = vector.shape_cast %get3A_545 : vector<1x16xf32> to vector<16xf32>
      %mul3A_547 = arith.mulf %mul3A_367, %get3A_539 : vector<16xf32>
      %mul3A_548 = arith.mulf %mul3A_371, %get3A_546 : vector<16xf32>
      %add3A_549 = arith.addf %add3A_527, %mul3A_547 : vector<16xf32>
      %add3A_550 = arith.addf %add3A_528, %mul3A_548 : vector<16xf32>
      %mul3A_551 = arith.mulf %mul3A_547, %get3A_539 : vector<16xf32>
      %add3A_552 = arith.addf %add3A_530, %mul3A_551 : vector<16xf32>
      %mul3A_553 = arith.mulf %mul3A_548, %get3A_546 : vector<16xf32>
      %add3A_554 = arith.addf %add3A_532, %mul3A_553 : vector<16xf32>
      %mul3A_555 = arith.constant 16 : i32
      %mul3A_556 = arith.muli %scan3A_509, %mul3A_555 : i32
      %get3A_557 = arith.constant 4 : i32
      %get3A_558 = arith.index_cast %get3A_557 : i32 to index
      %get3A_559 = arith.index_cast %mul3A_556 : i32 to index
      %get3A_560 = tpu.vector_load %arg9[%get3A_558, %get3A_559] {strides = array<i32>} : memref<16x512xf32, #tpu.memory_space<vmem>>, vector<1x16xf32>,
      %get3A_561 = vector.shape_cast %get3A_560 : vector<1x16xf32> to vector<16xf32>
      %mul3A_562 = arith.constant 16 : i32
      %mul3A_563 = arith.muli %scan3A_509, %mul3A_562 : i32
      %get3A_564 = arith.constant 5 : i32
      %get3A_565 = arith.index_cast %get3A_564 : i32 to index
      %get3A_566 = arith.index_cast %mul3A_563 : i32 to index
      %get3A_567 = tpu.vector_load %arg9[%get3A_565, %get3A_566] {strides = array<i32>} : memref<16x512xf32, #tpu.memory_space<vmem>>, vector<1x16xf32>,
      %get3A_568 = vector.shape_cast %get3A_567 : vector<1x16xf32> to vector<16xf32>
      %mul3A_569 = arith.mulf %mul3A_375, %get3A_561 : vector<16xf32>
      %mul3A_570 = arith.mulf %mul3A_379, %get3A_568 : vector<16xf32>
      %add3A_571 = arith.addf %add3A_549, %mul3A_569 : vector<16xf32>
      %add3A_572 = arith.addf %add3A_550, %mul3A_570 : vector<16xf32>
      %mul3A_573 = arith.mulf %mul3A_569, %get3A_561 : vector<16xf32>
      %add3A_574 = arith.addf %add3A_552, %mul3A_573 : vector<16xf32>
      %mul3A_575 = arith.mulf %mul3A_570, %get3A_568 : vector<16xf32>
      %add3A_576 = arith.addf %add3A_554, %mul3A_575 : vector<16xf32>
      %mul3A_577 = arith.constant 16 : i32
      %mul3A_578 = arith.muli %scan3A_509, %mul3A_577 : i32
      %get3A_579 = arith.constant 6 : i32
      %get3A_580 = arith.index_cast %get3A_579 : i32 to index
      %get3A_581 = arith.index_cast %mul3A_578 : i32 to index
      %get3A_582 = tpu.vector_load %arg9[%get3A_580, %get3A_581] {strides = array<i32>} : memref<16x512xf32, #tpu.memory_space<vmem>>, vector<1x16xf32>,
      %get3A_583 = vector.shape_cast %get3A_582 : vector<1x16xf32> to vector<16xf32>
      %mul3A_584 = arith.constant 16 : i32
      %mul3A_585 = arith.muli %scan3A_509, %mul3A_584 : i32
      %get3A_586 = arith.constant 7 : i32
      %get3A_587 = arith.index_cast %get3A_586 : i32 to index
      %get3A_588 = arith.index_cast %mul3A_585 : i32 to index
      %get3A_589 = tpu.vector_load %arg9[%get3A_587, %get3A_588] {strides = array<i32>} : memref<16x512xf32, #tpu.memory_space<vmem>>, vector<1x16xf32>,
      %get3A_590 = vector.shape_cast %get3A_589 : vector<1x16xf32> to vector<16xf32>
      %mul3A_591 = arith.mulf %mul3A_383, %get3A_583 : vector<16xf32>
      %mul3A_592 = arith.mulf %mul3A_387, %get3A_590 : vector<16xf32>
      %add3A_593 = arith.addf %add3A_571, %mul3A_591 : vector<16xf32>
      %add3A_594 = arith.addf %add3A_572, %mul3A_592 : vector<16xf32>
      %mul3A_595 = arith.mulf %mul3A_591, %get3A_583 : vector<16xf32>
      %add3A_596 = arith.addf %add3A_574, %mul3A_595 : vector<16xf32>
      %mul3A_597 = arith.mulf %mul3A_592, %get3A_590 : vector<16xf32>
      %add3A_598 = arith.addf %add3A_576, %mul3A_597 : vector<16xf32>
      %mul3A_599 = arith.constant 16 : i32
      %mul3A_600 = arith.muli %scan3A_509, %mul3A_599 : i32
      %get3A_601 = arith.constant 8 : i32
      %get3A_602 = arith.index_cast %get3A_601 : i32 to index
      %get3A_603 = arith.index_cast %mul3A_600 : i32 to index
      %get3A_604 = tpu.vector_load %arg9[%get3A_602, %get3A_603] {strides = array<i32>} : memref<16x512xf32, #tpu.memory_space<vmem>>, vector<1x16xf32>,
      %get3A_605 = vector.shape_cast %get3A_604 : vector<1x16xf32> to vector<16xf32>
      %mul3A_606 = arith.constant 16 : i32
      %mul3A_607 = arith.muli %scan3A_509, %mul3A_606 : i32
      %get3A_608 = arith.constant 9 : i32
      %get3A_609 = arith.index_cast %get3A_608 : i32 to index
      %get3A_610 = arith.index_cast %mul3A_607 : i32 to index
      %get3A_611 = tpu.vector_load %arg9[%get3A_609, %get3A_610] {strides = array<i32>} : memref<16x512xf32, #tpu.memory_space<vmem>>, vector<1x16xf32>,
      %get3A_612 = vector.shape_cast %get3A_611 : vector<1x16xf32> to vector<16xf32>
      %mul3A_613 = arith.mulf %mul3A_391, %get3A_605 : vector<16xf32>
      %mul3A_614 = arith.mulf %mul3A_395, %get3A_612 : vector<16xf32>
      %add3A_615 = arith.addf %add3A_593, %mul3A_613 : vector<16xf32>
      %add3A_616 = arith.addf %add3A_594, %mul3A_614 : vector<16xf32>
      %mul3A_617 = arith.mulf %mul3A_613, %get3A_605 : vector<16xf32>
      %add3A_618 = arith.addf %add3A_596, %mul3A_617 : vector<16xf32>
      %mul3A_619 = arith.mulf %mul3A_614, %get3A_612 : vector<16xf32>
      %add3A_620 = arith.addf %add3A_598, %mul3A_619 : vector<16xf32>
      %mul3A_621 = arith.constant 16 : i32
      %mul3A_622 = arith.muli %scan3A_509, %mul3A_621 : i32
      %get3A_623 = arith.constant 10 : i32
      %get3A_624 = arith.index_cast %get3A_623 : i32 to index
      %get3A_625 = arith.index_cast %mul3A_622 : i32 to index
      %get3A_626 = tpu.vector_load %arg9[%get3A_624, %get3A_625] {strides = array<i32>} : memref<16x512xf32, #tpu.memory_space<vmem>>, vector<1x16xf32>,
      %get3A_627 = vector.shape_cast %get3A_626 : vector<1x16xf32> to vector<16xf32>
      %mul3A_628 = arith.constant 16 : i32
      %mul3A_629 = arith.muli %scan3A_509, %mul3A_628 : i32
      %get3A_630 = arith.constant 11 : i32
      %get3A_631 = arith.index_cast %get3A_630 : i32 to index
      %get3A_632 = arith.index_cast %mul3A_629 : i32 to index
      %get3A_633 = tpu.vector_load %arg9[%get3A_631, %get3A_632] {strides = array<i32>} : memref<16x512xf32, #tpu.memory_space<vmem>>, vector<1x16xf32>,
      %get3A_634 = vector.shape_cast %get3A_633 : vector<1x16xf32> to vector<16xf32>
      %mul3A_635 = arith.mulf %mul3A_399, %get3A_627 : vector<16xf32>
      %mul3A_636 = arith.mulf %mul3A_403, %get3A_634 : vector<16xf32>
      %add3A_637 = arith.addf %add3A_615, %mul3A_635 : vector<16xf32>
      %add3A_638 = arith.addf %add3A_616, %mul3A_636 : vector<16xf32>
      %mul3A_639 = arith.mulf %mul3A_635, %get3A_627 : vector<16xf32>
      %add3A_640 = arith.addf %add3A_618, %mul3A_639 : vector<16xf32>
      %mul3A_641 = arith.mulf %mul3A_636, %get3A_634 : vector<16xf32>
      %add3A_642 = arith.addf %add3A_620, %mul3A_641 : vector<16xf32>
      %mul3A_643 = arith.constant 16 : i32
      %mul3A_644 = arith.muli %scan3A_509, %mul3A_643 : i32
      %get3A_645 = arith.constant 12 : i32
      %get3A_646 = arith.index_cast %get3A_645 : i32 to index
      %get3A_647 = arith.index_cast %mul3A_644 : i32 to index
      %get3A_648 = tpu.vector_load %arg9[%get3A_646, %get3A_647] {strides = array<i32>} : memref<16x512xf32, #tpu.memory_space<vmem>>, vector<1x16xf32>,
      %get3A_649 = vector.shape_cast %get3A_648 : vector<1x16xf32> to vector<16xf32>
      %mul3A_650 = arith.constant 16 : i32
      %mul3A_651 = arith.muli %scan3A_509, %mul3A_650 : i32
      %get3A_652 = arith.constant 13 : i32
      %get3A_653 = arith.index_cast %get3A_652 : i32 to index
      %get3A_654 = arith.index_cast %mul3A_651 : i32 to index
      %get3A_655 = tpu.vector_load %arg9[%get3A_653, %get3A_654] {strides = array<i32>} : memref<16x512xf32, #tpu.memory_space<vmem>>, vector<1x16xf32>,
      %get3A_656 = vector.shape_cast %get3A_655 : vector<1x16xf32> to vector<16xf32>
      %mul3A_657 = arith.mulf %mul3A_407, %get3A_649 : vector<16xf32>
      %mul3A_658 = arith.mulf %mul3A_411, %get3A_656 : vector<16xf32>
      %add3A_659 = arith.addf %add3A_637, %mul3A_657 : vector<16xf32>
      %add3A_660 = arith.addf %add3A_638, %mul3A_658 : vector<16xf32>
      %mul3A_661 = arith.mulf %mul3A_657, %get3A_649 : vector<16xf32>
      %add3A_662 = arith.addf %add3A_640, %mul3A_661 : vector<16xf32>
      %mul3A_663 = arith.mulf %mul3A_658, %get3A_656 : vector<16xf32>
      %add3A_664 = arith.addf %add3A_642, %mul3A_663 : vector<16xf32>
      %mul3A_665 = arith.constant 16 : i32
      %mul3A_666 = arith.muli %scan3A_509, %mul3A_665 : i32
      %get3A_667 = arith.constant 14 : i32
      %get3A_668 = arith.index_cast %get3A_667 : i32 to index
      %get3A_669 = arith.index_cast %mul3A_666 : i32 to index
      %get3A_670 = tpu.vector_load %arg9[%get3A_668, %get3A_669] {strides = array<i32>} : memref<16x512xf32, #tpu.memory_space<vmem>>, vector<1x16xf32>,
      %get3A_671 = vector.shape_cast %get3A_670 : vector<1x16xf32> to vector<16xf32>
      %mul3A_672 = arith.constant 16 : i32
      %mul3A_673 = arith.muli %scan3A_509, %mul3A_672 : i32
      %get3A_674 = arith.constant 15 : i32
      %get3A_675 = arith.index_cast %get3A_674 : i32 to index
      %get3A_676 = arith.index_cast %mul3A_673 : i32 to index
      %get3A_677 = tpu.vector_load %arg9[%get3A_675, %get3A_676] {strides = array<i32>} : memref<16x512xf32, #tpu.memory_space<vmem>>, vector<1x16xf32>,
      %get3A_678 = vector.shape_cast %get3A_677 : vector<1x16xf32> to vector<16xf32>
      %mul3A_679 = arith.mulf %mul3A_415, %get3A_671 : vector<16xf32>
      %mul3A_680 = arith.mulf %mul3A_419, %get3A_678 : vector<16xf32>
      %add3A_681 = arith.addf %add3A_659, %mul3A_679 : vector<16xf32>
      %add3A_682 = arith.addf %add3A_660, %mul3A_680 : vector<16xf32>
      %mul3A_683 = arith.mulf %mul3A_679, %get3A_671 : vector<16xf32>
      %add3A_684 = arith.addf %add3A_662, %mul3A_683 : vector<16xf32>
      %mul3A_685 = arith.mulf %mul3A_680, %get3A_678 : vector<16xf32>
      %add3A_686 = arith.addf %add3A_664, %mul3A_685 : vector<16xf32>
      %mul3A_687 = arith.constant 16 : i32
      %mul3A_688 = arith.muli %scan3A_509, %mul3A_687 : i32
      %get3A_689 = arith.index_cast %mul3A_688 : i32 to index
      %get3A_690 = tpu.vector_load %arg11[%get3A_689] {strides = array<i32>} : memref<512xf32, #tpu.memory_space<vmem>>, vector<16xf32>,
      %get3A_691 = vector.shape_cast %get3A_690 : vector<16xf32> to vector<16xf32>
      %add3A_692 = arith.addf %add3A_681, %add3A_682 : vector<16xf32>
      %add3A_693 = arith.addf %get3A_691, %add3A_692 : vector<16xf32>
      %swap3A_694 = arith.index_cast %mul3A_688 : i32 to index
      %swap3A_695 = tpu.vector_load %arg11[%swap3A_694] {strides = array<i32>} : memref<512xf32, #tpu.memory_space<vmem>>, vector<16xf32>,
      %swap3A_696 = vector.shape_cast %swap3A_695 : vector<16xf32> to vector<16xf32>
      %swap3A_697 = vector.shape_cast %add3A_693 : vector<16xf32> to vector<16xf32>
      tpu.vector_store %arg11[%swap3A_694], %swap3A_697 {strides = array<i32>} : memref<512xf32, #tpu.memory_space<vmem>>, vector<16xf32>,
      %mul3A_698 = arith.constant 16 : i32
      %mul3A_699 = arith.muli %scan3A_509, %mul3A_698 : i32
      %get3A_700 = arith.index_cast %mul3A_699 : i32 to index
      %get3A_701 = tpu.vector_load %arg12[%get3A_700] {strides = array<i32>} : memref<512xf32, #tpu.memory_space<vmem>>, vector<16xf32>,
      %get3A_702 = vector.shape_cast %get3A_701 : vector<16xf32> to vector<16xf32>
      %add3A_703 = arith.addf %add3A_684, %add3A_686 : vector<16xf32>
      %add3A_704 = arith.addf %get3A_702, %add3A_703 : vector<16xf32>
      %swap3A_705 = arith.index_cast %mul3A_699 : i32 to index
      %swap3A_706 = tpu.vector_load %arg12[%swap3A_705] {strides = array<i32>} : memref<512xf32, #tpu.memory_space<vmem>>, vector<16xf32>,
      %swap3A_707 = vector.shape_cast %swap3A_706 : vector<16xf32> to vector<16xf32>
      %swap3A_708 = vector.shape_cast %add3A_704 : vector<16xf32> to vector<16xf32>
      tpu.vector_store %arg12[%swap3A_705], %swap3A_708 {strides = array<i32>} : memref<512xf32, #tpu.memory_space<vmem>>, vector<16xf32>,
      %scan3A_709 = arith.constant 0 : i32
      scf.yield %scan3A_709 : i32
    }
    %scan3A_426 = arith.constant 32 : i32
    %dma_wait3A_427 = arith.constant 0 : i32
    %dma_wait3A_428 = arith.constant 0 : i32
    %dma_wait3A_429 = tpu.memref_slice %arg4[%dma_wait3A_427, %dma_wait3A_428] : memref<16384x512xf32, #tpu.memory_space<hbm>> -> memref<16384x512xf32, #tpu.memory_space<hbm>>
    tpu.wait_indirect_dma semaphore(%arg16 : memref<!tpu.dma_semaphore, #tpu.memory_space<semaphore_mem>>) src(%dma_wait3A_429 : memref<16384x512xf32, #tpu.memory_space<hbm>>) dst(%arg10 : memref<16x512xf32, #tpu.memory_space<vmem>>)
    %get3A_430 = arith.constant 32 : index
    %get3A_431 = tpu.vector_load %arg7[%get3A_430] {strides = array<i32>} : memref<48xf32, #tpu.memory_space<vmem>>, vector<16xf32>,
    %get3A_432 = vector.shape_cast %get3A_431 : vector<16xf32> to vector<16xf32>
    %add3A_433 = arith.addf %add3A_355, %get3A_432 : vector<16xf32>
    %slice3A_434 = vector.extract_strided_slice %get3A_432 {offsets = [0], sizes = [1], strides = [1]} : vector<16xf32> to vector<1xf32>
    %squeeze3A_435 = vector.extract %slice3A_434[0] : f32 from vector<1xf32>
    %mul3A_436 = vector.broadcast %squeeze3A_435 : f32 to vector<16xf32>
    %mul3A_437 = arith.mulf %mul3A_436, %broadcast_in_dim3A_274 : vector<16xf32>
    %slice3A_438 = vector.extract_strided_slice %get3A_432 {offsets = [1], sizes = [1], strides = [1]} : vector<16xf32> to vector<1xf32>
    %squeeze3A_439 = vector.extract %slice3A_438[0] : f32 from vector<1xf32>
    %mul3A_440 = vector.broadcast %squeeze3A_439 : f32 to vector<16xf32>
    %mul3A_441 = arith.mulf %mul3A_440, %broadcast_in_dim3A_274 : vector<16xf32>
    %slice3A_442 = vector.extract_strided_slice %get3A_432 {offsets = [2], sizes = [1], strides = [1]} : vector<16xf32> to vector<1xf32>
    %squeeze3A_443 = vector.extract %slice3A_442[0] : f32 from vector<1xf32>
    %mul3A_444 = vector.broadcast %squeeze3A_443 : f32 to vector<16xf32>
    %mul3A_445 = arith.mulf %mul3A_444, %broadcast_in_dim3A_274 : vector<16xf32>
    %slice3A_446 = vector.extract_strided_slice %get3A_432 {offsets = [3], sizes = [1], strides = [1]} : vector<16xf32> to vector<1xf32>
    %squeeze3A_447 = vector.extract %slice3A_446[0] : f32 from vector<1xf32>
    %mul3A_448 = vector.broadcast %squeeze3A_447 : f32 to vector<16xf32>
    %mul3A_449 = arith.mulf %mul3A_448, %broadcast_in_dim3A_274 : vector<16xf32>
    %slice3A_450 = vector.extract_strided_slice %get3A_432 {offsets = [4], sizes = [1], strides = [1]} : vector<16xf32> to vector<1xf32>
    %squeeze3A_451 = vector.extract %slice3A_450[0] : f32 from vector<1xf32>
    %mul3A_452 = vector.broadcast %squeeze3A_451 : f32 to vector<16xf32>
    %mul3A_453 = arith.mulf %mul3A_452, %broadcast_in_dim3A_274 : vector<16xf32>
    %slice3A_454 = vector.extract_strided_slice %get3A_432 {offsets = [5], sizes = [1], strides = [1]} : vector<16xf32> to vector<1xf32>
    %squeeze3A_455 = vector.extract %slice3A_454[0] : f32 from vector<1xf32>
    %mul3A_456 = vector.broadcast %squeeze3A_455 : f32 to vector<16xf32>
    %mul3A_457 = arith.mulf %mul3A_456, %broadcast_in_dim3A_274 : vector<16xf32>
    %slice3A_458 = vector.extract_strided_slice %get3A_432 {offsets = [6], sizes = [1], strides = [1]} : vector<16xf32> to vector<1xf32>
    %squeeze3A_459 = vector.extract %slice3A_458[0] : f32 from vector<1xf32>
    %mul3A_460 = vector.broadcast %squeeze3A_459 : f32 to vector<16xf32>
    %mul3A_461 = arith.mulf %mul3A_460, %broadcast_in_dim3A_274 : vector<16xf32>
    %slice3A_462 = vector.extract_strided_slice %get3A_432 {offsets = [7], sizes = [1], strides = [1]} : vector<16xf32> to vector<1xf32>
    %squeeze3A_463 = vector.extract %slice3A_462[0] : f32 from vector<1xf32>
    %mul3A_464 = vector.broadcast %squeeze3A_463 : f32 to vector<16xf32>
    %mul3A_465 = arith.mulf %mul3A_464, %broadcast_in_dim3A_274 : vector<16xf32>
    %slice3A_466 = vector.extract_strided_slice %get3A_432 {offsets = [8], sizes = [1], strides = [1]} : vector<16xf32> to vector<1xf32>
    %squeeze3A_467 = vector.extract %slice3A_466[0] : f32 from vector<1xf32>
    %mul3A_468 = vector.broadcast %squeeze3A_467 : f32 to vector<16xf32>
    %mul3A_469 = arith.mulf %mul3A_468, %broadcast_in_dim3A_274 : vector<16xf32>
    %slice3A_470 = vector.extract_strided_slice %get3A_432 {offsets = [9], sizes = [1], strides = [1]} : vector<16xf32> to vector<1xf32>
    %squeeze3A_471 = vector.extract %slice3A_470[0] : f32 from vector<1xf32>
    %mul3A_472 = vector.broadcast %squeeze3A_471 : f32 to vector<16xf32>
    %mul3A_473 = arith.mulf %mul3A_472, %broadcast_in_dim3A_274 : vector<16xf32>
    %slice3A_474 = vector.extract_strided_slice %get3A_432 {offsets = [10], sizes = [1], strides = [1]} : vector<16xf32> to vector<1xf32>
    %squeeze3A_475 = vector.extract %slice3A_474[0] : f32 from vector<1xf32>
    %mul3A_476 = vector.broadcast %squeeze3A_475 : f32 to vector<16xf32>
    %mul3A_477 = arith.mulf %mul3A_476, %broadcast_in_dim3A_274 : vector<16xf32>
    %slice3A_478 = vector.extract_strided_slice %get3A_432 {offsets = [11], sizes = [1], strides = [1]} : vector<16xf32> to vector<1xf32>
    %squeeze3A_479 = vector.extract %slice3A_478[0] : f32 from vector<1xf32>
    %mul3A_480 = vector.broadcast %squeeze3A_479 : f32 to vector<16xf32>
    %mul3A_481 = arith.mulf %mul3A_480, %broadcast_in_dim3A_274 : vector<16xf32>
    %slice3A_482 = vector.extract_strided_slice %get3A_432 {offsets = [12], sizes = [1], strides = [1]} : vector<16xf32> to vector<1xf32>
    %squeeze3A_483 = vector.extract %slice3A_482[0] : f32 from vector<1xf32>
    %mul3A_484 = vector.broadcast %squeeze3A_483 : f32 to vector<16xf32>
    %mul3A_485 = arith.mulf %mul3A_484, %broadcast_in_dim3A_274 : vector<16xf32>
    %slice3A_486 = vector.extract_strided_slice %get3A_432 {offsets = [13], sizes = [1], strides = [1]} : vector<16xf32> to vector<1xf32>
    %squeeze3A_487 = vector.extract %slice3A_486[0] : f32 from vector<1xf32>
    %mul3A_488 = vector.broadcast %squeeze3A_487 : f32 to vector<16xf32>
    %mul3A_489 = arith.mulf %mul3A_488, %broadcast_in_dim3A_274 : vector<16xf32>
    %slice3A_490 = vector.extract_strided_slice %get3A_432 {offsets = [14], sizes = [1], strides = [1]} : vector<16xf32> to vector<1xf32>
    %squeeze3A_491 = vector.extract %slice3A_490[0] : f32 from vector<1xf32>
    %mul3A_492 = vector.broadcast %squeeze3A_491 : f32 to vector<16xf32>
    %mul3A_493 = arith.mulf %mul3A_492, %broadcast_in_dim3A_274 : vector<16xf32>
    %slice3A_494 = vector.extract_strided_slice %get3A_432 {offsets = [15], sizes = [1], strides = [1]} : vector<16xf32> to vector<1xf32>
    %squeeze3A_495 = vector.extract %slice3A_494[0] : f32 from vector<1xf32>
    %mul3A_496 = vector.broadcast %squeeze3A_495 : f32 to vector<16xf32>
    %mul3A_497 = arith.mulf %mul3A_496, %broadcast_in_dim3A_274 : vector<16xf32>
    %scan3A_498 = arith.constant 0 : i32
    %scan3A_499 = arith.constant 0 : i32
    %scan3A_500 = arith.constant 32 : i32
    %scan3A_501 = arith.addi %scan3A_499, %scan3A_500 : i32
    %scan3A_502 = arith.constant 1 : i32
    %scan3A_503 = scf.for %scan3A_509 = %scan3A_499 to %scan3A_501 step %scan3A_502 iter_args(%scan3A_510 = %scan3A_498) -> (i32)  : i32 {
      %mul3A_511 = arith.constant 16 : i32
      %mul3A_512 = arith.muli %scan3A_509, %mul3A_511 : i32
      %get3A_513 = arith.constant 0 : i32
      %get3A_514 = arith.index_cast %get3A_513 : i32 to index
      %get3A_515 = arith.index_cast %mul3A_512 : i32 to index
      %get3A_516 = tpu.vector_load %arg10[%get3A_514, %get3A_515] {strides = array<i32>} : memref<16x512xf32, #tpu.memory_space<vmem>>, vector<1x16xf32>,
      %get3A_517 = vector.shape_cast %get3A_516 : vector<1x16xf32> to vector<16xf32>
      %mul3A_518 = arith.constant 16 : i32
      %mul3A_519 = arith.muli %scan3A_509, %mul3A_518 : i32
      %get3A_520 = arith.constant 1 : i32
      %get3A_521 = arith.index_cast %get3A_520 : i32 to index
      %get3A_522 = arith.index_cast %mul3A_519 : i32 to index
      %get3A_523 = tpu.vector_load %arg10[%get3A_521, %get3A_522] {strides = array<i32>} : memref<16x512xf32, #tpu.memory_space<vmem>>, vector<1x16xf32>,
      %get3A_524 = vector.shape_cast %get3A_523 : vector<1x16xf32> to vector<16xf32>
      %mul3A_525 = arith.mulf %mul3A_437, %get3A_517 : vector<16xf32>
      %mul3A_526 = arith.mulf %mul3A_441, %get3A_524 : vector<16xf32>
      %add3A_527 = arith.addf %broadcast_in_dim3A_17, %mul3A_525 : vector<16xf32>
      %add3A_528 = arith.addf %broadcast_in_dim3A_17, %mul3A_526 : vector<16xf32>
      %mul3A_529 = arith.mulf %mul3A_525, %get3A_517 : vector<16xf32>
      %add3A_530 = arith.addf %broadcast_in_dim3A_17, %mul3A_529 : vector<16xf32>
      %mul3A_531 = arith.mulf %mul3A_526, %get3A_524 : vector<16xf32>
      %add3A_532 = arith.addf %broadcast_in_dim3A_17, %mul3A_531 : vector<16xf32>
      %mul3A_533 = arith.constant 16 : i32
      %mul3A_534 = arith.muli %scan3A_509, %mul3A_533 : i32
      %get3A_535 = arith.constant 2 : i32
      %get3A_536 = arith.index_cast %get3A_535 : i32 to index
      %get3A_537 = arith.index_cast %mul3A_534 : i32 to index
      %get3A_538 = tpu.vector_load %arg10[%get3A_536, %get3A_537] {strides = array<i32>} : memref<16x512xf32, #tpu.memory_space<vmem>>, vector<1x16xf32>,
      %get3A_539 = vector.shape_cast %get3A_538 : vector<1x16xf32> to vector<16xf32>
      %mul3A_540 = arith.constant 16 : i32
      %mul3A_541 = arith.muli %scan3A_509, %mul3A_540 : i32
      %get3A_542 = arith.constant 3 : i32
      %get3A_543 = arith.index_cast %get3A_542 : i32 to index
      %get3A_544 = arith.index_cast %mul3A_541 : i32 to index
      %get3A_545 = tpu.vector_load %arg10[%get3A_543, %get3A_544] {strides = array<i32>} : memref<16x512xf32, #tpu.memory_space<vmem>>, vector<1x16xf32>,
      %get3A_546 = vector.shape_cast %get3A_545 : vector<1x16xf32> to vector<16xf32>
      %mul3A_547 = arith.mulf %mul3A_445, %get3A_539 : vector<16xf32>
      %mul3A_548 = arith.mulf %mul3A_449, %get3A_546 : vector<16xf32>
      %add3A_549 = arith.addf %add3A_527, %mul3A_547 : vector<16xf32>
      %add3A_550 = arith.addf %add3A_528, %mul3A_548 : vector<16xf32>
      %mul3A_551 = arith.mulf %mul3A_547, %get3A_539 : vector<16xf32>
      %add3A_552 = arith.addf %add3A_530, %mul3A_551 : vector<16xf32>
      %mul3A_553 = arith.mulf %mul3A_548, %get3A_546 : vector<16xf32>
      %add3A_554 = arith.addf %add3A_532, %mul3A_553 : vector<16xf32>
      %mul3A_555 = arith.constant 16 : i32
      %mul3A_556 = arith.muli %scan3A_509, %mul3A_555 : i32
      %get3A_557 = arith.constant 4 : i32
      %get3A_558 = arith.index_cast %get3A_557 : i32 to index
      %get3A_559 = arith.index_cast %mul3A_556 : i32 to index
      %get3A_560 = tpu.vector_load %arg10[%get3A_558, %get3A_559] {strides = array<i32>} : memref<16x512xf32, #tpu.memory_space<vmem>>, vector<1x16xf32>,
      %get3A_561 = vector.shape_cast %get3A_560 : vector<1x16xf32> to vector<16xf32>
      %mul3A_562 = arith.constant 16 : i32
      %mul3A_563 = arith.muli %scan3A_509, %mul3A_562 : i32
      %get3A_564 = arith.constant 5 : i32
      %get3A_565 = arith.index_cast %get3A_564 : i32 to index
      %get3A_566 = arith.index_cast %mul3A_563 : i32 to index
      %get3A_567 = tpu.vector_load %arg10[%get3A_565, %get3A_566] {strides = array<i32>} : memref<16x512xf32, #tpu.memory_space<vmem>>, vector<1x16xf32>,
      %get3A_568 = vector.shape_cast %get3A_567 : vector<1x16xf32> to vector<16xf32>
      %mul3A_569 = arith.mulf %mul3A_453, %get3A_561 : vector<16xf32>
      %mul3A_570 = arith.mulf %mul3A_457, %get3A_568 : vector<16xf32>
      %add3A_571 = arith.addf %add3A_549, %mul3A_569 : vector<16xf32>
      %add3A_572 = arith.addf %add3A_550, %mul3A_570 : vector<16xf32>
      %mul3A_573 = arith.mulf %mul3A_569, %get3A_561 : vector<16xf32>
      %add3A_574 = arith.addf %add3A_552, %mul3A_573 : vector<16xf32>
      %mul3A_575 = arith.mulf %mul3A_570, %get3A_568 : vector<16xf32>
      %add3A_576 = arith.addf %add3A_554, %mul3A_575 : vector<16xf32>
      %mul3A_577 = arith.constant 16 : i32
      %mul3A_578 = arith.muli %scan3A_509, %mul3A_577 : i32
      %get3A_579 = arith.constant 6 : i32
      %get3A_580 = arith.index_cast %get3A_579 : i32 to index
      %get3A_581 = arith.index_cast %mul3A_578 : i32 to index
      %get3A_582 = tpu.vector_load %arg10[%get3A_580, %get3A_581] {strides = array<i32>} : memref<16x512xf32, #tpu.memory_space<vmem>>, vector<1x16xf32>,
      %get3A_583 = vector.shape_cast %get3A_582 : vector<1x16xf32> to vector<16xf32>
      %mul3A_584 = arith.constant 16 : i32
      %mul3A_585 = arith.muli %scan3A_509, %mul3A_584 : i32
      %get3A_586 = arith.constant 7 : i32
      %get3A_587 = arith.index_cast %get3A_586 : i32 to index
      %get3A_588 = arith.index_cast %mul3A_585 : i32 to index
      %get3A_589 = tpu.vector_load %arg10[%get3A_587, %get3A_588] {strides = array<i32>} : memref<16x512xf32, #tpu.memory_space<vmem>>, vector<1x16xf32>,
      %get3A_590 = vector.shape_cast %get3A_589 : vector<1x16xf32> to vector<16xf32>
      %mul3A_591 = arith.mulf %mul3A_461, %get3A_583 : vector<16xf32>
      %mul3A_592 = arith.mulf %mul3A_465, %get3A_590 : vector<16xf32>
      %add3A_593 = arith.addf %add3A_571, %mul3A_591 : vector<16xf32>
      %add3A_594 = arith.addf %add3A_572, %mul3A_592 : vector<16xf32>
      %mul3A_595 = arith.mulf %mul3A_591, %get3A_583 : vector<16xf32>
      %add3A_596 = arith.addf %add3A_574, %mul3A_595 : vector<16xf32>
      %mul3A_597 = arith.mulf %mul3A_592, %get3A_590 : vector<16xf32>
      %add3A_598 = arith.addf %add3A_576, %mul3A_597 : vector<16xf32>
      %mul3A_599 = arith.constant 16 : i32
      %mul3A_600 = arith.muli %scan3A_509, %mul3A_599 : i32
      %get3A_601 = arith.constant 8 : i32
      %get3A_602 = arith.index_cast %get3A_601 : i32 to index
      %get3A_603 = arith.index_cast %mul3A_600 : i32 to index
      %get3A_604 = tpu.vector_load %arg10[%get3A_602, %get3A_603] {strides = array<i32>} : memref<16x512xf32, #tpu.memory_space<vmem>>, vector<1x16xf32>,
      %get3A_605 = vector.shape_cast %get3A_604 : vector<1x16xf32> to vector<16xf32>
      %mul3A_606 = arith.constant 16 : i32
      %mul3A_607 = arith.muli %scan3A_509, %mul3A_606 : i32
      %get3A_608 = arith.constant 9 : i32
      %get3A_609 = arith.index_cast %get3A_608 : i32 to index
      %get3A_610 = arith.index_cast %mul3A_607 : i32 to index
      %get3A_611 = tpu.vector_load %arg10[%get3A_609, %get3A_610] {strides = array<i32>} : memref<16x512xf32, #tpu.memory_space<vmem>>, vector<1x16xf32>,
      %get3A_612 = vector.shape_cast %get3A_611 : vector<1x16xf32> to vector<16xf32>
      %mul3A_613 = arith.mulf %mul3A_469, %get3A_605 : vector<16xf32>
      %mul3A_614 = arith.mulf %mul3A_473, %get3A_612 : vector<16xf32>
      %add3A_615 = arith.addf %add3A_593, %mul3A_613 : vector<16xf32>
      %add3A_616 = arith.addf %add3A_594, %mul3A_614 : vector<16xf32>
      %mul3A_617 = arith.mulf %mul3A_613, %get3A_605 : vector<16xf32>
      %add3A_618 = arith.addf %add3A_596, %mul3A_617 : vector<16xf32>
      %mul3A_619 = arith.mulf %mul3A_614, %get3A_612 : vector<16xf32>
      %add3A_620 = arith.addf %add3A_598, %mul3A_619 : vector<16xf32>
      %mul3A_621 = arith.constant 16 : i32
      %mul3A_622 = arith.muli %scan3A_509, %mul3A_621 : i32
      %get3A_623 = arith.constant 10 : i32
      %get3A_624 = arith.index_cast %get3A_623 : i32 to index
      %get3A_625 = arith.index_cast %mul3A_622 : i32 to index
      %get3A_626 = tpu.vector_load %arg10[%get3A_624, %get3A_625] {strides = array<i32>} : memref<16x512xf32, #tpu.memory_space<vmem>>, vector<1x16xf32>,
      %get3A_627 = vector.shape_cast %get3A_626 : vector<1x16xf32> to vector<16xf32>
      %mul3A_628 = arith.constant 16 : i32
      %mul3A_629 = arith.muli %scan3A_509, %mul3A_628 : i32
      %get3A_630 = arith.constant 11 : i32
      %get3A_631 = arith.index_cast %get3A_630 : i32 to index
      %get3A_632 = arith.index_cast %mul3A_629 : i32 to index
      %get3A_633 = tpu.vector_load %arg10[%get3A_631, %get3A_632] {strides = array<i32>} : memref<16x512xf32, #tpu.memory_space<vmem>>, vector<1x16xf32>,
      %get3A_634 = vector.shape_cast %get3A_633 : vector<1x16xf32> to vector<16xf32>
      %mul3A_635 = arith.mulf %mul3A_477, %get3A_627 : vector<16xf32>
      %mul3A_636 = arith.mulf %mul3A_481, %get3A_634 : vector<16xf32>
      %add3A_637 = arith.addf %add3A_615, %mul3A_635 : vector<16xf32>
      %add3A_638 = arith.addf %add3A_616, %mul3A_636 : vector<16xf32>
      %mul3A_639 = arith.mulf %mul3A_635, %get3A_627 : vector<16xf32>
      %add3A_640 = arith.addf %add3A_618, %mul3A_639 : vector<16xf32>
      %mul3A_641 = arith.mulf %mul3A_636, %get3A_634 : vector<16xf32>
      %add3A_642 = arith.addf %add3A_620, %mul3A_641 : vector<16xf32>
      %mul3A_643 = arith.constant 16 : i32
      %mul3A_644 = arith.muli %scan3A_509, %mul3A_643 : i32
      %get3A_645 = arith.constant 12 : i32
      %get3A_646 = arith.index_cast %get3A_645 : i32 to index
      %get3A_647 = arith.index_cast %mul3A_644 : i32 to index
      %get3A_648 = tpu.vector_load %arg10[%get3A_646, %get3A_647] {strides = array<i32>} : memref<16x512xf32, #tpu.memory_space<vmem>>, vector<1x16xf32>,
      %get3A_649 = vector.shape_cast %get3A_648 : vector<1x16xf32> to vector<16xf32>
      %mul3A_650 = arith.constant 16 : i32
      %mul3A_651 = arith.muli %scan3A_509, %mul3A_650 : i32
      %get3A_652 = arith.constant 13 : i32
      %get3A_653 = arith.index_cast %get3A_652 : i32 to index
      %get3A_654 = arith.index_cast %mul3A_651 : i32 to index
      %get3A_655 = tpu.vector_load %arg10[%get3A_653, %get3A_654] {strides = array<i32>} : memref<16x512xf32, #tpu.memory_space<vmem>>, vector<1x16xf32>,
      %get3A_656 = vector.shape_cast %get3A_655 : vector<1x16xf32> to vector<16xf32>
      %mul3A_657 = arith.mulf %mul3A_485, %get3A_649 : vector<16xf32>
      %mul3A_658 = arith.mulf %mul3A_489, %get3A_656 : vector<16xf32>
      %add3A_659 = arith.addf %add3A_637, %mul3A_657 : vector<16xf32>
      %add3A_660 = arith.addf %add3A_638, %mul3A_658 : vector<16xf32>
      %mul3A_661 = arith.mulf %mul3A_657, %get3A_649 : vector<16xf32>
      %add3A_662 = arith.addf %add3A_640, %mul3A_661 : vector<16xf32>
      %mul3A_663 = arith.mulf %mul3A_658, %get3A_656 : vector<16xf32>
      %add3A_664 = arith.addf %add3A_642, %mul3A_663 : vector<16xf32>
      %mul3A_665 = arith.constant 16 : i32
      %mul3A_666 = arith.muli %scan3A_509, %mul3A_665 : i32
      %get3A_667 = arith.constant 14 : i32
      %get3A_668 = arith.index_cast %get3A_667 : i32 to index
      %get3A_669 = arith.index_cast %mul3A_666 : i32 to index
      %get3A_670 = tpu.vector_load %arg10[%get3A_668, %get3A_669] {strides = array<i32>} : memref<16x512xf32, #tpu.memory_space<vmem>>, vector<1x16xf32>,
      %get3A_671 = vector.shape_cast %get3A_670 : vector<1x16xf32> to vector<16xf32>
      %mul3A_672 = arith.constant 16 : i32
      %mul3A_673 = arith.muli %scan3A_509, %mul3A_672 : i32
      %get3A_674 = arith.constant 15 : i32
      %get3A_675 = arith.index_cast %get3A_674 : i32 to index
      %get3A_676 = arith.index_cast %mul3A_673 : i32 to index
      %get3A_677 = tpu.vector_load %arg10[%get3A_675, %get3A_676] {strides = array<i32>} : memref<16x512xf32, #tpu.memory_space<vmem>>, vector<1x16xf32>,
      %get3A_678 = vector.shape_cast %get3A_677 : vector<1x16xf32> to vector<16xf32>
      %mul3A_679 = arith.mulf %mul3A_493, %get3A_671 : vector<16xf32>
      %mul3A_680 = arith.mulf %mul3A_497, %get3A_678 : vector<16xf32>
      %add3A_681 = arith.addf %add3A_659, %mul3A_679 : vector<16xf32>
      %add3A_682 = arith.addf %add3A_660, %mul3A_680 : vector<16xf32>
      %mul3A_683 = arith.mulf %mul3A_679, %get3A_671 : vector<16xf32>
      %add3A_684 = arith.addf %add3A_662, %mul3A_683 : vector<16xf32>
      %mul3A_685 = arith.mulf %mul3A_680, %get3A_678 : vector<16xf32>
      %add3A_686 = arith.addf %add3A_664, %mul3A_685 : vector<16xf32>
      %mul3A_687 = arith.constant 16 : i32
      %mul3A_688 = arith.muli %scan3A_509, %mul3A_687 : i32
      %get3A_689 = arith.index_cast %mul3A_688 : i32 to index
      %get3A_690 = tpu.vector_load %arg11[%get3A_689] {strides = array<i32>} : memref<512xf32, #tpu.memory_space<vmem>>, vector<16xf32>,
      %get3A_691 = vector.shape_cast %get3A_690 : vector<16xf32> to vector<16xf32>
      %add3A_692 = arith.addf %add3A_681, %add3A_682 : vector<16xf32>
      %add3A_693 = arith.addf %get3A_691, %add3A_692 : vector<16xf32>
      %swap3A_694 = arith.index_cast %mul3A_688 : i32 to index
      %swap3A_695 = tpu.vector_load %arg11[%swap3A_694] {strides = array<i32>} : memref<512xf32, #tpu.memory_space<vmem>>, vector<16xf32>,
      %swap3A_696 = vector.shape_cast %swap3A_695 : vector<16xf32> to vector<16xf32>
      %swap3A_697 = vector.shape_cast %add3A_693 : vector<16xf32> to vector<16xf32>
      tpu.vector_store %arg11[%swap3A_694], %swap3A_697 {strides = array<i32>} : memref<512xf32, #tpu.memory_space<vmem>>, vector<16xf32>,
      %mul3A_698 = arith.constant 16 : i32
      %mul3A_699 = arith.muli %scan3A_509, %mul3A_698 : i32
      %get3A_700 = arith.index_cast %mul3A_699 : i32 to index
      %get3A_701 = tpu.vector_load %arg12[%get3A_700] {strides = array<i32>} : memref<512xf32, #tpu.memory_space<vmem>>, vector<16xf32>,
      %get3A_702 = vector.shape_cast %get3A_701 : vector<16xf32> to vector<16xf32>
      %add3A_703 = arith.addf %add3A_684, %add3A_686 : vector<16xf32>
      %add3A_704 = arith.addf %get3A_702, %add3A_703 : vector<16xf32>
      %swap3A_705 = arith.index_cast %mul3A_699 : i32 to index
      %swap3A_706 = tpu.vector_load %arg12[%swap3A_705] {strides = array<i32>} : memref<512xf32, #tpu.memory_space<vmem>>, vector<16xf32>,
      %swap3A_707 = vector.shape_cast %swap3A_706 : vector<16xf32> to vector<16xf32>
      %swap3A_708 = vector.shape_cast %add3A_704 : vector<16xf32> to vector<16xf32>
      tpu.vector_store %arg12[%swap3A_705], %swap3A_708 {strides = array<i32>} : memref<512xf32, #tpu.memory_space<vmem>>, vector<16xf32>,
      %scan3A_709 = arith.constant 0 : i32
      scf.yield %scan3A_709 : i32
    }
    %scan3A_504 = arith.constant 32 : i32
    %swap3A_505 = arith.constant 0 : index
    %swap3A_506 = tpu.vector_load %arg13[%swap3A_505] {strides = array<i32>} : memref<16xf32, #tpu.memory_space<vmem>>, vector<16xf32>,
    %swap3A_507 = vector.shape_cast %swap3A_506 : vector<16xf32> to vector<16xf32>
    %swap3A_508 = vector.shape_cast %add3A_433 : vector<16xf32> to vector<16xf32>
    tpu.vector_store %arg13[%swap3A_505], %swap3A_508 {strides = array<i32>} : memref<16xf32, #tpu.memory_space<vmem>>, vector<16xf32>,
    "tpu.region"() ({
      %run_scoped3A = tpu.sem_alloc : memref<!tpu.dma_semaphore, #tpu.memory_space<semaphore_mem>>
      %dma_start3A_509 = arith.constant 0 : i32
      %dma_start3A_510 = tpu.memref_slice %arg5[%add3A, %dma_start3A_509] : memref<32x1152xf32, #tpu.memory_space<hbm>> -> memref<1x512xf32, #tpu.memory_space<hbm>>
      %dma_start3A_511 = tpu.memref_squeeze %dma_start3A_510 : memref<1x512xf32, #tpu.memory_space<hbm>> -> memref<512xf32, #tpu.memory_space<hbm>>
      %dma_start3A_512 = arith.constant 0 : i32
      %dma_start3A_513 = tpu.memref_slice %arg5[%add3A, %dma_start3A_512] : memref<32x1152xf32, #tpu.memory_space<hbm>> -> memref<1x512xf32, #tpu.memory_space<hbm>>
      %dma_start3A_514 = tpu.memref_squeeze %dma_start3A_513 : memref<1x512xf32, #tpu.memory_space<hbm>> -> memref<512xf32, #tpu.memory_space<hbm>>
      tpu.enqueue_dma source(%arg11 : memref<512xf32, #tpu.memory_space<vmem>>) target(%dma_start3A_514 : memref<512xf32, #tpu.memory_space<hbm>>) target_semaphore(%run_scoped3A : memref<!tpu.dma_semaphore, #tpu.memory_space<semaphore_mem>>)
      %dma_wait3A_515 = arith.constant 0 : i32
      %dma_wait3A_516 = tpu.memref_slice %arg5[%add3A, %dma_wait3A_515] : memref<32x1152xf32, #tpu.memory_space<hbm>> -> memref<1x512xf32, #tpu.memory_space<hbm>>
      %dma_wait3A_517 = tpu.memref_squeeze %dma_wait3A_516 : memref<1x512xf32, #tpu.memory_space<hbm>> -> memref<512xf32, #tpu.memory_space<hbm>>
      %dma_wait3A_518 = arith.constant 0 : i32
      %dma_wait3A_519 = tpu.memref_slice %arg5[%add3A, %dma_wait3A_518] : memref<32x1152xf32, #tpu.memory_space<hbm>> -> memref<1x512xf32, #tpu.memory_space<hbm>>
      %dma_wait3A_520 = tpu.memref_squeeze %dma_wait3A_519 : memref<1x512xf32, #tpu.memory_space<hbm>> -> memref<512xf32, #tpu.memory_space<hbm>>
      tpu.wait_dma2 semaphore(%run_scoped3A : memref<!tpu.dma_semaphore, #tpu.memory_space<semaphore_mem>>) src(%arg11 : memref<512xf32, #tpu.memory_space<vmem>>) dst(%dma_wait3A_520 : memref<512xf32, #tpu.memory_space<hbm>>)
      tpu.yield
    }) : () -> ()
    "tpu.region"() ({
      %run_scoped3A = tpu.sem_alloc : memref<!tpu.dma_semaphore, #tpu.memory_space<semaphore_mem>>
      %dma_start3A_509 = arith.constant 512 : i32
      %dma_start3A_510 = tpu.memref_slice %arg5[%add3A, %dma_start3A_509] : memref<32x1152xf32, #tpu.memory_space<hbm>> -> memref<1x512xf32, #tpu.memory_space<hbm>>
      %dma_start3A_511 = tpu.memref_squeeze %dma_start3A_510 : memref<1x512xf32, #tpu.memory_space<hbm>> -> memref<512xf32, #tpu.memory_space<hbm>>
      %dma_start3A_512 = arith.constant 512 : i32
      %dma_start3A_513 = tpu.memref_slice %arg5[%add3A, %dma_start3A_512] : memref<32x1152xf32, #tpu.memory_space<hbm>> -> memref<1x512xf32, #tpu.memory_space<hbm>>
      %dma_start3A_514 = tpu.memref_squeeze %dma_start3A_513 : memref<1x512xf32, #tpu.memory_space<hbm>> -> memref<512xf32, #tpu.memory_space<hbm>>
      tpu.enqueue_dma source(%arg12 : memref<512xf32, #tpu.memory_space<vmem>>) target(%dma_start3A_514 : memref<512xf32, #tpu.memory_space<hbm>>) target_semaphore(%run_scoped3A : memref<!tpu.dma_semaphore, #tpu.memory_space<semaphore_mem>>)
      %dma_wait3A_515 = arith.constant 512 : i32
      %dma_wait3A_516 = tpu.memref_slice %arg5[%add3A, %dma_wait3A_515] : memref<32x1152xf32, #tpu.memory_space<hbm>> -> memref<1x512xf32, #tpu.memory_space<hbm>>
      %dma_wait3A_517 = tpu.memref_squeeze %dma_wait3A_516 : memref<1x512xf32, #tpu.memory_space<hbm>> -> memref<512xf32, #tpu.memory_space<hbm>>
      %dma_wait3A_518 = arith.constant 512 : i32
      %dma_wait3A_519 = tpu.memref_slice %arg5[%add3A, %dma_wait3A_518] : memref<32x1152xf32, #tpu.memory_space<hbm>> -> memref<1x512xf32, #tpu.memory_space<hbm>>
      %dma_wait3A_520 = tpu.memref_squeeze %dma_wait3A_519 : memref<1x512xf32, #tpu.memory_space<hbm>> -> memref<512xf32, #tpu.memory_space<hbm>>
      tpu.wait_dma2 semaphore(%run_scoped3A : memref<!tpu.dma_semaphore, #tpu.memory_space<semaphore_mem>>) src(%arg12 : memref<512xf32, #tpu.memory_space<vmem>>) dst(%dma_wait3A_520 : memref<512xf32, #tpu.memory_space<hbm>>)
      tpu.yield
    }) : () -> ()
    "tpu.region"() ({
      %run_scoped3A = tpu.sem_alloc : memref<!tpu.dma_semaphore, #tpu.memory_space<semaphore_mem>>
      %dma_start3A_509 = arith.constant 1024 : i32
      %dma_start3A_510 = tpu.memref_slice %arg5[%add3A, %dma_start3A_509] : memref<32x1152xf32, #tpu.memory_space<hbm>> -> memref<1x16xf32, #tpu.memory_space<hbm>>
      %dma_start3A_511 = tpu.memref_squeeze %dma_start3A_510 : memref<1x16xf32, #tpu.memory_space<hbm>> -> memref<16xf32, #tpu.memory_space<hbm>>
      %dma_start3A_512 = arith.constant 1024 : i32
      %dma_start3A_513 = tpu.memref_slice %arg5[%add3A, %dma_start3A_512] : memref<32x1152xf32, #tpu.memory_space<hbm>> -> memref<1x16xf32, #tpu.memory_space<hbm>>
      %dma_start3A_514 = tpu.memref_squeeze %dma_start3A_513 : memref<1x16xf32, #tpu.memory_space<hbm>> -> memref<16xf32, #tpu.memory_space<hbm>>
      tpu.enqueue_dma source(%arg13 : memref<16xf32, #tpu.memory_space<vmem>>) target(%dma_start3A_514 : memref<16xf32, #tpu.memory_space<hbm>>) target_semaphore(%run_scoped3A : memref<!tpu.dma_semaphore, #tpu.memory_space<semaphore_mem>>)
      %dma_wait3A_515 = arith.constant 1024 : i32
      %dma_wait3A_516 = tpu.memref_slice %arg5[%add3A, %dma_wait3A_515] : memref<32x1152xf32, #tpu.memory_space<hbm>> -> memref<1x16xf32, #tpu.memory_space<hbm>>
      %dma_wait3A_517 = tpu.memref_squeeze %dma_wait3A_516 : memref<1x16xf32, #tpu.memory_space<hbm>> -> memref<16xf32, #tpu.memory_space<hbm>>
      %dma_wait3A_518 = arith.constant 1024 : i32
      %dma_wait3A_519 = tpu.memref_slice %arg5[%add3A, %dma_wait3A_518] : memref<32x1152xf32, #tpu.memory_space<hbm>> -> memref<1x16xf32, #tpu.memory_space<hbm>>
      %dma_wait3A_520 = tpu.memref_squeeze %dma_wait3A_519 : memref<1x16xf32, #tpu.memory_space<hbm>> -> memref<16xf32, #tpu.memory_space<hbm>>
      tpu.wait_dma2 semaphore(%run_scoped3A : memref<!tpu.dma_semaphore, #tpu.memory_space<semaphore_mem>>) src(%arg13 : memref<16xf32, #tpu.memory_space<vmem>>) dst(%dma_wait3A_520 : memref<16xf32, #tpu.memory_space<hbm>>)
      tpu.yield
    }) : () -> ()
    return
  }
}

module attributes {stable_mosaic.version = 14 : i64} {
  func.func @_adv_kernel(%arg0: i32, %arg1: memref<2048x64xf32, #tpu.memory_space<vmem>>, %arg2: memref<1x64xf32, #tpu.memory_space<vmem>>, %arg3: memref<1x2048x1xf32, #tpu.memory_space<vmem>>) attributes {dimension_semantics = [#tpu.dimension_semantics<arbitrary>], iteration_bounds = array<i64: 8>, scalar_prefetch = 0 : i64, scratch_operands = 0 : i64, tpu.core_type = #tpu.core_type<tc>, window_params = [{transform_indices = @transform_0, window_bounds = array<i64: 2048, 64>}, {pipeline_mode = #tpu.pipeline_mode<synchronous>, transform_indices = @transform_1, window_bounds = array<i64: 1, 64>}, {transform_indices = @transform_2, window_bounds = array<i64: 1, 2048, 1>}]} {
    %get3A = arith.constant 0 : index
    %get3A_0 = arith.constant 0 : index
    %get3A_1 = vector.load %arg1[%get3A, %get3A_0] : memref<2048x64xf32, #tpu.memory_space<vmem>>, vector<2048x64xf32>
    %get3A_2 = arith.constant 0 : index
    %get3A_3 = arith.constant 0 : index
    %get3A_4 = vector.load %arg2[%get3A_2, %get3A_3] : memref<1x64xf32, #tpu.memory_space<vmem>>, vector<1x64xf32>
    %mul3A = vector.broadcast %get3A_4 : vector<1x64xf32> to vector<2048x64xf32>
    %mul3A_5 = arith.mulf %get3A_1, %mul3A : vector<2048x64xf32>
    %reduce_sum3A = arith.constant dense<0.000000e+00> : vector<2048xf32>
    %reduce_sum3A_6 = vector.multi_reduction <add>, %mul3A_5, %reduce_sum3A [1] : vector<2048x64xf32> to vector<2048xf32>
    %broadcast_in_dim3A = vector.shape_cast %reduce_sum3A_6 : vector<2048xf32> to vector<2048x1xf32>
    %reshape3A = vector.shape_cast %broadcast_in_dim3A : vector<2048x1xf32> to vector<1x2048x1xf32>
    %swap3A = arith.constant 0 : index
    %swap3A_7 = arith.constant 0 : index
    %swap3A_8 = arith.constant 0 : index
    %swap3A_9 = vector.load %arg3[%swap3A, %swap3A_7, %swap3A_8] : memref<1x2048x1xf32, #tpu.memory_space<vmem>>, vector<1x2048x1xf32>
    tpu.vector_store %arg3[%swap3A, %swap3A_7, %swap3A_8], %reshape3A {strides = array<i32>} : memref<1x2048x1xf32, #tpu.memory_space<vmem>>, vector<1x2048x1xf32>,
    return
  }
  func.func @transform_0(%arg0: i32) -> (i32, i32) {
    %c0_i32 = arith.constant 0 : i32
    %c0_i32_0 = arith.constant 0 : i32
    return %arg0, %c0_i32 : i32, i32
  }
  func.func @transform_1(%arg0: i32) -> (i32, i32) {
    %c0_i32 = arith.constant 0 : i32
    %c0_i32_0 = arith.constant 0 : i32
    %c0_i32_1 = arith.constant 0 : i32
    return %c0_i32, %c0_i32_0 : i32, i32
  }
  func.func @transform_2(%arg0: i32) -> (i32, i32, i32) {
    %c0_i32 = arith.constant 0 : i32
    %c0_i32_0 = arith.constant 0 : i32
    %c0_i32_1 = arith.constant 0 : i32
    return %arg0, %c0_i32, %c0_i32_0 : i32, i32, i32
  }
}

module attributes {stable_mosaic.version = 14 : i64} {
  func.func @_sel_kernel(%arg0: memref<32x512xf32, #tpu.memory_space<vmem>>, %arg1: memref<512x512xf32, #tpu.memory_space<vmem>>, %arg2: memref<32x128xi32, #tpu.memory_space<vmem>>, %arg3: memref<32x128xf32, #tpu.memory_space<vmem>>) attributes {dimension_semantics = [], scalar_prefetch = 0 : i64, scratch_operands = 0 : i64, tpu.core_type = #tpu.core_type<tc>} {
    %get3A = arith.constant 0 : index
    %get3A_0 = arith.constant 0 : index
    %get3A_1 = vector.load %arg0[%get3A, %get3A_0] : memref<32x512xf32, #tpu.memory_space<vmem>>, vector<32x512xf32>
    %bitcast_convert_type3A = tpu.bitcast %get3A_1 : vector<32x512xf32> -> vector<32x512xi32>
    %scan3A = arith.constant 0 : i32
    %scan3A_2 = arith.constant 1124073472 : i32
    %scan3A_3 = arith.constant 0 : i32
    %scan3A_4 = arith.constant 31 : i32
    %scan3A_5 = arith.addi %scan3A_3, %scan3A_4 : i32
    %scan3A_6 = arith.constant 1 : i32
    %scan3A_7:2 = scf.for %scan3A_827 = %scan3A_3 to %scan3A_5 step %scan3A_6 iter_args(%scan3A_828 = %scan3A, %scan3A_829 = %scan3A_2) -> (i32, i32)  : i32 {
      %sub3A_830 = arith.subi %scan3A_829, %scan3A_828 : i32
      %jit3A_831 = arith.constant 2 : i32
      %div3A_832 = arith.divsi %sub3A_830, %jit3A_831 : i32
      %sign3A = arith.constant 0 : i32
      %sign3A_833 = arith.cmpi sgt, %sub3A_830, %sign3A : i32
      %sign3A_834 = arith.extui %sign3A_833 : i1 to i32
      %sign3A_835 = arith.constant 0 : i32
      %sign3A_836 = arith.cmpi slt, %sub3A_830, %sign3A_835 : i32
      %sign3A_837 = arith.extui %sign3A_836 : i1 to i32
      %sign3A_838 = arith.subi %sign3A_834, %sign3A_837 : i32
      %sign3A_839 = arith.constant 0 : i32
      %sign3A_840 = arith.cmpi sgt, %jit3A_831, %sign3A_839 : i32
      %sign3A_841 = arith.extui %sign3A_840 : i1 to i32
      %sign3A_842 = arith.constant 0 : i32
      %sign3A_843 = arith.cmpi slt, %jit3A_831, %sign3A_842 : i32
      %sign3A_844 = arith.extui %sign3A_843 : i1 to i32
      %sign3A_845 = arith.subi %sign3A_841, %sign3A_844 : i32
      %ne3A = arith.cmpi ne, %sign3A_838, %sign3A_845 : i32
      %rem3A = arith.remsi %sub3A_830, %jit3A_831 : i32
      %ne3A_846 = arith.constant 0 : i32
      %ne3A_847 = arith.cmpi ne, %rem3A, %ne3A_846 : i32
      %and3A_848 = arith.andi %ne3A, %ne3A_847 : i1
      %sub3A_849 = arith.constant 1 : i32
      %sub3A_850 = arith.subi %div3A_832, %sub3A_849 : i32
      %select_n3A_851 = arith.select %and3A_848, %sub3A_850, %div3A_832 : i32
      %add3A_852 = arith.addi %scan3A_828, %select_n3A_851 : i32
      %ge3A_853 = vector.broadcast %add3A_852 : i32 to vector<32x512xi32>
      %ge3A_854 = arith.cmpi sge, %bitcast_convert_type3A, %ge3A_853 : vector<32x512xi32>
      %convert_element_type3A_855 = arith.extui %ge3A_854 : vector<32x512xi1> to vector<32x512xi32>
      %reduce_sum3A_856 = vector.shape_cast %convert_element_type3A_855 : vector<32x512xi32> to vector<1x32x512xi32>
      %reduce_sum3A_857 = arith.constant dense<0> : vector<1xi32>
      %reduce_sum3A_858 = vector.multi_reduction <add>, %reduce_sum3A_856, %reduce_sum3A_857 [1, 2] : vector<1x32x512xi32> to vector<1xi32>
      %reduce_sum3A_859 = vector.shape_cast %reduce_sum3A_858 : vector<1xi32> to vector<1x1x1xi32>
      %reduce_sum3A_860 = vector.extract %reduce_sum3A_859[0, 0, 0] : i32 from vector<1x1x1xi32>
      %ge3A_861 = arith.constant 512 : i32
      %ge3A_862 = arith.cmpi sge, %reduce_sum3A_860, %ge3A_861 : i32
      %select_n3A_863 = arith.select %ge3A_862, %add3A_852, %scan3A_828 : i32
      %select_n3A_864 = arith.select %ge3A_862, %scan3A_829, %add3A_852 : i32
      scf.yield %select_n3A_863, %select_n3A_864 : i32, i32
    }
    %sub3A = arith.constant 16 : i32
    %sub3A_8 = arith.subi %scan3A_7#0, %sub3A : i32
    %max3A = arith.constant 0 : i32
    %max3A_9 = arith.maxsi %sub3A_8, %max3A : i32
    %add3A = arith.constant 16 : i32
    %add3A_10 = arith.addi %scan3A_7#0, %add3A : i32
    %gt3A = vector.broadcast %add3A_10 : i32 to vector<32x512xi32>
    %gt3A_11 = arith.cmpi sgt, %bitcast_convert_type3A, %gt3A : vector<32x512xi32>
    %convert_element_type3A = arith.extui %gt3A_11 : vector<32x512xi1> to vector<32x512xi32>
    %reduce_sum3A = vector.shape_cast %convert_element_type3A : vector<32x512xi32> to vector<1x32x512xi32>
    %reduce_sum3A_12 = arith.constant dense<0> : vector<1xi32>
    %reduce_sum3A_13 = vector.multi_reduction <add>, %reduce_sum3A, %reduce_sum3A_12 [1, 2] : vector<1x32x512xi32> to vector<1xi32>
    %reduce_sum3A_14 = vector.shape_cast %reduce_sum3A_13 : vector<1xi32> to vector<1x1x1xi32>
    %reduce_sum3A_15 = vector.extract %reduce_sum3A_14[0, 0, 0] : i32 from vector<1x1x1xi32>
    %ge3A = vector.broadcast %max3A_9 : i32 to vector<32x512xi32>
    %ge3A_16 = arith.cmpi sge, %bitcast_convert_type3A, %ge3A : vector<32x512xi32>
    %le3A = vector.broadcast %add3A_10 : i32 to vector<32x512xi32>
    %le3A_17 = arith.cmpi sle, %bitcast_convert_type3A, %le3A : vector<32x512xi32>
    %and3A = arith.andi %ge3A_16, %le3A_17 : vector<32x512xi1>
    %convert_element_type3A_18 = arith.extui %and3A : vector<32x512xi1> to vector<32x512xi32>
    %reduce_sum3A_19 = vector.shape_cast %convert_element_type3A_18 : vector<32x512xi32> to vector<1x32x512xi32>
    %reduce_sum3A_20 = arith.constant dense<0> : vector<1xi32>
    %reduce_sum3A_21 = vector.multi_reduction <add>, %reduce_sum3A_19, %reduce_sum3A_20 [1, 2] : vector<1x32x512xi32> to vector<1xi32>
    %reduce_sum3A_22 = vector.shape_cast %reduce_sum3A_21 : vector<1xi32> to vector<1x1x1xi32>
    %reduce_sum3A_23 = vector.extract %reduce_sum3A_22[0, 0, 0] : i32 from vector<1x1x1xi32>
    %sub3A_24 = arith.constant 512 : i32
    %sub3A_25 = arith.subi %sub3A_24, %reduce_sum3A_15 : i32
    %convert_element_type3A_26 = arith.sitofp %sub3A_25 : i32 to f32
    %convert_element_type3A_27 = arith.sitofp %reduce_sum3A_23 : i32 to f32
    %div3A = arith.divf %convert_element_type3A_26, %convert_element_type3A_27 : f32
    %ge3A_28 = vector.broadcast %max3A_9 : i32 to vector<32x512xi32>
    %ge3A_29 = arith.cmpi sge, %bitcast_convert_type3A, %ge3A_28 : vector<32x512xi32>
    %convert_element_type3A_30 = arith.extui %ge3A_29 : vector<32x512xi1> to vector<32x512xi32>
    %convert_element_type3A_31 = arith.sitofp %convert_element_type3A_30 : vector<32x512xi32> to vector<32x512xf32>
    %gt3A_32 = vector.broadcast %add3A_10 : i32 to vector<32x512xi32>
    %gt3A_33 = arith.cmpi sgt, %bitcast_convert_type3A, %gt3A_32 : vector<32x512xi32>
    %jit3A = arith.constant 0.000000e+00 : f32
    %broadcast_in_dim3A = vector.broadcast %div3A : f32 to vector<32x512xf32>
    %broadcast_in_dim3A_34 = vector.broadcast %jit3A : f32 to vector<32x512xf32>
    %select_n3A = arith.select %ge3A_29, %broadcast_in_dim3A, %broadcast_in_dim3A_34 : vector<32x512xi1>, vector<32x512xf32>
    %jit3A_35 = arith.constant 1.000000e+00 : f32
    %broadcast_in_dim3A_36 = vector.broadcast %jit3A_35 : f32 to vector<32x512xf32>
    %select_n3A_37 = arith.select %gt3A_33, %broadcast_in_dim3A_36, %select_n3A : vector<32x512xi1>, vector<32x512xf32>
    %exp3A = math.exp %get3A_1 : vector<32x512xf32>
    %mul3A = arith.mulf %exp3A, %select_n3A_37 : vector<32x512xf32>
    %get3A_38 = arith.constant 0 : index
    %get3A_39 = arith.constant 0 : index
    %get3A_40 = vector.load %arg1[%get3A_38, %get3A_39] : memref<512x512xf32, #tpu.memory_space<vmem>>, vector<512x512xf32>
    %dot_general3A = arith.constant dense<0.000000e+00> : vector<32x512xf32>
    %dot_general3A_41 = tpu.matmul %convert_element_type3A_31, %get3A_40, %dot_general3A {dimension_numbers = #tpu.dot_dimension_numbers<[1], [0], [0], [1], [0, 0, 1, 1], [], []>, transpose_lhs_hint = false} : vector<32x512xf32>, vector<512x512xf32>, vector<32x512xf32> -> vector<32x512xf32>
    %sub3A_42 = arith.constant 1.000000e+00 : f32
    %sub3A_43 = vector.broadcast %sub3A_42 : f32 to vector<32x512xf32>
    %sub3A_44 = arith.subf %dot_general3A_41, %sub3A_43 : vector<32x512xf32>
    %iota3A = tpu.iota {dimensions = array<i32: 0>} : vector<32x512xi32>
    %iota3A_45 = tpu.iota {dimensions = array<i32: 1>} : vector<32x512xi32>
    %mul3A_46 = arith.constant 512 : i32
    %mul3A_47 = vector.broadcast %mul3A_46 : i32 to vector<32x512xi32>
    %mul3A_48 = arith.muli %iota3A, %mul3A_47 : vector<32x512xi32>
    %add3A_49 = arith.addi %mul3A_48, %iota3A_45 : vector<32x512xi32>
    %convert_element_type3A_50 = arith.sitofp %add3A_49 : vector<32x512xi32> to vector<32x512xf32>
    %eq3A = arith.constant 0.000000e+00 : f32
    %eq3A_51 = vector.broadcast %eq3A : f32 to vector<32x512xf32>
    %eq3A_52 = arith.cmpf oeq, %sub3A_44, %eq3A_51 : vector<32x512xf32>
    %and3A_53 = arith.andi %ge3A_29, %eq3A_52 : vector<32x512xi1>
    %jit3A_54 = arith.constant 0.000000e+00 : f32
    %broadcast_in_dim3A_55 = vector.broadcast %jit3A_54 : f32 to vector<32x512xf32>
    %select_n3A_56 = arith.select %and3A_53, %convert_element_type3A_50, %broadcast_in_dim3A_55 : vector<32x512xi1>, vector<32x512xf32>
    %reduce_sum3A_57 = arith.constant dense<0.000000e+00> : vector<32xf32>
    %reduce_sum3A_58 = vector.multi_reduction <add>, %select_n3A_56, %reduce_sum3A_57 [1] : vector<32x512xf32> to vector<32xf32>
    %broadcast_in_dim3A_59 = vector.shape_cast %reduce_sum3A_58 : vector<32xf32> to vector<32x1xf32>
    %jit3A_60 = arith.constant 0.000000e+00 : f32
    %broadcast_in_dim3A_61 = vector.broadcast %jit3A_60 : f32 to vector<32x512xf32>
    %select_n3A_62 = arith.select %and3A_53, %mul3A, %broadcast_in_dim3A_61 : vector<32x512xi1>, vector<32x512xf32>
    %reduce_sum3A_63 = arith.constant dense<0.000000e+00> : vector<32xf32>
    %reduce_sum3A_64 = vector.multi_reduction <add>, %select_n3A_62, %reduce_sum3A_63 [1] : vector<32x512xf32> to vector<32xf32>
    %broadcast_in_dim3A_65 = vector.shape_cast %reduce_sum3A_64 : vector<32xf32> to vector<32x1xf32>
    %eq3A_66 = arith.constant 1.000000e+00 : f32
    %eq3A_67 = vector.broadcast %eq3A_66 : f32 to vector<32x512xf32>
    %eq3A_68 = arith.cmpf oeq, %sub3A_44, %eq3A_67 : vector<32x512xf32>
    %and3A_69 = arith.andi %ge3A_29, %eq3A_68 : vector<32x512xi1>
    %jit3A_70 = arith.constant 0.000000e+00 : f32
    %broadcast_in_dim3A_71 = vector.broadcast %jit3A_70 : f32 to vector<32x512xf32>
    %select_n3A_72 = arith.select %and3A_69, %convert_element_type3A_50, %broadcast_in_dim3A_71 : vector<32x512xi1>, vector<32x512xf32>
    %reduce_sum3A_73 = arith.constant dense<0.000000e+00> : vector<32xf32>
    %reduce_sum3A_74 = vector.multi_reduction <add>, %select_n3A_72, %reduce_sum3A_73 [1] : vector<32x512xf32> to vector<32xf32>
    %broadcast_in_dim3A_75 = vector.shape_cast %reduce_sum3A_74 : vector<32xf32> to vector<32x1xf32>
    %jit3A_76 = arith.constant 0.000000e+00 : f32
    %broadcast_in_dim3A_77 = vector.broadcast %jit3A_76 : f32 to vector<32x512xf32>
    %select_n3A_78 = arith.select %and3A_69, %mul3A, %broadcast_in_dim3A_77 : vector<32x512xi1>, vector<32x512xf32>
    %reduce_sum3A_79 = arith.constant dense<0.000000e+00> : vector<32xf32>
    %reduce_sum3A_80 = vector.multi_reduction <add>, %select_n3A_78, %reduce_sum3A_79 [1] : vector<32x512xf32> to vector<32xf32>
    %broadcast_in_dim3A_81 = vector.shape_cast %reduce_sum3A_80 : vector<32xf32> to vector<32x1xf32>
    %eq3A_82 = arith.constant 2.000000e+00 : f32
    %eq3A_83 = vector.broadcast %eq3A_82 : f32 to vector<32x512xf32>
    %eq3A_84 = arith.cmpf oeq, %sub3A_44, %eq3A_83 : vector<32x512xf32>
    %and3A_85 = arith.andi %ge3A_29, %eq3A_84 : vector<32x512xi1>
    %jit3A_86 = arith.constant 0.000000e+00 : f32
    %broadcast_in_dim3A_87 = vector.broadcast %jit3A_86 : f32 to vector<32x512xf32>
    %select_n3A_88 = arith.select %and3A_85, %convert_element_type3A_50, %broadcast_in_dim3A_87 : vector<32x512xi1>, vector<32x512xf32>
    %reduce_sum3A_89 = arith.constant dense<0.000000e+00> : vector<32xf32>
    %reduce_sum3A_90 = vector.multi_reduction <add>, %select_n3A_88, %reduce_sum3A_89 [1] : vector<32x512xf32> to vector<32xf32>
    %broadcast_in_dim3A_91 = vector.shape_cast %reduce_sum3A_90 : vector<32xf32> to vector<32x1xf32>
    %jit3A_92 = arith.constant 0.000000e+00 : f32
    %broadcast_in_dim3A_93 = vector.broadcast %jit3A_92 : f32 to vector<32x512xf32>
    %select_n3A_94 = arith.select %and3A_85, %mul3A, %broadcast_in_dim3A_93 : vector<32x512xi1>, vector<32x512xf32>
    %reduce_sum3A_95 = arith.constant dense<0.000000e+00> : vector<32xf32>
    %reduce_sum3A_96 = vector.multi_reduction <add>, %select_n3A_94, %reduce_sum3A_95 [1] : vector<32x512xf32> to vector<32xf32>
    %broadcast_in_dim3A_97 = vector.shape_cast %reduce_sum3A_96 : vector<32xf32> to vector<32x1xf32>
    %eq3A_98 = arith.constant 3.000000e+00 : f32
    %eq3A_99 = vector.broadcast %eq3A_98 : f32 to vector<32x512xf32>
    %eq3A_100 = arith.cmpf oeq, %sub3A_44, %eq3A_99 : vector<32x512xf32>
    %and3A_101 = arith.andi %ge3A_29, %eq3A_100 : vector<32x512xi1>
    %jit3A_102 = arith.constant 0.000000e+00 : f32
    %broadcast_in_dim3A_103 = vector.broadcast %jit3A_102 : f32 to vector<32x512xf32>
    %select_n3A_104 = arith.select %and3A_101, %convert_element_type3A_50, %broadcast_in_dim3A_103 : vector<32x512xi1>, vector<32x512xf32>
    %reduce_sum3A_105 = arith.constant dense<0.000000e+00> : vector<32xf32>
    %reduce_sum3A_106 = vector.multi_reduction <add>, %select_n3A_104, %reduce_sum3A_105 [1] : vector<32x512xf32> to vector<32xf32>
    %broadcast_in_dim3A_107 = vector.shape_cast %reduce_sum3A_106 : vector<32xf32> to vector<32x1xf32>
    %jit3A_108 = arith.constant 0.000000e+00 : f32
    %broadcast_in_dim3A_109 = vector.broadcast %jit3A_108 : f32 to vector<32x512xf32>
    %select_n3A_110 = arith.select %and3A_101, %mul3A, %broadcast_in_dim3A_109 : vector<32x512xi1>, vector<32x512xf32>
    %reduce_sum3A_111 = arith.constant dense<0.000000e+00> : vector<32xf32>
    %reduce_sum3A_112 = vector.multi_reduction <add>, %select_n3A_110, %reduce_sum3A_111 [1] : vector<32x512xf32> to vector<32xf32>
    %broadcast_in_dim3A_113 = vector.shape_cast %reduce_sum3A_112 : vector<32xf32> to vector<32x1xf32>
    %eq3A_114 = arith.constant 4.000000e+00 : f32
    %eq3A_115 = vector.broadcast %eq3A_114 : f32 to vector<32x512xf32>
    %eq3A_116 = arith.cmpf oeq, %sub3A_44, %eq3A_115 : vector<32x512xf32>
    %and3A_117 = arith.andi %ge3A_29, %eq3A_116 : vector<32x512xi1>
    %jit3A_118 = arith.constant 0.000000e+00 : f32
    %broadcast_in_dim3A_119 = vector.broadcast %jit3A_118 : f32 to vector<32x512xf32>
    %select_n3A_120 = arith.select %and3A_117, %convert_element_type3A_50, %broadcast_in_dim3A_119 : vector<32x512xi1>, vector<32x512xf32>
    %reduce_sum3A_121 = arith.constant dense<0.000000e+00> : vector<32xf32>
    %reduce_sum3A_122 = vector.multi_reduction <add>, %select_n3A_120, %reduce_sum3A_121 [1] : vector<32x512xf32> to vector<32xf32>
    %broadcast_in_dim3A_123 = vector.shape_cast %reduce_sum3A_122 : vector<32xf32> to vector<32x1xf32>
    %jit3A_124 = arith.constant 0.000000e+00 : f32
    %broadcast_in_dim3A_125 = vector.broadcast %jit3A_124 : f32 to vector<32x512xf32>
    %select_n3A_126 = arith.select %and3A_117, %mul3A, %broadcast_in_dim3A_125 : vector<32x512xi1>, vector<32x512xf32>
    %reduce_sum3A_127 = arith.constant dense<0.000000e+00> : vector<32xf32>
    %reduce_sum3A_128 = vector.multi_reduction <add>, %select_n3A_126, %reduce_sum3A_127 [1] : vector<32x512xf32> to vector<32xf32>
    %broadcast_in_dim3A_129 = vector.shape_cast %reduce_sum3A_128 : vector<32xf32> to vector<32x1xf32>
    %eq3A_130 = arith.constant 5.000000e+00 : f32
    %eq3A_131 = vector.broadcast %eq3A_130 : f32 to vector<32x512xf32>
    %eq3A_132 = arith.cmpf oeq, %sub3A_44, %eq3A_131 : vector<32x512xf32>
    %and3A_133 = arith.andi %ge3A_29, %eq3A_132 : vector<32x512xi1>
    %jit3A_134 = arith.constant 0.000000e+00 : f32
    %broadcast_in_dim3A_135 = vector.broadcast %jit3A_134 : f32 to vector<32x512xf32>
    %select_n3A_136 = arith.select %and3A_133, %convert_element_type3A_50, %broadcast_in_dim3A_135 : vector<32x512xi1>, vector<32x512xf32>
    %reduce_sum3A_137 = arith.constant dense<0.000000e+00> : vector<32xf32>
    %reduce_sum3A_138 = vector.multi_reduction <add>, %select_n3A_136, %reduce_sum3A_137 [1] : vector<32x512xf32> to vector<32xf32>
    %broadcast_in_dim3A_139 = vector.shape_cast %reduce_sum3A_138 : vector<32xf32> to vector<32x1xf32>
    %jit3A_140 = arith.constant 0.000000e+00 : f32
    %broadcast_in_dim3A_141 = vector.broadcast %jit3A_140 : f32 to vector<32x512xf32>
    %select_n3A_142 = arith.select %and3A_133, %mul3A, %broadcast_in_dim3A_141 : vector<32x512xi1>, vector<32x512xf32>
    %reduce_sum3A_143 = arith.constant dense<0.000000e+00> : vector<32xf32>
    %reduce_sum3A_144 = vector.multi_reduction <add>, %select_n3A_142, %reduce_sum3A_143 [1] : vector<32x512xf32> to vector<32xf32>
    %broadcast_in_dim3A_145 = vector.shape_cast %reduce_sum3A_144 : vector<32xf32> to vector<32x1xf32>
    %eq3A_146 = arith.constant 6.000000e+00 : f32
    %eq3A_147 = vector.broadcast %eq3A_146 : f32 to vector<32x512xf32>
    %eq3A_148 = arith.cmpf oeq, %sub3A_44, %eq3A_147 : vector<32x512xf32>
    %and3A_149 = arith.andi %ge3A_29, %eq3A_148 : vector<32x512xi1>
    %jit3A_150 = arith.constant 0.000000e+00 : f32
    %broadcast_in_dim3A_151 = vector.broadcast %jit3A_150 : f32 to vector<32x512xf32>
    %select_n3A_152 = arith.select %and3A_149, %convert_element_type3A_50, %broadcast_in_dim3A_151 : vector<32x512xi1>, vector<32x512xf32>
    %reduce_sum3A_153 = arith.constant dense<0.000000e+00> : vector<32xf32>
    %reduce_sum3A_154 = vector.multi_reduction <add>, %select_n3A_152, %reduce_sum3A_153 [1] : vector<32x512xf32> to vector<32xf32>
    %broadcast_in_dim3A_155 = vector.shape_cast %reduce_sum3A_154 : vector<32xf32> to vector<32x1xf32>
    %jit3A_156 = arith.constant 0.000000e+00 : f32
    %broadcast_in_dim3A_157 = vector.broadcast %jit3A_156 : f32 to vector<32x512xf32>
    %select_n3A_158 = arith.select %and3A_149, %mul3A, %broadcast_in_dim3A_157 : vector<32x512xi1>, vector<32x512xf32>
    %reduce_sum3A_159 = arith.constant dense<0.000000e+00> : vector<32xf32>
    %reduce_sum3A_160 = vector.multi_reduction <add>, %select_n3A_158, %reduce_sum3A_159 [1] : vector<32x512xf32> to vector<32xf32>
    %broadcast_in_dim3A_161 = vector.shape_cast %reduce_sum3A_160 : vector<32xf32> to vector<32x1xf32>
    %eq3A_162 = arith.constant 7.000000e+00 : f32
    %eq3A_163 = vector.broadcast %eq3A_162 : f32 to vector<32x512xf32>
    %eq3A_164 = arith.cmpf oeq, %sub3A_44, %eq3A_163 : vector<32x512xf32>
    %and3A_165 = arith.andi %ge3A_29, %eq3A_164 : vector<32x512xi1>
    %jit3A_166 = arith.constant 0.000000e+00 : f32
    %broadcast_in_dim3A_167 = vector.broadcast %jit3A_166 : f32 to vector<32x512xf32>
    %select_n3A_168 = arith.select %and3A_165, %convert_element_type3A_50, %broadcast_in_dim3A_167 : vector<32x512xi1>, vector<32x512xf32>
    %reduce_sum3A_169 = arith.constant dense<0.000000e+00> : vector<32xf32>
    %reduce_sum3A_170 = vector.multi_reduction <add>, %select_n3A_168, %reduce_sum3A_169 [1] : vector<32x512xf32> to vector<32xf32>
    %broadcast_in_dim3A_171 = vector.shape_cast %reduce_sum3A_170 : vector<32xf32> to vector<32x1xf32>
    %jit3A_172 = arith.constant 0.000000e+00 : f32
    %broadcast_in_dim3A_173 = vector.broadcast %jit3A_172 : f32 to vector<32x512xf32>
    %select_n3A_174 = arith.select %and3A_165, %mul3A, %broadcast_in_dim3A_173 : vector<32x512xi1>, vector<32x512xf32>
    %reduce_sum3A_175 = arith.constant dense<0.000000e+00> : vector<32xf32>
    %reduce_sum3A_176 = vector.multi_reduction <add>, %select_n3A_174, %reduce_sum3A_175 [1] : vector<32x512xf32> to vector<32xf32>
    %broadcast_in_dim3A_177 = vector.shape_cast %reduce_sum3A_176 : vector<32xf32> to vector<32x1xf32>
    %eq3A_178 = arith.constant 8.000000e+00 : f32
    %eq3A_179 = vector.broadcast %eq3A_178 : f32 to vector<32x512xf32>
    %eq3A_180 = arith.cmpf oeq, %sub3A_44, %eq3A_179 : vector<32x512xf32>
    %and3A_181 = arith.andi %ge3A_29, %eq3A_180 : vector<32x512xi1>
    %jit3A_182 = arith.constant 0.000000e+00 : f32
    %broadcast_in_dim3A_183 = vector.broadcast %jit3A_182 : f32 to vector<32x512xf32>
    %select_n3A_184 = arith.select %and3A_181, %convert_element_type3A_50, %broadcast_in_dim3A_183 : vector<32x512xi1>, vector<32x512xf32>
    %reduce_sum3A_185 = arith.constant dense<0.000000e+00> : vector<32xf32>
    %reduce_sum3A_186 = vector.multi_reduction <add>, %select_n3A_184, %reduce_sum3A_185 [1] : vector<32x512xf32> to vector<32xf32>
    %broadcast_in_dim3A_187 = vector.shape_cast %reduce_sum3A_186 : vector<32xf32> to vector<32x1xf32>
    %jit3A_188 = arith.constant 0.000000e+00 : f32
    %broadcast_in_dim3A_189 = vector.broadcast %jit3A_188 : f32 to vector<32x512xf32>
    %select_n3A_190 = arith.select %and3A_181, %mul3A, %broadcast_in_dim3A_189 : vector<32x512xi1>, vector<32x512xf32>
    %reduce_sum3A_191 = arith.constant dense<0.000000e+00> : vector<32xf32>
    %reduce_sum3A_192 = vector.multi_reduction <add>, %select_n3A_190, %reduce_sum3A_191 [1] : vector<32x512xf32> to vector<32xf32>
    %broadcast_in_dim3A_193 = vector.shape_cast %reduce_sum3A_192 : vector<32xf32> to vector<32x1xf32>
    %eq3A_194 = arith.constant 9.000000e+00 : f32
    %eq3A_195 = vector.broadcast %eq3A_194 : f32 to vector<32x512xf32>
    %eq3A_196 = arith.cmpf oeq, %sub3A_44, %eq3A_195 : vector<32x512xf32>
    %and3A_197 = arith.andi %ge3A_29, %eq3A_196 : vector<32x512xi1>
    %jit3A_198 = arith.constant 0.000000e+00 : f32
    %broadcast_in_dim3A_199 = vector.broadcast %jit3A_198 : f32 to vector<32x512xf32>
    %select_n3A_200 = arith.select %and3A_197, %convert_element_type3A_50, %broadcast_in_dim3A_199 : vector<32x512xi1>, vector<32x512xf32>
    %reduce_sum3A_201 = arith.constant dense<0.000000e+00> : vector<32xf32>
    %reduce_sum3A_202 = vector.multi_reduction <add>, %select_n3A_200, %reduce_sum3A_201 [1] : vector<32x512xf32> to vector<32xf32>
    %broadcast_in_dim3A_203 = vector.shape_cast %reduce_sum3A_202 : vector<32xf32> to vector<32x1xf32>
    %jit3A_204 = arith.constant 0.000000e+00 : f32
    %broadcast_in_dim3A_205 = vector.broadcast %jit3A_204 : f32 to vector<32x512xf32>
    %select_n3A_206 = arith.select %and3A_197, %mul3A, %broadcast_in_dim3A_205 : vector<32x512xi1>, vector<32x512xf32>
    %reduce_sum3A_207 = arith.constant dense<0.000000e+00> : vector<32xf32>
    %reduce_sum3A_208 = vector.multi_reduction <add>, %select_n3A_206, %reduce_sum3A_207 [1] : vector<32x512xf32> to vector<32xf32>
    %broadcast_in_dim3A_209 = vector.shape_cast %reduce_sum3A_208 : vector<32xf32> to vector<32x1xf32>
    %eq3A_210 = arith.constant 1.000000e+01 : f32
    %eq3A_211 = vector.broadcast %eq3A_210 : f32 to vector<32x512xf32>
    %eq3A_212 = arith.cmpf oeq, %sub3A_44, %eq3A_211 : vector<32x512xf32>
    %and3A_213 = arith.andi %ge3A_29, %eq3A_212 : vector<32x512xi1>
    %jit3A_214 = arith.constant 0.000000e+00 : f32
    %broadcast_in_dim3A_215 = vector.broadcast %jit3A_214 : f32 to vector<32x512xf32>
    %select_n3A_216 = arith.select %and3A_213, %convert_element_type3A_50, %broadcast_in_dim3A_215 : vector<32x512xi1>, vector<32x512xf32>
    %reduce_sum3A_217 = arith.constant dense<0.000000e+00> : vector<32xf32>
    %reduce_sum3A_218 = vector.multi_reduction <add>, %select_n3A_216, %reduce_sum3A_217 [1] : vector<32x512xf32> to vector<32xf32>
    %broadcast_in_dim3A_219 = vector.shape_cast %reduce_sum3A_218 : vector<32xf32> to vector<32x1xf32>
    %jit3A_220 = arith.constant 0.000000e+00 : f32
    %broadcast_in_dim3A_221 = vector.broadcast %jit3A_220 : f32 to vector<32x512xf32>
    %select_n3A_222 = arith.select %and3A_213, %mul3A, %broadcast_in_dim3A_221 : vector<32x512xi1>, vector<32x512xf32>
    %reduce_sum3A_223 = arith.constant dense<0.000000e+00> : vector<32xf32>
    %reduce_sum3A_224 = vector.multi_reduction <add>, %select_n3A_222, %reduce_sum3A_223 [1] : vector<32x512xf32> to vector<32xf32>
    %broadcast_in_dim3A_225 = vector.shape_cast %reduce_sum3A_224 : vector<32xf32> to vector<32x1xf32>
    %eq3A_226 = arith.constant 1.100000e+01 : f32
    %eq3A_227 = vector.broadcast %eq3A_226 : f32 to vector<32x512xf32>
    %eq3A_228 = arith.cmpf oeq, %sub3A_44, %eq3A_227 : vector<32x512xf32>
    %and3A_229 = arith.andi %ge3A_29, %eq3A_228 : vector<32x512xi1>
    %jit3A_230 = arith.constant 0.000000e+00 : f32
    %broadcast_in_dim3A_231 = vector.broadcast %jit3A_230 : f32 to vector<32x512xf32>
    %select_n3A_232 = arith.select %and3A_229, %convert_element_type3A_50, %broadcast_in_dim3A_231 : vector<32x512xi1>, vector<32x512xf32>
    %reduce_sum3A_233 = arith.constant dense<0.000000e+00> : vector<32xf32>
    %reduce_sum3A_234 = vector.multi_reduction <add>, %select_n3A_232, %reduce_sum3A_233 [1] : vector<32x512xf32> to vector<32xf32>
    %broadcast_in_dim3A_235 = vector.shape_cast %reduce_sum3A_234 : vector<32xf32> to vector<32x1xf32>
    %jit3A_236 = arith.constant 0.000000e+00 : f32
    %broadcast_in_dim3A_237 = vector.broadcast %jit3A_236 : f32 to vector<32x512xf32>
    %select_n3A_238 = arith.select %and3A_229, %mul3A, %broadcast_in_dim3A_237 : vector<32x512xi1>, vector<32x512xf32>
    %reduce_sum3A_239 = arith.constant dense<0.000000e+00> : vector<32xf32>
    %reduce_sum3A_240 = vector.multi_reduction <add>, %select_n3A_238, %reduce_sum3A_239 [1] : vector<32x512xf32> to vector<32xf32>
    %broadcast_in_dim3A_241 = vector.shape_cast %reduce_sum3A_240 : vector<32xf32> to vector<32x1xf32>
    %eq3A_242 = arith.constant 1.200000e+01 : f32
    %eq3A_243 = vector.broadcast %eq3A_242 : f32 to vector<32x512xf32>
    %eq3A_244 = arith.cmpf oeq, %sub3A_44, %eq3A_243 : vector<32x512xf32>
    %and3A_245 = arith.andi %ge3A_29, %eq3A_244 : vector<32x512xi1>
    %jit3A_246 = arith.constant 0.000000e+00 : f32
    %broadcast_in_dim3A_247 = vector.broadcast %jit3A_246 : f32 to vector<32x512xf32>
    %select_n3A_248 = arith.select %and3A_245, %convert_element_type3A_50, %broadcast_in_dim3A_247 : vector<32x512xi1>, vector<32x512xf32>
    %reduce_sum3A_249 = arith.constant dense<0.000000e+00> : vector<32xf32>
    %reduce_sum3A_250 = vector.multi_reduction <add>, %select_n3A_248, %reduce_sum3A_249 [1] : vector<32x512xf32> to vector<32xf32>
    %broadcast_in_dim3A_251 = vector.shape_cast %reduce_sum3A_250 : vector<32xf32> to vector<32x1xf32>
    %jit3A_252 = arith.constant 0.000000e+00 : f32
    %broadcast_in_dim3A_253 = vector.broadcast %jit3A_252 : f32 to vector<32x512xf32>
    %select_n3A_254 = arith.select %and3A_245, %mul3A, %broadcast_in_dim3A_253 : vector<32x512xi1>, vector<32x512xf32>
    %reduce_sum3A_255 = arith.constant dense<0.000000e+00> : vector<32xf32>
    %reduce_sum3A_256 = vector.multi_reduction <add>, %select_n3A_254, %reduce_sum3A_255 [1] : vector<32x512xf32> to vector<32xf32>
    %broadcast_in_dim3A_257 = vector.shape_cast %reduce_sum3A_256 : vector<32xf32> to vector<32x1xf32>
    %eq3A_258 = arith.constant 1.300000e+01 : f32
    %eq3A_259 = vector.broadcast %eq3A_258 : f32 to vector<32x512xf32>
    %eq3A_260 = arith.cmpf oeq, %sub3A_44, %eq3A_259 : vector<32x512xf32>
    %and3A_261 = arith.andi %ge3A_29, %eq3A_260 : vector<32x512xi1>
    %jit3A_262 = arith.constant 0.000000e+00 : f32
    %broadcast_in_dim3A_263 = vector.broadcast %jit3A_262 : f32 to vector<32x512xf32>
    %select_n3A_264 = arith.select %and3A_261, %convert_element_type3A_50, %broadcast_in_dim3A_263 : vector<32x512xi1>, vector<32x512xf32>
    %reduce_sum3A_265 = arith.constant dense<0.000000e+00> : vector<32xf32>
    %reduce_sum3A_266 = vector.multi_reduction <add>, %select_n3A_264, %reduce_sum3A_265 [1] : vector<32x512xf32> to vector<32xf32>
    %broadcast_in_dim3A_267 = vector.shape_cast %reduce_sum3A_266 : vector<32xf32> to vector<32x1xf32>
    %jit3A_268 = arith.constant 0.000000e+00 : f32
    %broadcast_in_dim3A_269 = vector.broadcast %jit3A_268 : f32 to vector<32x512xf32>
    %select_n3A_270 = arith.select %and3A_261, %mul3A, %broadcast_in_dim3A_269 : vector<32x512xi1>, vector<32x512xf32>
    %reduce_sum3A_271 = arith.constant dense<0.000000e+00> : vector<32xf32>
    %reduce_sum3A_272 = vector.multi_reduction <add>, %select_n3A_270, %reduce_sum3A_271 [1] : vector<32x512xf32> to vector<32xf32>
    %broadcast_in_dim3A_273 = vector.shape_cast %reduce_sum3A_272 : vector<32xf32> to vector<32x1xf32>
    %eq3A_274 = arith.constant 1.400000e+01 : f32
    %eq3A_275 = vector.broadcast %eq3A_274 : f32 to vector<32x512xf32>
    %eq3A_276 = arith.cmpf oeq, %sub3A_44, %eq3A_275 : vector<32x512xf32>
    %and3A_277 = arith.andi %ge3A_29, %eq3A_276 : vector<32x512xi1>
    %jit3A_278 = arith.constant 0.000000e+00 : f32
    %broadcast_in_dim3A_279 = vector.broadcast %jit3A_278 : f32 to vector<32x512xf32>
    %select_n3A_280 = arith.select %and3A_277, %convert_element_type3A_50, %broadcast_in_dim3A_279 : vector<32x512xi1>, vector<32x512xf32>
    %reduce_sum3A_281 = arith.constant dense<0.000000e+00> : vector<32xf32>
    %reduce_sum3A_282 = vector.multi_reduction <add>, %select_n3A_280, %reduce_sum3A_281 [1] : vector<32x512xf32> to vector<32xf32>
    %broadcast_in_dim3A_283 = vector.shape_cast %reduce_sum3A_282 : vector<32xf32> to vector<32x1xf32>
    %jit3A_284 = arith.constant 0.000000e+00 : f32
    %broadcast_in_dim3A_285 = vector.broadcast %jit3A_284 : f32 to vector<32x512xf32>
    %select_n3A_286 = arith.select %and3A_277, %mul3A, %broadcast_in_dim3A_285 : vector<32x512xi1>, vector<32x512xf32>
    %reduce_sum3A_287 = arith.constant dense<0.000000e+00> : vector<32xf32>
    %reduce_sum3A_288 = vector.multi_reduction <add>, %select_n3A_286, %reduce_sum3A_287 [1] : vector<32x512xf32> to vector<32xf32>
    %broadcast_in_dim3A_289 = vector.shape_cast %reduce_sum3A_288 : vector<32xf32> to vector<32x1xf32>
    %eq3A_290 = arith.constant 1.500000e+01 : f32
    %eq3A_291 = vector.broadcast %eq3A_290 : f32 to vector<32x512xf32>
    %eq3A_292 = arith.cmpf oeq, %sub3A_44, %eq3A_291 : vector<32x512xf32>
    %and3A_293 = arith.andi %ge3A_29, %eq3A_292 : vector<32x512xi1>
    %jit3A_294 = arith.constant 0.000000e+00 : f32
    %broadcast_in_dim3A_295 = vector.broadcast %jit3A_294 : f32 to vector<32x512xf32>
    %select_n3A_296 = arith.select %and3A_293, %convert_element_type3A_50, %broadcast_in_dim3A_295 : vector<32x512xi1>, vector<32x512xf32>
    %reduce_sum3A_297 = arith.constant dense<0.000000e+00> : vector<32xf32>
    %reduce_sum3A_298 = vector.multi_reduction <add>, %select_n3A_296, %reduce_sum3A_297 [1] : vector<32x512xf32> to vector<32xf32>
    %broadcast_in_dim3A_299 = vector.shape_cast %reduce_sum3A_298 : vector<32xf32> to vector<32x1xf32>
    %jit3A_300 = arith.constant 0.000000e+00 : f32
    %broadcast_in_dim3A_301 = vector.broadcast %jit3A_300 : f32 to vector<32x512xf32>
    %select_n3A_302 = arith.select %and3A_293, %mul3A, %broadcast_in_dim3A_301 : vector<32x512xi1>, vector<32x512xf32>
    %reduce_sum3A_303 = arith.constant dense<0.000000e+00> : vector<32xf32>
    %reduce_sum3A_304 = vector.multi_reduction <add>, %select_n3A_302, %reduce_sum3A_303 [1] : vector<32x512xf32> to vector<32xf32>
    %broadcast_in_dim3A_305 = vector.shape_cast %reduce_sum3A_304 : vector<32xf32> to vector<32x1xf32>
    %eq3A_306 = arith.constant 1.600000e+01 : f32
    %eq3A_307 = vector.broadcast %eq3A_306 : f32 to vector<32x512xf32>
    %eq3A_308 = arith.cmpf oeq, %sub3A_44, %eq3A_307 : vector<32x512xf32>
    %and3A_309 = arith.andi %ge3A_29, %eq3A_308 : vector<32x512xi1>
    %jit3A_310 = arith.constant 0.000000e+00 : f32
    %broadcast_in_dim3A_311 = vector.broadcast %jit3A_310 : f32 to vector<32x512xf32>
    %select_n3A_312 = arith.select %and3A_309, %convert_element_type3A_50, %broadcast_in_dim3A_311 : vector<32x512xi1>, vector<32x512xf32>
    %reduce_sum3A_313 = arith.constant dense<0.000000e+00> : vector<32xf32>
    %reduce_sum3A_314 = vector.multi_reduction <add>, %select_n3A_312, %reduce_sum3A_313 [1] : vector<32x512xf32> to vector<32xf32>
    %broadcast_in_dim3A_315 = vector.shape_cast %reduce_sum3A_314 : vector<32xf32> to vector<32x1xf32>
    %jit3A_316 = arith.constant 0.000000e+00 : f32
    %broadcast_in_dim3A_317 = vector.broadcast %jit3A_316 : f32 to vector<32x512xf32>
    %select_n3A_318 = arith.select %and3A_309, %mul3A, %broadcast_in_dim3A_317 : vector<32x512xi1>, vector<32x512xf32>
    %reduce_sum3A_319 = arith.constant dense<0.000000e+00> : vector<32xf32>
    %reduce_sum3A_320 = vector.multi_reduction <add>, %select_n3A_318, %reduce_sum3A_319 [1] : vector<32x512xf32> to vector<32xf32>
    %broadcast_in_dim3A_321 = vector.shape_cast %reduce_sum3A_320 : vector<32xf32> to vector<32x1xf32>
    %eq3A_322 = arith.constant 1.700000e+01 : f32
    %eq3A_323 = vector.broadcast %eq3A_322 : f32 to vector<32x512xf32>
    %eq3A_324 = arith.cmpf oeq, %sub3A_44, %eq3A_323 : vector<32x512xf32>
    %and3A_325 = arith.andi %ge3A_29, %eq3A_324 : vector<32x512xi1>
    %jit3A_326 = arith.constant 0.000000e+00 : f32
    %broadcast_in_dim3A_327 = vector.broadcast %jit3A_326 : f32 to vector<32x512xf32>
    %select_n3A_328 = arith.select %and3A_325, %convert_element_type3A_50, %broadcast_in_dim3A_327 : vector<32x512xi1>, vector<32x512xf32>
    %reduce_sum3A_329 = arith.constant dense<0.000000e+00> : vector<32xf32>
    %reduce_sum3A_330 = vector.multi_reduction <add>, %select_n3A_328, %reduce_sum3A_329 [1] : vector<32x512xf32> to vector<32xf32>
    %broadcast_in_dim3A_331 = vector.shape_cast %reduce_sum3A_330 : vector<32xf32> to vector<32x1xf32>
    %jit3A_332 = arith.constant 0.000000e+00 : f32
    %broadcast_in_dim3A_333 = vector.broadcast %jit3A_332 : f32 to vector<32x512xf32>
    %select_n3A_334 = arith.select %and3A_325, %mul3A, %broadcast_in_dim3A_333 : vector<32x512xi1>, vector<32x512xf32>
    %reduce_sum3A_335 = arith.constant dense<0.000000e+00> : vector<32xf32>
    %reduce_sum3A_336 = vector.multi_reduction <add>, %select_n3A_334, %reduce_sum3A_335 [1] : vector<32x512xf32> to vector<32xf32>
    %broadcast_in_dim3A_337 = vector.shape_cast %reduce_sum3A_336 : vector<32xf32> to vector<32x1xf32>
    %eq3A_338 = arith.constant 1.800000e+01 : f32
    %eq3A_339 = vector.broadcast %eq3A_338 : f32 to vector<32x512xf32>
    %eq3A_340 = arith.cmpf oeq, %sub3A_44, %eq3A_339 : vector<32x512xf32>
    %and3A_341 = arith.andi %ge3A_29, %eq3A_340 : vector<32x512xi1>
    %jit3A_342 = arith.constant 0.000000e+00 : f32
    %broadcast_in_dim3A_343 = vector.broadcast %jit3A_342 : f32 to vector<32x512xf32>
    %select_n3A_344 = arith.select %and3A_341, %convert_element_type3A_50, %broadcast_in_dim3A_343 : vector<32x512xi1>, vector<32x512xf32>
    %reduce_sum3A_345 = arith.constant dense<0.000000e+00> : vector<32xf32>
    %reduce_sum3A_346 = vector.multi_reduction <add>, %select_n3A_344, %reduce_sum3A_345 [1] : vector<32x512xf32> to vector<32xf32>
    %broadcast_in_dim3A_347 = vector.shape_cast %reduce_sum3A_346 : vector<32xf32> to vector<32x1xf32>
    %jit3A_348 = arith.constant 0.000000e+00 : f32
    %broadcast_in_dim3A_349 = vector.broadcast %jit3A_348 : f32 to vector<32x512xf32>
    %select_n3A_350 = arith.select %and3A_341, %mul3A, %broadcast_in_dim3A_349 : vector<32x512xi1>, vector<32x512xf32>
    %reduce_sum3A_351 = arith.constant dense<0.000000e+00> : vector<32xf32>
    %reduce_sum3A_352 = vector.multi_reduction <add>, %select_n3A_350, %reduce_sum3A_351 [1] : vector<32x512xf32> to vector<32xf32>
    %broadcast_in_dim3A_353 = vector.shape_cast %reduce_sum3A_352 : vector<32xf32> to vector<32x1xf32>
    %eq3A_354 = arith.constant 1.900000e+01 : f32
    %eq3A_355 = vector.broadcast %eq3A_354 : f32 to vector<32x512xf32>
    %eq3A_356 = arith.cmpf oeq, %sub3A_44, %eq3A_355 : vector<32x512xf32>
    %and3A_357 = arith.andi %ge3A_29, %eq3A_356 : vector<32x512xi1>
    %jit3A_358 = arith.constant 0.000000e+00 : f32
    %broadcast_in_dim3A_359 = vector.broadcast %jit3A_358 : f32 to vector<32x512xf32>
    %select_n3A_360 = arith.select %and3A_357, %convert_element_type3A_50, %broadcast_in_dim3A_359 : vector<32x512xi1>, vector<32x512xf32>
    %reduce_sum3A_361 = arith.constant dense<0.000000e+00> : vector<32xf32>
    %reduce_sum3A_362 = vector.multi_reduction <add>, %select_n3A_360, %reduce_sum3A_361 [1] : vector<32x512xf32> to vector<32xf32>
    %broadcast_in_dim3A_363 = vector.shape_cast %reduce_sum3A_362 : vector<32xf32> to vector<32x1xf32>
    %jit3A_364 = arith.constant 0.000000e+00 : f32
    %broadcast_in_dim3A_365 = vector.broadcast %jit3A_364 : f32 to vector<32x512xf32>
    %select_n3A_366 = arith.select %and3A_357, %mul3A, %broadcast_in_dim3A_365 : vector<32x512xi1>, vector<32x512xf32>
    %reduce_sum3A_367 = arith.constant dense<0.000000e+00> : vector<32xf32>
    %reduce_sum3A_368 = vector.multi_reduction <add>, %select_n3A_366, %reduce_sum3A_367 [1] : vector<32x512xf32> to vector<32xf32>
    %broadcast_in_dim3A_369 = vector.shape_cast %reduce_sum3A_368 : vector<32xf32> to vector<32x1xf32>
    %eq3A_370 = arith.constant 2.000000e+01 : f32
    %eq3A_371 = vector.broadcast %eq3A_370 : f32 to vector<32x512xf32>
    %eq3A_372 = arith.cmpf oeq, %sub3A_44, %eq3A_371 : vector<32x512xf32>
    %and3A_373 = arith.andi %ge3A_29, %eq3A_372 : vector<32x512xi1>
    %jit3A_374 = arith.constant 0.000000e+00 : f32
    %broadcast_in_dim3A_375 = vector.broadcast %jit3A_374 : f32 to vector<32x512xf32>
    %select_n3A_376 = arith.select %and3A_373, %convert_element_type3A_50, %broadcast_in_dim3A_375 : vector<32x512xi1>, vector<32x512xf32>
    %reduce_sum3A_377 = arith.constant dense<0.000000e+00> : vector<32xf32>
    %reduce_sum3A_378 = vector.multi_reduction <add>, %select_n3A_376, %reduce_sum3A_377 [1] : vector<32x512xf32> to vector<32xf32>
    %broadcast_in_dim3A_379 = vector.shape_cast %reduce_sum3A_378 : vector<32xf32> to vector<32x1xf32>
    %jit3A_380 = arith.constant 0.000000e+00 : f32
    %broadcast_in_dim3A_381 = vector.broadcast %jit3A_380 : f32 to vector<32x512xf32>
    %select_n3A_382 = arith.select %and3A_373, %mul3A, %broadcast_in_dim3A_381 : vector<32x512xi1>, vector<32x512xf32>
    %reduce_sum3A_383 = arith.constant dense<0.000000e+00> : vector<32xf32>
    %reduce_sum3A_384 = vector.multi_reduction <add>, %select_n3A_382, %reduce_sum3A_383 [1] : vector<32x512xf32> to vector<32xf32>
    %broadcast_in_dim3A_385 = vector.shape_cast %reduce_sum3A_384 : vector<32xf32> to vector<32x1xf32>
    %eq3A_386 = arith.constant 2.100000e+01 : f32
    %eq3A_387 = vector.broadcast %eq3A_386 : f32 to vector<32x512xf32>
    %eq3A_388 = arith.cmpf oeq, %sub3A_44, %eq3A_387 : vector<32x512xf32>
    %and3A_389 = arith.andi %ge3A_29, %eq3A_388 : vector<32x512xi1>
    %jit3A_390 = arith.constant 0.000000e+00 : f32
    %broadcast_in_dim3A_391 = vector.broadcast %jit3A_390 : f32 to vector<32x512xf32>
    %select_n3A_392 = arith.select %and3A_389, %convert_element_type3A_50, %broadcast_in_dim3A_391 : vector<32x512xi1>, vector<32x512xf32>
    %reduce_sum3A_393 = arith.constant dense<0.000000e+00> : vector<32xf32>
    %reduce_sum3A_394 = vector.multi_reduction <add>, %select_n3A_392, %reduce_sum3A_393 [1] : vector<32x512xf32> to vector<32xf32>
    %broadcast_in_dim3A_395 = vector.shape_cast %reduce_sum3A_394 : vector<32xf32> to vector<32x1xf32>
    %jit3A_396 = arith.constant 0.000000e+00 : f32
    %broadcast_in_dim3A_397 = vector.broadcast %jit3A_396 : f32 to vector<32x512xf32>
    %select_n3A_398 = arith.select %and3A_389, %mul3A, %broadcast_in_dim3A_397 : vector<32x512xi1>, vector<32x512xf32>
    %reduce_sum3A_399 = arith.constant dense<0.000000e+00> : vector<32xf32>
    %reduce_sum3A_400 = vector.multi_reduction <add>, %select_n3A_398, %reduce_sum3A_399 [1] : vector<32x512xf32> to vector<32xf32>
    %broadcast_in_dim3A_401 = vector.shape_cast %reduce_sum3A_400 : vector<32xf32> to vector<32x1xf32>
    %eq3A_402 = arith.constant 2.200000e+01 : f32
    %eq3A_403 = vector.broadcast %eq3A_402 : f32 to vector<32x512xf32>
    %eq3A_404 = arith.cmpf oeq, %sub3A_44, %eq3A_403 : vector<32x512xf32>
    %and3A_405 = arith.andi %ge3A_29, %eq3A_404 : vector<32x512xi1>
    %jit3A_406 = arith.constant 0.000000e+00 : f32
    %broadcast_in_dim3A_407 = vector.broadcast %jit3A_406 : f32 to vector<32x512xf32>
    %select_n3A_408 = arith.select %and3A_405, %convert_element_type3A_50, %broadcast_in_dim3A_407 : vector<32x512xi1>, vector<32x512xf32>
    %reduce_sum3A_409 = arith.constant dense<0.000000e+00> : vector<32xf32>
    %reduce_sum3A_410 = vector.multi_reduction <add>, %select_n3A_408, %reduce_sum3A_409 [1] : vector<32x512xf32> to vector<32xf32>
    %broadcast_in_dim3A_411 = vector.shape_cast %reduce_sum3A_410 : vector<32xf32> to vector<32x1xf32>
    %jit3A_412 = arith.constant 0.000000e+00 : f32
    %broadcast_in_dim3A_413 = vector.broadcast %jit3A_412 : f32 to vector<32x512xf32>
    %select_n3A_414 = arith.select %and3A_405, %mul3A, %broadcast_in_dim3A_413 : vector<32x512xi1>, vector<32x512xf32>
    %reduce_sum3A_415 = arith.constant dense<0.000000e+00> : vector<32xf32>
    %reduce_sum3A_416 = vector.multi_reduction <add>, %select_n3A_414, %reduce_sum3A_415 [1] : vector<32x512xf32> to vector<32xf32>
    %broadcast_in_dim3A_417 = vector.shape_cast %reduce_sum3A_416 : vector<32xf32> to vector<32x1xf32>
    %eq3A_418 = arith.constant 2.300000e+01 : f32
    %eq3A_419 = vector.broadcast %eq3A_418 : f32 to vector<32x512xf32>
    %eq3A_420 = arith.cmpf oeq, %sub3A_44, %eq3A_419 : vector<32x512xf32>
    %and3A_421 = arith.andi %ge3A_29, %eq3A_420 : vector<32x512xi1>
    %jit3A_422 = arith.constant 0.000000e+00 : f32
    %broadcast_in_dim3A_423 = vector.broadcast %jit3A_422 : f32 to vector<32x512xf32>
    %select_n3A_424 = arith.select %and3A_421, %convert_element_type3A_50, %broadcast_in_dim3A_423 : vector<32x512xi1>, vector<32x512xf32>
    %reduce_sum3A_425 = arith.constant dense<0.000000e+00> : vector<32xf32>
    %reduce_sum3A_426 = vector.multi_reduction <add>, %select_n3A_424, %reduce_sum3A_425 [1] : vector<32x512xf32> to vector<32xf32>
    %broadcast_in_dim3A_427 = vector.shape_cast %reduce_sum3A_426 : vector<32xf32> to vector<32x1xf32>
    %jit3A_428 = arith.constant 0.000000e+00 : f32
    %broadcast_in_dim3A_429 = vector.broadcast %jit3A_428 : f32 to vector<32x512xf32>
    %select_n3A_430 = arith.select %and3A_421, %mul3A, %broadcast_in_dim3A_429 : vector<32x512xi1>, vector<32x512xf32>
    %reduce_sum3A_431 = arith.constant dense<0.000000e+00> : vector<32xf32>
    %reduce_sum3A_432 = vector.multi_reduction <add>, %select_n3A_430, %reduce_sum3A_431 [1] : vector<32x512xf32> to vector<32xf32>
    %broadcast_in_dim3A_433 = vector.shape_cast %reduce_sum3A_432 : vector<32xf32> to vector<32x1xf32>
    %eq3A_434 = arith.constant 2.400000e+01 : f32
    %eq3A_435 = vector.broadcast %eq3A_434 : f32 to vector<32x512xf32>
    %eq3A_436 = arith.cmpf oeq, %sub3A_44, %eq3A_435 : vector<32x512xf32>
    %and3A_437 = arith.andi %ge3A_29, %eq3A_436 : vector<32x512xi1>
    %jit3A_438 = arith.constant 0.000000e+00 : f32
    %broadcast_in_dim3A_439 = vector.broadcast %jit3A_438 : f32 to vector<32x512xf32>
    %select_n3A_440 = arith.select %and3A_437, %convert_element_type3A_50, %broadcast_in_dim3A_439 : vector<32x512xi1>, vector<32x512xf32>
    %reduce_sum3A_441 = arith.constant dense<0.000000e+00> : vector<32xf32>
    %reduce_sum3A_442 = vector.multi_reduction <add>, %select_n3A_440, %reduce_sum3A_441 [1] : vector<32x512xf32> to vector<32xf32>
    %broadcast_in_dim3A_443 = vector.shape_cast %reduce_sum3A_442 : vector<32xf32> to vector<32x1xf32>
    %jit3A_444 = arith.constant 0.000000e+00 : f32
    %broadcast_in_dim3A_445 = vector.broadcast %jit3A_444 : f32 to vector<32x512xf32>
    %select_n3A_446 = arith.select %and3A_437, %mul3A, %broadcast_in_dim3A_445 : vector<32x512xi1>, vector<32x512xf32>
    %reduce_sum3A_447 = arith.constant dense<0.000000e+00> : vector<32xf32>
    %reduce_sum3A_448 = vector.multi_reduction <add>, %select_n3A_446, %reduce_sum3A_447 [1] : vector<32x512xf32> to vector<32xf32>
    %broadcast_in_dim3A_449 = vector.shape_cast %reduce_sum3A_448 : vector<32xf32> to vector<32x1xf32>
    %eq3A_450 = arith.constant 2.500000e+01 : f32
    %eq3A_451 = vector.broadcast %eq3A_450 : f32 to vector<32x512xf32>
    %eq3A_452 = arith.cmpf oeq, %sub3A_44, %eq3A_451 : vector<32x512xf32>
    %and3A_453 = arith.andi %ge3A_29, %eq3A_452 : vector<32x512xi1>
    %jit3A_454 = arith.constant 0.000000e+00 : f32
    %broadcast_in_dim3A_455 = vector.broadcast %jit3A_454 : f32 to vector<32x512xf32>
    %select_n3A_456 = arith.select %and3A_453, %convert_element_type3A_50, %broadcast_in_dim3A_455 : vector<32x512xi1>, vector<32x512xf32>
    %reduce_sum3A_457 = arith.constant dense<0.000000e+00> : vector<32xf32>
    %reduce_sum3A_458 = vector.multi_reduction <add>, %select_n3A_456, %reduce_sum3A_457 [1] : vector<32x512xf32> to vector<32xf32>
    %broadcast_in_dim3A_459 = vector.shape_cast %reduce_sum3A_458 : vector<32xf32> to vector<32x1xf32>
    %jit3A_460 = arith.constant 0.000000e+00 : f32
    %broadcast_in_dim3A_461 = vector.broadcast %jit3A_460 : f32 to vector<32x512xf32>
    %select_n3A_462 = arith.select %and3A_453, %mul3A, %broadcast_in_dim3A_461 : vector<32x512xi1>, vector<32x512xf32>
    %reduce_sum3A_463 = arith.constant dense<0.000000e+00> : vector<32xf32>
    %reduce_sum3A_464 = vector.multi_reduction <add>, %select_n3A_462, %reduce_sum3A_463 [1] : vector<32x512xf32> to vector<32xf32>
    %broadcast_in_dim3A_465 = vector.shape_cast %reduce_sum3A_464 : vector<32xf32> to vector<32x1xf32>
    %eq3A_466 = arith.constant 2.600000e+01 : f32
    %eq3A_467 = vector.broadcast %eq3A_466 : f32 to vector<32x512xf32>
    %eq3A_468 = arith.cmpf oeq, %sub3A_44, %eq3A_467 : vector<32x512xf32>
    %and3A_469 = arith.andi %ge3A_29, %eq3A_468 : vector<32x512xi1>
    %jit3A_470 = arith.constant 0.000000e+00 : f32
    %broadcast_in_dim3A_471 = vector.broadcast %jit3A_470 : f32 to vector<32x512xf32>
    %select_n3A_472 = arith.select %and3A_469, %convert_element_type3A_50, %broadcast_in_dim3A_471 : vector<32x512xi1>, vector<32x512xf32>
    %reduce_sum3A_473 = arith.constant dense<0.000000e+00> : vector<32xf32>
    %reduce_sum3A_474 = vector.multi_reduction <add>, %select_n3A_472, %reduce_sum3A_473 [1] : vector<32x512xf32> to vector<32xf32>
    %broadcast_in_dim3A_475 = vector.shape_cast %reduce_sum3A_474 : vector<32xf32> to vector<32x1xf32>
    %jit3A_476 = arith.constant 0.000000e+00 : f32
    %broadcast_in_dim3A_477 = vector.broadcast %jit3A_476 : f32 to vector<32x512xf32>
    %select_n3A_478 = arith.select %and3A_469, %mul3A, %broadcast_in_dim3A_477 : vector<32x512xi1>, vector<32x512xf32>
    %reduce_sum3A_479 = arith.constant dense<0.000000e+00> : vector<32xf32>
    %reduce_sum3A_480 = vector.multi_reduction <add>, %select_n3A_478, %reduce_sum3A_479 [1] : vector<32x512xf32> to vector<32xf32>
    %broadcast_in_dim3A_481 = vector.shape_cast %reduce_sum3A_480 : vector<32xf32> to vector<32x1xf32>
    %eq3A_482 = arith.constant 2.700000e+01 : f32
    %eq3A_483 = vector.broadcast %eq3A_482 : f32 to vector<32x512xf32>
    %eq3A_484 = arith.cmpf oeq, %sub3A_44, %eq3A_483 : vector<32x512xf32>
    %and3A_485 = arith.andi %ge3A_29, %eq3A_484 : vector<32x512xi1>
    %jit3A_486 = arith.constant 0.000000e+00 : f32
    %broadcast_in_dim3A_487 = vector.broadcast %jit3A_486 : f32 to vector<32x512xf32>
    %select_n3A_488 = arith.select %and3A_485, %convert_element_type3A_50, %broadcast_in_dim3A_487 : vector<32x512xi1>, vector<32x512xf32>
    %reduce_sum3A_489 = arith.constant dense<0.000000e+00> : vector<32xf32>
    %reduce_sum3A_490 = vector.multi_reduction <add>, %select_n3A_488, %reduce_sum3A_489 [1] : vector<32x512xf32> to vector<32xf32>
    %broadcast_in_dim3A_491 = vector.shape_cast %reduce_sum3A_490 : vector<32xf32> to vector<32x1xf32>
    %jit3A_492 = arith.constant 0.000000e+00 : f32
    %broadcast_in_dim3A_493 = vector.broadcast %jit3A_492 : f32 to vector<32x512xf32>
    %select_n3A_494 = arith.select %and3A_485, %mul3A, %broadcast_in_dim3A_493 : vector<32x512xi1>, vector<32x512xf32>
    %reduce_sum3A_495 = arith.constant dense<0.000000e+00> : vector<32xf32>
    %reduce_sum3A_496 = vector.multi_reduction <add>, %select_n3A_494, %reduce_sum3A_495 [1] : vector<32x512xf32> to vector<32xf32>
    %broadcast_in_dim3A_497 = vector.shape_cast %reduce_sum3A_496 : vector<32xf32> to vector<32x1xf32>
    %eq3A_498 = arith.constant 2.800000e+01 : f32
    %eq3A_499 = vector.broadcast %eq3A_498 : f32 to vector<32x512xf32>
    %eq3A_500 = arith.cmpf oeq, %sub3A_44, %eq3A_499 : vector<32x512xf32>
    %and3A_501 = arith.andi %ge3A_29, %eq3A_500 : vector<32x512xi1>
    %jit3A_502 = arith.constant 0.000000e+00 : f32
    %broadcast_in_dim3A_503 = vector.broadcast %jit3A_502 : f32 to vector<32x512xf32>
    %select_n3A_504 = arith.select %and3A_501, %convert_element_type3A_50, %broadcast_in_dim3A_503 : vector<32x512xi1>, vector<32x512xf32>
    %reduce_sum3A_505 = arith.constant dense<0.000000e+00> : vector<32xf32>
    %reduce_sum3A_506 = vector.multi_reduction <add>, %select_n3A_504, %reduce_sum3A_505 [1] : vector<32x512xf32> to vector<32xf32>
    %broadcast_in_dim3A_507 = vector.shape_cast %reduce_sum3A_506 : vector<32xf32> to vector<32x1xf32>
    %jit3A_508 = arith.constant 0.000000e+00 : f32
    %broadcast_in_dim3A_509 = vector.broadcast %jit3A_508 : f32 to vector<32x512xf32>
    %select_n3A_510 = arith.select %and3A_501, %mul3A, %broadcast_in_dim3A_509 : vector<32x512xi1>, vector<32x512xf32>
    %reduce_sum3A_511 = arith.constant dense<0.000000e+00> : vector<32xf32>
    %reduce_sum3A_512 = vector.multi_reduction <add>, %select_n3A_510, %reduce_sum3A_511 [1] : vector<32x512xf32> to vector<32xf32>
    %broadcast_in_dim3A_513 = vector.shape_cast %reduce_sum3A_512 : vector<32xf32> to vector<32x1xf32>
    %eq3A_514 = arith.constant 2.900000e+01 : f32
    %eq3A_515 = vector.broadcast %eq3A_514 : f32 to vector<32x512xf32>
    %eq3A_516 = arith.cmpf oeq, %sub3A_44, %eq3A_515 : vector<32x512xf32>
    %and3A_517 = arith.andi %ge3A_29, %eq3A_516 : vector<32x512xi1>
    %jit3A_518 = arith.constant 0.000000e+00 : f32
    %broadcast_in_dim3A_519 = vector.broadcast %jit3A_518 : f32 to vector<32x512xf32>
    %select_n3A_520 = arith.select %and3A_517, %convert_element_type3A_50, %broadcast_in_dim3A_519 : vector<32x512xi1>, vector<32x512xf32>
    %reduce_sum3A_521 = arith.constant dense<0.000000e+00> : vector<32xf32>
    %reduce_sum3A_522 = vector.multi_reduction <add>, %select_n3A_520, %reduce_sum3A_521 [1] : vector<32x512xf32> to vector<32xf32>
    %broadcast_in_dim3A_523 = vector.shape_cast %reduce_sum3A_522 : vector<32xf32> to vector<32x1xf32>
    %jit3A_524 = arith.constant 0.000000e+00 : f32
    %broadcast_in_dim3A_525 = vector.broadcast %jit3A_524 : f32 to vector<32x512xf32>
    %select_n3A_526 = arith.select %and3A_517, %mul3A, %broadcast_in_dim3A_525 : vector<32x512xi1>, vector<32x512xf32>
    %reduce_sum3A_527 = arith.constant dense<0.000000e+00> : vector<32xf32>
    %reduce_sum3A_528 = vector.multi_reduction <add>, %select_n3A_526, %reduce_sum3A_527 [1] : vector<32x512xf32> to vector<32xf32>
    %broadcast_in_dim3A_529 = vector.shape_cast %reduce_sum3A_528 : vector<32xf32> to vector<32x1xf32>
    %eq3A_530 = arith.constant 3.000000e+01 : f32
    %eq3A_531 = vector.broadcast %eq3A_530 : f32 to vector<32x512xf32>
    %eq3A_532 = arith.cmpf oeq, %sub3A_44, %eq3A_531 : vector<32x512xf32>
    %and3A_533 = arith.andi %ge3A_29, %eq3A_532 : vector<32x512xi1>
    %jit3A_534 = arith.constant 0.000000e+00 : f32
    %broadcast_in_dim3A_535 = vector.broadcast %jit3A_534 : f32 to vector<32x512xf32>
    %select_n3A_536 = arith.select %and3A_533, %convert_element_type3A_50, %broadcast_in_dim3A_535 : vector<32x512xi1>, vector<32x512xf32>
    %reduce_sum3A_537 = arith.constant dense<0.000000e+00> : vector<32xf32>
    %reduce_sum3A_538 = vector.multi_reduction <add>, %select_n3A_536, %reduce_sum3A_537 [1] : vector<32x512xf32> to vector<32xf32>
    %broadcast_in_dim3A_539 = vector.shape_cast %reduce_sum3A_538 : vector<32xf32> to vector<32x1xf32>
    %jit3A_540 = arith.constant 0.000000e+00 : f32
    %broadcast_in_dim3A_541 = vector.broadcast %jit3A_540 : f32 to vector<32x512xf32>
    %select_n3A_542 = arith.select %and3A_533, %mul3A, %broadcast_in_dim3A_541 : vector<32x512xi1>, vector<32x512xf32>
    %reduce_sum3A_543 = arith.constant dense<0.000000e+00> : vector<32xf32>
    %reduce_sum3A_544 = vector.multi_reduction <add>, %select_n3A_542, %reduce_sum3A_543 [1] : vector<32x512xf32> to vector<32xf32>
    %broadcast_in_dim3A_545 = vector.shape_cast %reduce_sum3A_544 : vector<32xf32> to vector<32x1xf32>
    %eq3A_546 = arith.constant 3.100000e+01 : f32
    %eq3A_547 = vector.broadcast %eq3A_546 : f32 to vector<32x512xf32>
    %eq3A_548 = arith.cmpf oeq, %sub3A_44, %eq3A_547 : vector<32x512xf32>
    %and3A_549 = arith.andi %ge3A_29, %eq3A_548 : vector<32x512xi1>
    %jit3A_550 = arith.constant 0.000000e+00 : f32
    %broadcast_in_dim3A_551 = vector.broadcast %jit3A_550 : f32 to vector<32x512xf32>
    %select_n3A_552 = arith.select %and3A_549, %convert_element_type3A_50, %broadcast_in_dim3A_551 : vector<32x512xi1>, vector<32x512xf32>
    %reduce_sum3A_553 = arith.constant dense<0.000000e+00> : vector<32xf32>
    %reduce_sum3A_554 = vector.multi_reduction <add>, %select_n3A_552, %reduce_sum3A_553 [1] : vector<32x512xf32> to vector<32xf32>
    %broadcast_in_dim3A_555 = vector.shape_cast %reduce_sum3A_554 : vector<32xf32> to vector<32x1xf32>
    %jit3A_556 = arith.constant 0.000000e+00 : f32
    %broadcast_in_dim3A_557 = vector.broadcast %jit3A_556 : f32 to vector<32x512xf32>
    %select_n3A_558 = arith.select %and3A_549, %mul3A, %broadcast_in_dim3A_557 : vector<32x512xi1>, vector<32x512xf32>
    %reduce_sum3A_559 = arith.constant dense<0.000000e+00> : vector<32xf32>
    %reduce_sum3A_560 = vector.multi_reduction <add>, %select_n3A_558, %reduce_sum3A_559 [1] : vector<32x512xf32> to vector<32xf32>
    %broadcast_in_dim3A_561 = vector.shape_cast %reduce_sum3A_560 : vector<32xf32> to vector<32x1xf32>
    %eq3A_562 = arith.constant 3.200000e+01 : f32
    %eq3A_563 = vector.broadcast %eq3A_562 : f32 to vector<32x512xf32>
    %eq3A_564 = arith.cmpf oeq, %sub3A_44, %eq3A_563 : vector<32x512xf32>
    %and3A_565 = arith.andi %ge3A_29, %eq3A_564 : vector<32x512xi1>
    %jit3A_566 = arith.constant 0.000000e+00 : f32
    %broadcast_in_dim3A_567 = vector.broadcast %jit3A_566 : f32 to vector<32x512xf32>
    %select_n3A_568 = arith.select %and3A_565, %convert_element_type3A_50, %broadcast_in_dim3A_567 : vector<32x512xi1>, vector<32x512xf32>
    %reduce_sum3A_569 = arith.constant dense<0.000000e+00> : vector<32xf32>
    %reduce_sum3A_570 = vector.multi_reduction <add>, %select_n3A_568, %reduce_sum3A_569 [1] : vector<32x512xf32> to vector<32xf32>
    %broadcast_in_dim3A_571 = vector.shape_cast %reduce_sum3A_570 : vector<32xf32> to vector<32x1xf32>
    %jit3A_572 = arith.constant 0.000000e+00 : f32
    %broadcast_in_dim3A_573 = vector.broadcast %jit3A_572 : f32 to vector<32x512xf32>
    %select_n3A_574 = arith.select %and3A_565, %mul3A, %broadcast_in_dim3A_573 : vector<32x512xi1>, vector<32x512xf32>
    %reduce_sum3A_575 = arith.constant dense<0.000000e+00> : vector<32xf32>
    %reduce_sum3A_576 = vector.multi_reduction <add>, %select_n3A_574, %reduce_sum3A_575 [1] : vector<32x512xf32> to vector<32xf32>
    %broadcast_in_dim3A_577 = vector.shape_cast %reduce_sum3A_576 : vector<32xf32> to vector<32x1xf32>
    %eq3A_578 = arith.constant 3.300000e+01 : f32
    %eq3A_579 = vector.broadcast %eq3A_578 : f32 to vector<32x512xf32>
    %eq3A_580 = arith.cmpf oeq, %sub3A_44, %eq3A_579 : vector<32x512xf32>
    %and3A_581 = arith.andi %ge3A_29, %eq3A_580 : vector<32x512xi1>
    %jit3A_582 = arith.constant 0.000000e+00 : f32
    %broadcast_in_dim3A_583 = vector.broadcast %jit3A_582 : f32 to vector<32x512xf32>
    %select_n3A_584 = arith.select %and3A_581, %convert_element_type3A_50, %broadcast_in_dim3A_583 : vector<32x512xi1>, vector<32x512xf32>
    %reduce_sum3A_585 = arith.constant dense<0.000000e+00> : vector<32xf32>
    %reduce_sum3A_586 = vector.multi_reduction <add>, %select_n3A_584, %reduce_sum3A_585 [1] : vector<32x512xf32> to vector<32xf32>
    %broadcast_in_dim3A_587 = vector.shape_cast %reduce_sum3A_586 : vector<32xf32> to vector<32x1xf32>
    %jit3A_588 = arith.constant 0.000000e+00 : f32
    %broadcast_in_dim3A_589 = vector.broadcast %jit3A_588 : f32 to vector<32x512xf32>
    %select_n3A_590 = arith.select %and3A_581, %mul3A, %broadcast_in_dim3A_589 : vector<32x512xi1>, vector<32x512xf32>
    %reduce_sum3A_591 = arith.constant dense<0.000000e+00> : vector<32xf32>
    %reduce_sum3A_592 = vector.multi_reduction <add>, %select_n3A_590, %reduce_sum3A_591 [1] : vector<32x512xf32> to vector<32xf32>
    %broadcast_in_dim3A_593 = vector.shape_cast %reduce_sum3A_592 : vector<32xf32> to vector<32x1xf32>
    %eq3A_594 = arith.constant 3.400000e+01 : f32
    %eq3A_595 = vector.broadcast %eq3A_594 : f32 to vector<32x512xf32>
    %eq3A_596 = arith.cmpf oeq, %sub3A_44, %eq3A_595 : vector<32x512xf32>
    %and3A_597 = arith.andi %ge3A_29, %eq3A_596 : vector<32x512xi1>
    %jit3A_598 = arith.constant 0.000000e+00 : f32
    %broadcast_in_dim3A_599 = vector.broadcast %jit3A_598 : f32 to vector<32x512xf32>
    %select_n3A_600 = arith.select %and3A_597, %convert_element_type3A_50, %broadcast_in_dim3A_599 : vector<32x512xi1>, vector<32x512xf32>
    %reduce_sum3A_601 = arith.constant dense<0.000000e+00> : vector<32xf32>
    %reduce_sum3A_602 = vector.multi_reduction <add>, %select_n3A_600, %reduce_sum3A_601 [1] : vector<32x512xf32> to vector<32xf32>
    %broadcast_in_dim3A_603 = vector.shape_cast %reduce_sum3A_602 : vector<32xf32> to vector<32x1xf32>
    %jit3A_604 = arith.constant 0.000000e+00 : f32
    %broadcast_in_dim3A_605 = vector.broadcast %jit3A_604 : f32 to vector<32x512xf32>
    %select_n3A_606 = arith.select %and3A_597, %mul3A, %broadcast_in_dim3A_605 : vector<32x512xi1>, vector<32x512xf32>
    %reduce_sum3A_607 = arith.constant dense<0.000000e+00> : vector<32xf32>
    %reduce_sum3A_608 = vector.multi_reduction <add>, %select_n3A_606, %reduce_sum3A_607 [1] : vector<32x512xf32> to vector<32xf32>
    %broadcast_in_dim3A_609 = vector.shape_cast %reduce_sum3A_608 : vector<32xf32> to vector<32x1xf32>
    %eq3A_610 = arith.constant 3.500000e+01 : f32
    %eq3A_611 = vector.broadcast %eq3A_610 : f32 to vector<32x512xf32>
    %eq3A_612 = arith.cmpf oeq, %sub3A_44, %eq3A_611 : vector<32x512xf32>
    %and3A_613 = arith.andi %ge3A_29, %eq3A_612 : vector<32x512xi1>
    %jit3A_614 = arith.constant 0.000000e+00 : f32
    %broadcast_in_dim3A_615 = vector.broadcast %jit3A_614 : f32 to vector<32x512xf32>
    %select_n3A_616 = arith.select %and3A_613, %convert_element_type3A_50, %broadcast_in_dim3A_615 : vector<32x512xi1>, vector<32x512xf32>
    %reduce_sum3A_617 = arith.constant dense<0.000000e+00> : vector<32xf32>
    %reduce_sum3A_618 = vector.multi_reduction <add>, %select_n3A_616, %reduce_sum3A_617 [1] : vector<32x512xf32> to vector<32xf32>
    %broadcast_in_dim3A_619 = vector.shape_cast %reduce_sum3A_618 : vector<32xf32> to vector<32x1xf32>
    %jit3A_620 = arith.constant 0.000000e+00 : f32
    %broadcast_in_dim3A_621 = vector.broadcast %jit3A_620 : f32 to vector<32x512xf32>
    %select_n3A_622 = arith.select %and3A_613, %mul3A, %broadcast_in_dim3A_621 : vector<32x512xi1>, vector<32x512xf32>
    %reduce_sum3A_623 = arith.constant dense<0.000000e+00> : vector<32xf32>
    %reduce_sum3A_624 = vector.multi_reduction <add>, %select_n3A_622, %reduce_sum3A_623 [1] : vector<32x512xf32> to vector<32xf32>
    %broadcast_in_dim3A_625 = vector.shape_cast %reduce_sum3A_624 : vector<32xf32> to vector<32x1xf32>
    %eq3A_626 = arith.constant 3.600000e+01 : f32
    %eq3A_627 = vector.broadcast %eq3A_626 : f32 to vector<32x512xf32>
    %eq3A_628 = arith.cmpf oeq, %sub3A_44, %eq3A_627 : vector<32x512xf32>
    %and3A_629 = arith.andi %ge3A_29, %eq3A_628 : vector<32x512xi1>
    %jit3A_630 = arith.constant 0.000000e+00 : f32
    %broadcast_in_dim3A_631 = vector.broadcast %jit3A_630 : f32 to vector<32x512xf32>
    %select_n3A_632 = arith.select %and3A_629, %convert_element_type3A_50, %broadcast_in_dim3A_631 : vector<32x512xi1>, vector<32x512xf32>
    %reduce_sum3A_633 = arith.constant dense<0.000000e+00> : vector<32xf32>
    %reduce_sum3A_634 = vector.multi_reduction <add>, %select_n3A_632, %reduce_sum3A_633 [1] : vector<32x512xf32> to vector<32xf32>
    %broadcast_in_dim3A_635 = vector.shape_cast %reduce_sum3A_634 : vector<32xf32> to vector<32x1xf32>
    %jit3A_636 = arith.constant 0.000000e+00 : f32
    %broadcast_in_dim3A_637 = vector.broadcast %jit3A_636 : f32 to vector<32x512xf32>
    %select_n3A_638 = arith.select %and3A_629, %mul3A, %broadcast_in_dim3A_637 : vector<32x512xi1>, vector<32x512xf32>
    %reduce_sum3A_639 = arith.constant dense<0.000000e+00> : vector<32xf32>
    %reduce_sum3A_640 = vector.multi_reduction <add>, %select_n3A_638, %reduce_sum3A_639 [1] : vector<32x512xf32> to vector<32xf32>
    %broadcast_in_dim3A_641 = vector.shape_cast %reduce_sum3A_640 : vector<32xf32> to vector<32x1xf32>
    %eq3A_642 = arith.constant 3.700000e+01 : f32
    %eq3A_643 = vector.broadcast %eq3A_642 : f32 to vector<32x512xf32>
    %eq3A_644 = arith.cmpf oeq, %sub3A_44, %eq3A_643 : vector<32x512xf32>
    %and3A_645 = arith.andi %ge3A_29, %eq3A_644 : vector<32x512xi1>
    %jit3A_646 = arith.constant 0.000000e+00 : f32
    %broadcast_in_dim3A_647 = vector.broadcast %jit3A_646 : f32 to vector<32x512xf32>
    %select_n3A_648 = arith.select %and3A_645, %convert_element_type3A_50, %broadcast_in_dim3A_647 : vector<32x512xi1>, vector<32x512xf32>
    %reduce_sum3A_649 = arith.constant dense<0.000000e+00> : vector<32xf32>
    %reduce_sum3A_650 = vector.multi_reduction <add>, %select_n3A_648, %reduce_sum3A_649 [1] : vector<32x512xf32> to vector<32xf32>
    %broadcast_in_dim3A_651 = vector.shape_cast %reduce_sum3A_650 : vector<32xf32> to vector<32x1xf32>
    %jit3A_652 = arith.constant 0.000000e+00 : f32
    %broadcast_in_dim3A_653 = vector.broadcast %jit3A_652 : f32 to vector<32x512xf32>
    %select_n3A_654 = arith.select %and3A_645, %mul3A, %broadcast_in_dim3A_653 : vector<32x512xi1>, vector<32x512xf32>
    %reduce_sum3A_655 = arith.constant dense<0.000000e+00> : vector<32xf32>
    %reduce_sum3A_656 = vector.multi_reduction <add>, %select_n3A_654, %reduce_sum3A_655 [1] : vector<32x512xf32> to vector<32xf32>
    %broadcast_in_dim3A_657 = vector.shape_cast %reduce_sum3A_656 : vector<32xf32> to vector<32x1xf32>
    %eq3A_658 = arith.constant 3.800000e+01 : f32
    %eq3A_659 = vector.broadcast %eq3A_658 : f32 to vector<32x512xf32>
    %eq3A_660 = arith.cmpf oeq, %sub3A_44, %eq3A_659 : vector<32x512xf32>
    %and3A_661 = arith.andi %ge3A_29, %eq3A_660 : vector<32x512xi1>
    %jit3A_662 = arith.constant 0.000000e+00 : f32
    %broadcast_in_dim3A_663 = vector.broadcast %jit3A_662 : f32 to vector<32x512xf32>
    %select_n3A_664 = arith.select %and3A_661, %convert_element_type3A_50, %broadcast_in_dim3A_663 : vector<32x512xi1>, vector<32x512xf32>
    %reduce_sum3A_665 = arith.constant dense<0.000000e+00> : vector<32xf32>
    %reduce_sum3A_666 = vector.multi_reduction <add>, %select_n3A_664, %reduce_sum3A_665 [1] : vector<32x512xf32> to vector<32xf32>
    %broadcast_in_dim3A_667 = vector.shape_cast %reduce_sum3A_666 : vector<32xf32> to vector<32x1xf32>
    %jit3A_668 = arith.constant 0.000000e+00 : f32
    %broadcast_in_dim3A_669 = vector.broadcast %jit3A_668 : f32 to vector<32x512xf32>
    %select_n3A_670 = arith.select %and3A_661, %mul3A, %broadcast_in_dim3A_669 : vector<32x512xi1>, vector<32x512xf32>
    %reduce_sum3A_671 = arith.constant dense<0.000000e+00> : vector<32xf32>
    %reduce_sum3A_672 = vector.multi_reduction <add>, %select_n3A_670, %reduce_sum3A_671 [1] : vector<32x512xf32> to vector<32xf32>
    %broadcast_in_dim3A_673 = vector.shape_cast %reduce_sum3A_672 : vector<32xf32> to vector<32x1xf32>
    %eq3A_674 = arith.constant 3.900000e+01 : f32
    %eq3A_675 = vector.broadcast %eq3A_674 : f32 to vector<32x512xf32>
    %eq3A_676 = arith.cmpf oeq, %sub3A_44, %eq3A_675 : vector<32x512xf32>
    %and3A_677 = arith.andi %ge3A_29, %eq3A_676 : vector<32x512xi1>
    %jit3A_678 = arith.constant 0.000000e+00 : f32
    %broadcast_in_dim3A_679 = vector.broadcast %jit3A_678 : f32 to vector<32x512xf32>
    %select_n3A_680 = arith.select %and3A_677, %convert_element_type3A_50, %broadcast_in_dim3A_679 : vector<32x512xi1>, vector<32x512xf32>
    %reduce_sum3A_681 = arith.constant dense<0.000000e+00> : vector<32xf32>
    %reduce_sum3A_682 = vector.multi_reduction <add>, %select_n3A_680, %reduce_sum3A_681 [1] : vector<32x512xf32> to vector<32xf32>
    %broadcast_in_dim3A_683 = vector.shape_cast %reduce_sum3A_682 : vector<32xf32> to vector<32x1xf32>
    %jit3A_684 = arith.constant 0.000000e+00 : f32
    %broadcast_in_dim3A_685 = vector.broadcast %jit3A_684 : f32 to vector<32x512xf32>
    %select_n3A_686 = arith.select %and3A_677, %mul3A, %broadcast_in_dim3A_685 : vector<32x512xi1>, vector<32x512xf32>
    %reduce_sum3A_687 = arith.constant dense<0.000000e+00> : vector<32xf32>
    %reduce_sum3A_688 = vector.multi_reduction <add>, %select_n3A_686, %reduce_sum3A_687 [1] : vector<32x512xf32> to vector<32xf32>
    %broadcast_in_dim3A_689 = vector.shape_cast %reduce_sum3A_688 : vector<32xf32> to vector<32x1xf32>
    %eq3A_690 = arith.constant 4.000000e+01 : f32
    %eq3A_691 = vector.broadcast %eq3A_690 : f32 to vector<32x512xf32>
    %eq3A_692 = arith.cmpf oeq, %sub3A_44, %eq3A_691 : vector<32x512xf32>
    %and3A_693 = arith.andi %ge3A_29, %eq3A_692 : vector<32x512xi1>
    %jit3A_694 = arith.constant 0.000000e+00 : f32
    %broadcast_in_dim3A_695 = vector.broadcast %jit3A_694 : f32 to vector<32x512xf32>
    %select_n3A_696 = arith.select %and3A_693, %convert_element_type3A_50, %broadcast_in_dim3A_695 : vector<32x512xi1>, vector<32x512xf32>
    %reduce_sum3A_697 = arith.constant dense<0.000000e+00> : vector<32xf32>
    %reduce_sum3A_698 = vector.multi_reduction <add>, %select_n3A_696, %reduce_sum3A_697 [1] : vector<32x512xf32> to vector<32xf32>
    %broadcast_in_dim3A_699 = vector.shape_cast %reduce_sum3A_698 : vector<32xf32> to vector<32x1xf32>
    %jit3A_700 = arith.constant 0.000000e+00 : f32
    %broadcast_in_dim3A_701 = vector.broadcast %jit3A_700 : f32 to vector<32x512xf32>
    %select_n3A_702 = arith.select %and3A_693, %mul3A, %broadcast_in_dim3A_701 : vector<32x512xi1>, vector<32x512xf32>
    %reduce_sum3A_703 = arith.constant dense<0.000000e+00> : vector<32xf32>
    %reduce_sum3A_704 = vector.multi_reduction <add>, %select_n3A_702, %reduce_sum3A_703 [1] : vector<32x512xf32> to vector<32xf32>
    %broadcast_in_dim3A_705 = vector.shape_cast %reduce_sum3A_704 : vector<32xf32> to vector<32x1xf32>
    %eq3A_706 = arith.constant 4.100000e+01 : f32
    %eq3A_707 = vector.broadcast %eq3A_706 : f32 to vector<32x512xf32>
    %eq3A_708 = arith.cmpf oeq, %sub3A_44, %eq3A_707 : vector<32x512xf32>
    %and3A_709 = arith.andi %ge3A_29, %eq3A_708 : vector<32x512xi1>
    %jit3A_710 = arith.constant 0.000000e+00 : f32
    %broadcast_in_dim3A_711 = vector.broadcast %jit3A_710 : f32 to vector<32x512xf32>
    %select_n3A_712 = arith.select %and3A_709, %convert_element_type3A_50, %broadcast_in_dim3A_711 : vector<32x512xi1>, vector<32x512xf32>
    %reduce_sum3A_713 = arith.constant dense<0.000000e+00> : vector<32xf32>
    %reduce_sum3A_714 = vector.multi_reduction <add>, %select_n3A_712, %reduce_sum3A_713 [1] : vector<32x512xf32> to vector<32xf32>
    %broadcast_in_dim3A_715 = vector.shape_cast %reduce_sum3A_714 : vector<32xf32> to vector<32x1xf32>
    %jit3A_716 = arith.constant 0.000000e+00 : f32
    %broadcast_in_dim3A_717 = vector.broadcast %jit3A_716 : f32 to vector<32x512xf32>
    %select_n3A_718 = arith.select %and3A_709, %mul3A, %broadcast_in_dim3A_717 : vector<32x512xi1>, vector<32x512xf32>
    %reduce_sum3A_719 = arith.constant dense<0.000000e+00> : vector<32xf32>
    %reduce_sum3A_720 = vector.multi_reduction <add>, %select_n3A_718, %reduce_sum3A_719 [1] : vector<32x512xf32> to vector<32xf32>
    %broadcast_in_dim3A_721 = vector.shape_cast %reduce_sum3A_720 : vector<32xf32> to vector<32x1xf32>
    %eq3A_722 = arith.constant 4.200000e+01 : f32
    %eq3A_723 = vector.broadcast %eq3A_722 : f32 to vector<32x512xf32>
    %eq3A_724 = arith.cmpf oeq, %sub3A_44, %eq3A_723 : vector<32x512xf32>
    %and3A_725 = arith.andi %ge3A_29, %eq3A_724 : vector<32x512xi1>
    %jit3A_726 = arith.constant 0.000000e+00 : f32
    %broadcast_in_dim3A_727 = vector.broadcast %jit3A_726 : f32 to vector<32x512xf32>
    %select_n3A_728 = arith.select %and3A_725, %convert_element_type3A_50, %broadcast_in_dim3A_727 : vector<32x512xi1>, vector<32x512xf32>
    %reduce_sum3A_729 = arith.constant dense<0.000000e+00> : vector<32xf32>
    %reduce_sum3A_730 = vector.multi_reduction <add>, %select_n3A_728, %reduce_sum3A_729 [1] : vector<32x512xf32> to vector<32xf32>
    %broadcast_in_dim3A_731 = vector.shape_cast %reduce_sum3A_730 : vector<32xf32> to vector<32x1xf32>
    %jit3A_732 = arith.constant 0.000000e+00 : f32
    %broadcast_in_dim3A_733 = vector.broadcast %jit3A_732 : f32 to vector<32x512xf32>
    %select_n3A_734 = arith.select %and3A_725, %mul3A, %broadcast_in_dim3A_733 : vector<32x512xi1>, vector<32x512xf32>
    %reduce_sum3A_735 = arith.constant dense<0.000000e+00> : vector<32xf32>
    %reduce_sum3A_736 = vector.multi_reduction <add>, %select_n3A_734, %reduce_sum3A_735 [1] : vector<32x512xf32> to vector<32xf32>
    %broadcast_in_dim3A_737 = vector.shape_cast %reduce_sum3A_736 : vector<32xf32> to vector<32x1xf32>
    %eq3A_738 = arith.constant 4.300000e+01 : f32
    %eq3A_739 = vector.broadcast %eq3A_738 : f32 to vector<32x512xf32>
    %eq3A_740 = arith.cmpf oeq, %sub3A_44, %eq3A_739 : vector<32x512xf32>
    %and3A_741 = arith.andi %ge3A_29, %eq3A_740 : vector<32x512xi1>
    %jit3A_742 = arith.constant 0.000000e+00 : f32
    %broadcast_in_dim3A_743 = vector.broadcast %jit3A_742 : f32 to vector<32x512xf32>
    %select_n3A_744 = arith.select %and3A_741, %convert_element_type3A_50, %broadcast_in_dim3A_743 : vector<32x512xi1>, vector<32x512xf32>
    %reduce_sum3A_745 = arith.constant dense<0.000000e+00> : vector<32xf32>
    %reduce_sum3A_746 = vector.multi_reduction <add>, %select_n3A_744, %reduce_sum3A_745 [1] : vector<32x512xf32> to vector<32xf32>
    %broadcast_in_dim3A_747 = vector.shape_cast %reduce_sum3A_746 : vector<32xf32> to vector<32x1xf32>
    %jit3A_748 = arith.constant 0.000000e+00 : f32
    %broadcast_in_dim3A_749 = vector.broadcast %jit3A_748 : f32 to vector<32x512xf32>
    %select_n3A_750 = arith.select %and3A_741, %mul3A, %broadcast_in_dim3A_749 : vector<32x512xi1>, vector<32x512xf32>
    %reduce_sum3A_751 = arith.constant dense<0.000000e+00> : vector<32xf32>
    %reduce_sum3A_752 = vector.multi_reduction <add>, %select_n3A_750, %reduce_sum3A_751 [1] : vector<32x512xf32> to vector<32xf32>
    %broadcast_in_dim3A_753 = vector.shape_cast %reduce_sum3A_752 : vector<32xf32> to vector<32x1xf32>
    %eq3A_754 = arith.constant 4.400000e+01 : f32
    %eq3A_755 = vector.broadcast %eq3A_754 : f32 to vector<32x512xf32>
    %eq3A_756 = arith.cmpf oeq, %sub3A_44, %eq3A_755 : vector<32x512xf32>
    %and3A_757 = arith.andi %ge3A_29, %eq3A_756 : vector<32x512xi1>
    %jit3A_758 = arith.constant 0.000000e+00 : f32
    %broadcast_in_dim3A_759 = vector.broadcast %jit3A_758 : f32 to vector<32x512xf32>
    %select_n3A_760 = arith.select %and3A_757, %convert_element_type3A_50, %broadcast_in_dim3A_759 : vector<32x512xi1>, vector<32x512xf32>
    %reduce_sum3A_761 = arith.constant dense<0.000000e+00> : vector<32xf32>
    %reduce_sum3A_762 = vector.multi_reduction <add>, %select_n3A_760, %reduce_sum3A_761 [1] : vector<32x512xf32> to vector<32xf32>
    %broadcast_in_dim3A_763 = vector.shape_cast %reduce_sum3A_762 : vector<32xf32> to vector<32x1xf32>
    %jit3A_764 = arith.constant 0.000000e+00 : f32
    %broadcast_in_dim3A_765 = vector.broadcast %jit3A_764 : f32 to vector<32x512xf32>
    %select_n3A_766 = arith.select %and3A_757, %mul3A, %broadcast_in_dim3A_765 : vector<32x512xi1>, vector<32x512xf32>
    %reduce_sum3A_767 = arith.constant dense<0.000000e+00> : vector<32xf32>
    %reduce_sum3A_768 = vector.multi_reduction <add>, %select_n3A_766, %reduce_sum3A_767 [1] : vector<32x512xf32> to vector<32xf32>
    %broadcast_in_dim3A_769 = vector.shape_cast %reduce_sum3A_768 : vector<32xf32> to vector<32x1xf32>
    %eq3A_770 = arith.constant 4.500000e+01 : f32
    %eq3A_771 = vector.broadcast %eq3A_770 : f32 to vector<32x512xf32>
    %eq3A_772 = arith.cmpf oeq, %sub3A_44, %eq3A_771 : vector<32x512xf32>
    %and3A_773 = arith.andi %ge3A_29, %eq3A_772 : vector<32x512xi1>
    %jit3A_774 = arith.constant 0.000000e+00 : f32
    %broadcast_in_dim3A_775 = vector.broadcast %jit3A_774 : f32 to vector<32x512xf32>
    %select_n3A_776 = arith.select %and3A_773, %convert_element_type3A_50, %broadcast_in_dim3A_775 : vector<32x512xi1>, vector<32x512xf32>
    %reduce_sum3A_777 = arith.constant dense<0.000000e+00> : vector<32xf32>
    %reduce_sum3A_778 = vector.multi_reduction <add>, %select_n3A_776, %reduce_sum3A_777 [1] : vector<32x512xf32> to vector<32xf32>
    %broadcast_in_dim3A_779 = vector.shape_cast %reduce_sum3A_778 : vector<32xf32> to vector<32x1xf32>
    %jit3A_780 = arith.constant 0.000000e+00 : f32
    %broadcast_in_dim3A_781 = vector.broadcast %jit3A_780 : f32 to vector<32x512xf32>
    %select_n3A_782 = arith.select %and3A_773, %mul3A, %broadcast_in_dim3A_781 : vector<32x512xi1>, vector<32x512xf32>
    %reduce_sum3A_783 = arith.constant dense<0.000000e+00> : vector<32xf32>
    %reduce_sum3A_784 = vector.multi_reduction <add>, %select_n3A_782, %reduce_sum3A_783 [1] : vector<32x512xf32> to vector<32xf32>
    %broadcast_in_dim3A_785 = vector.shape_cast %reduce_sum3A_784 : vector<32xf32> to vector<32x1xf32>
    %eq3A_786 = arith.constant 4.600000e+01 : f32
    %eq3A_787 = vector.broadcast %eq3A_786 : f32 to vector<32x512xf32>
    %eq3A_788 = arith.cmpf oeq, %sub3A_44, %eq3A_787 : vector<32x512xf32>
    %and3A_789 = arith.andi %ge3A_29, %eq3A_788 : vector<32x512xi1>
    %jit3A_790 = arith.constant 0.000000e+00 : f32
    %broadcast_in_dim3A_791 = vector.broadcast %jit3A_790 : f32 to vector<32x512xf32>
    %select_n3A_792 = arith.select %and3A_789, %convert_element_type3A_50, %broadcast_in_dim3A_791 : vector<32x512xi1>, vector<32x512xf32>
    %reduce_sum3A_793 = arith.constant dense<0.000000e+00> : vector<32xf32>
    %reduce_sum3A_794 = vector.multi_reduction <add>, %select_n3A_792, %reduce_sum3A_793 [1] : vector<32x512xf32> to vector<32xf32>
    %broadcast_in_dim3A_795 = vector.shape_cast %reduce_sum3A_794 : vector<32xf32> to vector<32x1xf32>
    %jit3A_796 = arith.constant 0.000000e+00 : f32
    %broadcast_in_dim3A_797 = vector.broadcast %jit3A_796 : f32 to vector<32x512xf32>
    %select_n3A_798 = arith.select %and3A_789, %mul3A, %broadcast_in_dim3A_797 : vector<32x512xi1>, vector<32x512xf32>
    %reduce_sum3A_799 = arith.constant dense<0.000000e+00> : vector<32xf32>
    %reduce_sum3A_800 = vector.multi_reduction <add>, %select_n3A_798, %reduce_sum3A_799 [1] : vector<32x512xf32> to vector<32xf32>
    %broadcast_in_dim3A_801 = vector.shape_cast %reduce_sum3A_800 : vector<32xf32> to vector<32x1xf32>
    %eq3A_802 = arith.constant 4.700000e+01 : f32
    %eq3A_803 = vector.broadcast %eq3A_802 : f32 to vector<32x512xf32>
    %eq3A_804 = arith.cmpf oeq, %sub3A_44, %eq3A_803 : vector<32x512xf32>
    %and3A_805 = arith.andi %ge3A_29, %eq3A_804 : vector<32x512xi1>
    %jit3A_806 = arith.constant 0.000000e+00 : f32
    %broadcast_in_dim3A_807 = vector.broadcast %jit3A_806 : f32 to vector<32x512xf32>
    %select_n3A_808 = arith.select %and3A_805, %convert_element_type3A_50, %broadcast_in_dim3A_807 : vector<32x512xi1>, vector<32x512xf32>
    %reduce_sum3A_809 = arith.constant dense<0.000000e+00> : vector<32xf32>
    %reduce_sum3A_810 = vector.multi_reduction <add>, %select_n3A_808, %reduce_sum3A_809 [1] : vector<32x512xf32> to vector<32xf32>
    %broadcast_in_dim3A_811 = vector.shape_cast %reduce_sum3A_810 : vector<32xf32> to vector<32x1xf32>
    %jit3A_812 = arith.constant 0.000000e+00 : f32
    %broadcast_in_dim3A_813 = vector.broadcast %jit3A_812 : f32 to vector<32x512xf32>
    %select_n3A_814 = arith.select %and3A_805, %mul3A, %broadcast_in_dim3A_813 : vector<32x512xi1>, vector<32x512xf32>
    %reduce_sum3A_815 = arith.constant dense<0.000000e+00> : vector<32xf32>
    %reduce_sum3A_816 = vector.multi_reduction <add>, %select_n3A_814, %reduce_sum3A_815 [1] : vector<32x512xf32> to vector<32xf32>
    %broadcast_in_dim3A_817 = vector.shape_cast %reduce_sum3A_816 : vector<32xf32> to vector<32x1xf32>
    %broadcast_in_dim3A_818 = arith.constant 0.000000e+00 : f32
    %broadcast_in_dim3A_819 = vector.broadcast %broadcast_in_dim3A_818 : f32 to vector<32x80xf32>
    %concatenate3A = tpu.concatenate %broadcast_in_dim3A_59, %broadcast_in_dim3A_75, %broadcast_in_dim3A_91, %broadcast_in_dim3A_107, %broadcast_in_dim3A_123, %broadcast_in_dim3A_139, %broadcast_in_dim3A_155, %broadcast_in_dim3A_171, %broadcast_in_dim3A_187, %broadcast_in_dim3A_203, %broadcast_in_dim3A_219, %broadcast_in_dim3A_235, %broadcast_in_dim3A_251, %broadcast_in_dim3A_267, %broadcast_in_dim3A_283, %broadcast_in_dim3A_299, %broadcast_in_dim3A_315, %broadcast_in_dim3A_331, %broadcast_in_dim3A_347, %broadcast_in_dim3A_363, %broadcast_in_dim3A_379, %broadcast_in_dim3A_395, %broadcast_in_dim3A_411, %broadcast_in_dim3A_427, %broadcast_in_dim3A_443, %broadcast_in_dim3A_459, %broadcast_in_dim3A_475, %broadcast_in_dim3A_491, %broadcast_in_dim3A_507, %broadcast_in_dim3A_523, %broadcast_in_dim3A_539, %broadcast_in_dim3A_555, %broadcast_in_dim3A_571, %broadcast_in_dim3A_587, %broadcast_in_dim3A_603, %broadcast_in_dim3A_619, %broadcast_in_dim3A_635, %broadcast_in_dim3A_651, %broadcast_in_dim3A_667, %broadcast_in_dim3A_683, %broadcast_in_dim3A_699, %broadcast_in_dim3A_715, %broadcast_in_dim3A_731, %broadcast_in_dim3A_747, %broadcast_in_dim3A_763, %broadcast_in_dim3A_779, %broadcast_in_dim3A_795, %broadcast_in_dim3A_811, %broadcast_in_dim3A_819 in 1 : vector<32x1xf32>, vector<32x1xf32>, vector<32x1xf32>, vector<32x1xf32>, vector<32x1xf32>, vector<32x1xf32>, vector<32x1xf32>, vector<32x1xf32>, vector<32x1xf32>, vector<32x1xf32>, vector<32x1xf32>, vector<32x1xf32>, vector<32x1xf32>, vector<32x1xf32>, vector<32x1xf32>, vector<32x1xf32>, vector<32x1xf32>, vector<32x1xf32>, vector<32x1xf32>, vector<32x1xf32>, vector<32x1xf32>, vector<32x1xf32>, vector<32x1xf32>, vector<32x1xf32>, vector<32x1xf32>, vector<32x1xf32>, vector<32x1xf32>, vector<32x1xf32>, vector<32x1xf32>, vector<32x1xf32>, vector<32x1xf32>, vector<32x1xf32>, vector<32x1xf32>, vector<32x1xf32>, vector<32x1xf32>, vector<32x1xf32>, vector<32x1xf32>, vector<32x1xf32>, vector<32x1xf32>, vector<32x1xf32>, vector<32x1xf32>, vector<32x1xf32>, vector<32x1xf32>, vector<32x1xf32>, vector<32x1xf32>, vector<32x1xf32>, vector<32x1xf32>, vector<32x1xf32>, vector<32x80xf32> -> vector<32x128xf32>
    %convert_element_type3A_820 = arith.fptosi %concatenate3A : vector<32x128xf32> to vector<32x128xi32>
    %swap3A = arith.constant 0 : index
    %swap3A_821 = arith.constant 0 : index
    %swap3A_822 = vector.load %arg2[%swap3A, %swap3A_821] : memref<32x128xi32, #tpu.memory_space<vmem>>, vector<32x128xi32>
    tpu.vector_store %arg2[%swap3A, %swap3A_821], %convert_element_type3A_820 {strides = array<i32>} : memref<32x128xi32, #tpu.memory_space<vmem>>, vector<32x128xi32>,
    %concatenate3A_823 = tpu.concatenate %broadcast_in_dim3A_65, %broadcast_in_dim3A_81, %broadcast_in_dim3A_97, %broadcast_in_dim3A_113, %broadcast_in_dim3A_129, %broadcast_in_dim3A_145, %broadcast_in_dim3A_161, %broadcast_in_dim3A_177, %broadcast_in_dim3A_193, %broadcast_in_dim3A_209, %broadcast_in_dim3A_225, %broadcast_in_dim3A_241, %broadcast_in_dim3A_257, %broadcast_in_dim3A_273, %broadcast_in_dim3A_289, %broadcast_in_dim3A_305, %broadcast_in_dim3A_321, %broadcast_in_dim3A_337, %broadcast_in_dim3A_353, %broadcast_in_dim3A_369, %broadcast_in_dim3A_385, %broadcast_in_dim3A_401, %broadcast_in_dim3A_417, %broadcast_in_dim3A_433, %broadcast_in_dim3A_449, %broadcast_in_dim3A_465, %broadcast_in_dim3A_481, %broadcast_in_dim3A_497, %broadcast_in_dim3A_513, %broadcast_in_dim3A_529, %broadcast_in_dim3A_545, %broadcast_in_dim3A_561, %broadcast_in_dim3A_577, %broadcast_in_dim3A_593, %broadcast_in_dim3A_609, %broadcast_in_dim3A_625, %broadcast_in_dim3A_641, %broadcast_in_dim3A_657, %broadcast_in_dim3A_673, %broadcast_in_dim3A_689, %broadcast_in_dim3A_705, %broadcast_in_dim3A_721, %broadcast_in_dim3A_737, %broadcast_in_dim3A_753, %broadcast_in_dim3A_769, %broadcast_in_dim3A_785, %broadcast_in_dim3A_801, %broadcast_in_dim3A_817, %broadcast_in_dim3A_819 in 1 : vector<32x1xf32>, vector<32x1xf32>, vector<32x1xf32>, vector<32x1xf32>, vector<32x1xf32>, vector<32x1xf32>, vector<32x1xf32>, vector<32x1xf32>, vector<32x1xf32>, vector<32x1xf32>, vector<32x1xf32>, vector<32x1xf32>, vector<32x1xf32>, vector<32x1xf32>, vector<32x1xf32>, vector<32x1xf32>, vector<32x1xf32>, vector<32x1xf32>, vector<32x1xf32>, vector<32x1xf32>, vector<32x1xf32>, vector<32x1xf32>, vector<32x1xf32>, vector<32x1xf32>, vector<32x1xf32>, vector<32x1xf32>, vector<32x1xf32>, vector<32x1xf32>, vector<32x1xf32>, vector<32x1xf32>, vector<32x1xf32>, vector<32x1xf32>, vector<32x1xf32>, vector<32x1xf32>, vector<32x1xf32>, vector<32x1xf32>, vector<32x1xf32>, vector<32x1xf32>, vector<32x1xf32>, vector<32x1xf32>, vector<32x1xf32>, vector<32x1xf32>, vector<32x1xf32>, vector<32x1xf32>, vector<32x1xf32>, vector<32x1xf32>, vector<32x1xf32>, vector<32x1xf32>, vector<32x80xf32> -> vector<32x128xf32>
    %swap3A_824 = arith.constant 0 : index
    %swap3A_825 = arith.constant 0 : index
    %swap3A_826 = vector.load %arg3[%swap3A_824, %swap3A_825] : memref<32x128xf32, #tpu.memory_space<vmem>>, vector<32x128xf32>
    tpu.vector_store %arg3[%swap3A_824, %swap3A_825], %concatenate3A_823 {strides = array<i32>} : memref<32x128xf32, #tpu.memory_space<vmem>>, vector<32x128xf32>,
    return
  }
}

module attributes {stable_mosaic.version = 14 : i64} {
  func.func @_fin_kernel(%arg0: memref<32x1152xf32, #tpu.memory_space<vmem>>, %arg1: memref<1x512xf32, #tpu.memory_space<vmem>>, %arg2: memref<1x512xf32, #tpu.memory_space<vmem>>) attributes {dimension_semantics = [], scalar_prefetch = 0 : i64, scratch_operands = 0 : i64, tpu.core_type = #tpu.core_type<tc>} {
    %get3A = arith.constant 0 : index
    %get3A_0 = arith.constant 0 : index
    %get3A_1 = vector.load %arg0[%get3A, %get3A_0] : memref<32x1152xf32, #tpu.memory_space<vmem>>, vector<32x1152xf32>
    %reduce_sum3A = arith.constant dense<0.000000e+00> : vector<1152xf32>
    %reduce_sum3A_2 = vector.multi_reduction <add>, %get3A_1, %reduce_sum3A [0] : vector<32x1152xf32> to vector<1152xf32>
    %slice3A = vector.extract_strided_slice %reduce_sum3A_2 {offsets = [1024], sizes = [16], strides = [1]} : vector<1152xf32> to vector<16xf32>
    %reduce_sum3A_3 = vector.shape_cast %slice3A : vector<16xf32> to vector<1x16xf32>
    %reduce_sum3A_4 = arith.constant dense<0.000000e+00> : vector<1xf32>
    %reduce_sum3A_5 = vector.multi_reduction <add>, %reduce_sum3A_3, %reduce_sum3A_4 [1] : vector<1x16xf32> to vector<1xf32>
    %reduce_sum3A_6 = vector.shape_cast %reduce_sum3A_5 : vector<1xf32> to vector<1x1xf32>
    %reduce_sum3A_7 = vector.extract %reduce_sum3A_6[0, 0] : f32 from vector<1x1xf32>
    %slice3A_8 = vector.extract_strided_slice %reduce_sum3A_2 {offsets = [0], sizes = [512], strides = [1]} : vector<1152xf32> to vector<512xf32>
    %div3A = vector.broadcast %reduce_sum3A_7 : f32 to vector<512xf32>
    %div3A_9 = arith.divf %slice3A_8, %div3A : vector<512xf32>
    %reshape3A = vector.shape_cast %div3A_9 : vector<512xf32> to vector<1x512xf32>
    %swap3A = arith.constant 0 : index
    %swap3A_10 = arith.constant 0 : index
    %swap3A_11 = vector.load %arg1[%swap3A, %swap3A_10] : memref<1x512xf32, #tpu.memory_space<vmem>>, vector<1x512xf32>
    tpu.vector_store %arg1[%swap3A, %swap3A_10], %reshape3A {strides = array<i32>} : memref<1x512xf32, #tpu.memory_space<vmem>>, vector<1x512xf32>,
    %slice3A_12 = vector.extract_strided_slice %reduce_sum3A_2 {offsets = [512], sizes = [512], strides = [1]} : vector<1152xf32> to vector<512xf32>
    %reshape3A_13 = vector.shape_cast %slice3A_12 : vector<512xf32> to vector<1x512xf32>
    %div3A_14 = vector.broadcast %reduce_sum3A_7 : f32 to vector<1x512xf32>
    %div3A_15 = arith.divf %reshape3A_13, %div3A_14 : vector<1x512xf32>
    %mul3A = arith.mulf %reshape3A, %reshape3A : vector<1x512xf32>
    %sub3A = arith.subf %div3A_15, %mul3A : vector<1x512xf32>
    %max3A = arith.constant 0.000000e+00 : f32
    %max3A_16 = vector.broadcast %max3A : f32 to vector<1x512xf32>
    %max3A_17 = arith.maximumf %sub3A, %max3A_16 : vector<1x512xf32>
    %sqrt3A = math.sqrt %max3A_17 : vector<1x512xf32>
    %swap3A_18 = arith.constant 0 : index
    %swap3A_19 = arith.constant 0 : index
    %swap3A_20 = vector.load %arg2[%swap3A_18, %swap3A_19] : memref<1x512xf32, #tpu.memory_space<vmem>>, vector<1x512xf32>
    tpu.vector_store %arg2[%swap3A_18, %swap3A_19], %sqrt3A {strides = array<i32>} : memref<1x512xf32, #tpu.memory_space<vmem>>, vector<1x512xf32>,
    return
  }
}

</mosaic_0001>

<sc_bundles>
// kernel: kernel.6.cloned.1.call-start
scs
__scs_entry_jumppad:
0x0: {  	(pc) =	sbr.rel $0x88, $3  }
0x1: {  	(tag) =	ssettag $0x0;
	lr =	simm.s32 $0x1  }
0x2: {  	[smem:$0x3F9F] =	sst lr;
	_ =	strace $0xD0000000  }
0x3: {  	_ = 	snop  }
0x4: {  	_ = 	snop  }
0x5: {  	_ = 	snop  }
0x6: {  	_ = 	snop  }
0x7: {  	_ = 	snop  }
__scs_overlays_trampoline_lowered:
0x8: {  	[smem:$0x3FAE] =	sst s0  }
0x9: {  	[smem:$0x3FAF] =	sst s1  }
0xa: {  	[smem:$0x3FB0] =	sst s2  }
0xb: {  	[smem:$0x3FB1] =	sst s3  }
0xc: {  	[smem:$0x3FB2] =	sst s4  }
0xd: {  	[smem:$0x3FB3] =	sst s5  }
0xe: {  	[smem:$0x3FB4] =	sst s6  }
0xf: {  	[smem:$0x3FB5] =	sst s7  }
0x10: {  	[smem:$0x3FB6] =	sst s8  }
0x11: {  	[smem:$0x3FB7] =	sst s9;
	s0 =	simm.s32 @!p0 $0x0  }
0x12: {  	s1 =	sld [smem:$0x3F9D];
	s0 =	simm.s32 @p0 $0x1  }
0x13: {  	[smem:$0x3FB8] =	sst s0;
	s0 =	simm.s32 @!p1 $0x0  }
0x14: {  	s2 =	sld [smem:$0x3F9C];
	s0 =	simm.s32 @p1 $0x1  }
0x15: {  	[smem:$0x3FB9] =	sst s0;
	s0 =	simm.s32 @!p2 $0x0  }
0x16: {  	s3 =	sld [smem:$0x3FDB];
	s0 =	simm.s32 @p2 $0x1  }
0x17: {  	s4 =	simm.s32 $0x1BF5;
	[smem:$0x3FBB] =	sst s0  }
0x18: {  	s0 =	sld [smem:$0x3F9E];
	_ =	swait.ge [sflag:s4], $0x0  }
0x19: {  	s7 =	sld [smem:$0x3F9F]  }
0x1a: {  	s8 =	sadd.s32 $0xFFFFE003, lr  }
0x1b: {  	s9 =	sadd.s32 $0xFFFFFEF7, lr;
	s5 =	simm.s32 $0xFFFFFFFF;
	p2 =	slt.u32 s8, $0xFFFFF086  }
0x1c: {  	p1 =	slt.u32 s9, $0xF7A;
	s5 =	simm.s32 @!p2 $0x0  }
0x1d: {  	s5 =	simm.s32 @p1 $0x1;
	p0 =	seq.s32 s7, s2  }
0x1e: {  	s7 =	smul.u32 @!p0 $0xF7A, s2;
	p2 =	seq.s32 @!p0 s5, $0x0  }
0x1f: {  	s9 =	smul.u32 $0xF7A, s1;
	s8 =	simm.s32 @!p0 $0x1BF5;
	p2 =	por !p2, p0  }
0x20: {  	[sflag:s8] =	ssyncset.s32 @!p0 $0xFFFFF086;
	s6 =	sadd.s32 @!p0 s3, s7;
	s7 =	simm.s32 @!p0 $0x108  }
0x21: {  	s3 =	sadd.s32 s3, s9;
	s6 =	sadd.s32 @!p0 $0x88, s6;
	s7 =	simm.s32 @p2 $0x1082  }
0x22: {  	[simem:s7], [sflag:s8] =	dma.local @!p0 [hbm:s6], $0xF7A  }
0x23: {  	s9 =	sor.u32 $0xD0000000, s2;
	s6 =	simm.s32 $0x108;
	_ =	swait.ge @!p0 [sflag:s8], $0x0  }
0x24: {  	s3 =	sadd.s32 $0x88, s3;
	s6 =	simm.s32 @!p1 $0x1082;
	[sflag:s4] =	ssyncset.s32 $0xFFFFF086  }
0x25: {  	[simem:s6], [sflag:s4] =	dma.local [hbm:s3], $0xF7A  }
0x26: {  	[smem:$0x3F9F] =	sst s1;
	(tag) =	ssettag s2;
	_ =	strace s9  }
0x27: {  	s1 =	sld [smem:$0x3FAF]  }
0x28: {  	s2 =	sld [smem:$0x3FB0]  }
0x29: {  	s4 =	sld [smem:$0x3FB2]  }
0x2a: {  	p0 =	seq.s32 s5, $0x0;
	s5 =	sld [smem:$0x3FB3]  }
0x2b: {  	s6 =	sld [smem:$0x3FB4]  }
0x2c: {  	s7 =	sld [smem:$0x3FB5]  }
0x2d: {  	s3 =	simm.s32 $0x108;
	s8 =	sld [smem:$0x3FB6]  }
0x2e: {  	s3 =	simm.s32 @!p0 $0x1082;
	s9 =	sld [smem:$0x3FB7]  }
0x2f: {  	lr =	sadd.s32 s0, s3;
	s0 =	sld [smem:$0x3FAE]  }
0x30: {  	s3 =	sld [smem:$0x3FB1]  }
0x31: {  	[smem:$0x3FBA] =	sst s10  }
0x32: {  	s10 =	sld [smem:$0x3FB8];
	_ =	sdelay $0x3  }
0x33: {  	p0 =	seq.s32 s10, $0x1;
	s10 =	sld [smem:$0x3FBA];
	_ =	sdelay $0x3  }
0x34: {  	[smem:$0x3FBA] =	sst s10  }
0x35: {  	s10 =	sld [smem:$0x3FB9];
	_ =	sdelay $0x3  }
0x36: {  	p1 =	seq.s32 s10, $0x1;
	s10 =	sld [smem:$0x3FBA];
	_ =	sdelay $0x3  }
0x37: {  	[smem:$0x3FBA] =	sst s10  }
0x38: {  	s10 =	sld [smem:$0x3FBB]  }
0x39: {  	_ = 	snop;
	(pc) =	sbr.ind lr, $3  }
0x3a: {  	_ = 	snop  }
0x3b: {  	_ = 	snop  }
0x3c: {  	p2 =	seq.s32 s10, $0x1;
	s10 =	sld [smem:$0x3FBA]  }
0x3d: {  	_ =	shalt  }
0x3e: {  	_ =	shalt  }
0x3f: {  	_ =	shalt  }
0x40: {  	_ =	shalt  }
0x41: {  	_ =	shalt  }
0x42: {  	_ =	shalt  }
0x43: {  	_ =	shalt  }
0x44: {  	_ =	shalt  }
0x45: {  	_ =	shalt  }
0x46: {  	_ =	shalt  }
0x47: {  	_ =	shalt  }
0x48: {  	_ =	shalt  }
0x49: {  	_ =	shalt  }
0x4a: {  	_ =	shalt  }
0x4b: {  	_ =	shalt  }
0x4c: {  	_ =	shalt  }
0x4d: {  	_ =	shalt  }
0x4e: {  	_ =	shalt  }
0x4f: {  	_ =	shalt  }
0x50: {  	_ =	shalt  }
0x51: {  	_ =	shalt  }
0x52: {  	_ =	shalt  }
0x53: {  	_ =	shalt  }
0x54: {  	_ =	shalt  }
0x55: {  	_ =	shalt  }
0x56: {  	_ =	shalt  }
0x57: {  	_ =	shalt  }
0x58: {  	_ =	shalt  }
0x59: {  	_ =	shalt  }
0x5a: {  	_ =	shalt  }
0x5b: {  	_ =	shalt  }
0x5c: {  	_ =	shalt  }
0x5d: {  	_ =	shalt  }
0x5e: {  	_ =	shalt  }
0x5f: {  	_ =	shalt  }
0x60: {  	_ =	shalt  }
0x61: {  	_ =	shalt  }
0x62: {  	_ =	shalt  }
0x63: {  	_ =	shalt  }
0x64: {  	_ =	shalt  }
0x65: {  	_ =	shalt  }
0x66: {  	_ =	shalt  }
0x67: {  	_ =	shalt  }
0x68: {  	_ =	shalt  }
0x69: {  	_ =	shalt  }
0x6a: {  	_ =	shalt  }
0x6b: {  	_ =	shalt  }
0x6c: {  	_ =	shalt  }
0x6d: {  	_ =	shalt  }
0x6e: {  	_ =	shalt  }
0x6f: {  	_ =	shalt  }
0x70: {  	_ =	shalt  }
0x71: {  	_ =	shalt  }
0x72: {  	_ =	shalt  }
0x73: {  	_ =	shalt  }
0x74: {  	_ =	shalt  }
0x75: {  	_ =	shalt  }
0x76: {  	_ =	shalt  }
0x77: {  	_ =	shalt  }
0x78: {  	_ =	shalt  }
0x79: {  	_ =	shalt  }
0x7a: {  	_ =	shalt  }
0x7b: {  	_ =	shalt  }
0x7c: {  	_ =	shalt  }
0x7d: {  	_ =	shalt  }
0x7e: {  	_ =	shalt  }
0x7f: {  	_ =	shalt  }
0x80: {  	_ =	shalt  }
0x81: {  	_ =	shalt  }
0x82: {  	_ =	shalt  }
0x83: {  	_ =	shalt  }
0x84: {  	_ =	shalt  }
0x85: {  	_ =	shalt  }
0x86: {  	_ =	shalt  }
0x87: {  	_ =	shalt  }
.Lfunc_end0:
.L_simem_size_0:
called_computation_lowered:
.L_overlay_start_0:
0x88: {  	s2 =	sld [smem:$0x3FD9]  }
0x89: {  	s3 =	sld [smem:$0x3FFE];
	_ =	sdelay $0x1  }
0x8a: {  	s1 =	srdreg.scid  }
0x8b: {  	s0 =	sand.u32 $0x1, s1  }
0x8c: {  	s16 =	sshll.u32 s0, $0xA;
	s2 =	sadd.s32 s3, s2  }
0x8d: {  	s2 =	sadd.s32 s2, s16  }
0x8e: {  	[smem:$0x3FC6] =	sst s2  }
0x8f: {  	_ = 	snop  }
0x90: {  	(tm) =	ssettm $0x1  }
0x91: {  	s17 =	sld [smem:$0x3FFB];
	_ =	sdelay $0x3  }
0x92: {  	_ =	strace s17  }
0x93: {  	s2 =	sld [smem:$0x3FFC];
	_ =	sdelay $0x3  }
0x94: {  	_ =	strace s2  }
0x95: {  	s2 =	sld [smem:$0x3FFD];
	_ =	sdelay $0x3  }
0x96: {  	_ =	strace s2  }
0x97: {  	_ =	strace $0x8FFFFFFF  }
0x98: {  	s18 =	sld [smem:$0x3FDB];
	_ =	sdelay $0x1  }
0x99: {  	s19 =	simm.s32 $_scs_section_size  }
0x9a: {  	s4 =	simm.s32 $_size__tile_overlayer_lowered;
	s5 =	simm.s32 $_tile_overlayer_lowered  }
0x9b: {  	s22 =	simm.s32 $0x1BFF;
	s21 =	sshll.u32 s5, $0x1;
	s2 =	sadd.s32 s19, s18  }
0x9c: {  	s6 =	simm.s32 $0x0;
	s20 =	sshll.u32 s4, $0x1;
	s4 =	sadd.s32 s21, s2  }
0x9d: {  	[timem:s6], [sflag:s22] =	dma.local [hbm:s4], s20  }
0x9e: {  	_ =	swait.ge [sflag:s22], s20  }
0x9f: {  	s3 =	ssub.s32 $0x0, s20;
	[sflag:s22] =	ssyncset.done $0x0  }
0xa0: {  	[sflag:s22] =	ssyncadd.s32 s3;
	_ =	sdelay $0x1  }
0xa1: {  	s23 =	simm.s32 $0x1B8B  }
0xa2: {  	_ =	swait.ge [sflag:s23], $0x1  }
0xa3: {  	[sflag:s23] =	ssyncset.done $0x0  }
0xa4: {  	s25 =	simm.s32 $0x1B8E;
	s24 =	sld [smem:$0x3FFE];
	[sflag:s23] =	ssyncadd.s32 $0xFFFFFFFF  }
0xa5: {  	s26 =	simm.s32 $execute0_lowered;
	[smem:$0x3FD2] =	sst s25  }
0xa6: {  	s4 =	sshll.u32 s26, $0x1;
	_ =	strace $0x80000046;
	[dreg:$0x1] =	wrdreg $0xFFFFFFFF  }
0xa7: {  	s28 =	simm.s32 $_size_execute0_lowered;
	s2 =	sadd.s32 s2, s4;
	[dreg:$0x0] =	wrdreg $0x0  }
0xa8: {  	s4 =	sshll.u32 s28, $0x1;
	[dreg:$0x2] =	wrdreg s2  }
0xa9: {  	[dreg:$0x3] =	wrdreg s4  }
0xaa: {  	[dreg:$0x4] =	wrdreg $0xC0  }
0xab: {  	_ =	task [dreg:s6], $0x5FFFF  }
0xac: {  	[dreg:$0x1] =	wrdreg $0xFFFFFFFF  }
0xad: {  	[dreg:$0x0] =	wrdreg $0x60  }
0xae: {  	[dreg:$0x2] =	wrdreg s24  }
0xaf: {  	[dreg:$0x3] =	wrdreg $0x9  }
0xb0: {  	_ =	task.clear_ibuf [dreg:s6], $0x4FFFF;
	_ =	strace $0x90000046  }
0xb1: {  	s29 =	simm.s32 $0x9;
	_ =	strace $0x80000048  }
0xb2: {  	_ =	swait.ge [sflag:s29], $0x1  }
0xb3: {  	[sflag:s29] =	ssyncadd.s32 $0xFFFFFFFF  }
0xb4: {  	_ =	strace $0x90000048  }
0xb5: {  	_ =	sfence  }
0xb6: {  	s30 =	sld [smem:$0x0];
	_ =	sdelay $0x2  }
0xb7: {  	s31 =	sshll.u32 s1, $0xD;
	s1 =	sshrl.u32 s1, $0x2  }
0xb8: {  	s3 =	sand.u32 $0x4000, s31;
	s1 =	sadd.s32 s1, s30  }
0xb9: {  	s0 =	sor.u32 s3, s0;
	s1 =	sshll.u32 s1, $0x11  }
0xba: {  	s0 =	sor.u32 s1, s0  }
0xbb: {  	s0 =	sadd.s32 $0x8F2B, s0  }
0xbc: {  	[sflag:s0] =	ssyncadd.remote.s32 $0x1  }
0xbd: {  	_ =	sfence.sel $0xFFFF  }
0xbe: {  	[dreg:$0x0] =	wrdreg $0xFFFFFFFF;
	(pc) =	sbr.abs _section_cstart, $3  }
0xbf: {  	[dreg:$0x1] =	wrdreg $0xFFFFFFFF  }
0xc0: {  	_ =	task.clear_ibuf [dreg:s6], $0x2FFFF;
	_ =	strace $0x9FFFFFFF  }
0xc1: {  	(tm) =	ssettm $0x7FFFFFFF  }
tec
execute0_lowered:
.L_overlay_start_1:
0x0: {  	(tag) =	ssettag $0x1  }
0x1: {  	s2 =	rddreg [dreg:$0x0]  }
0x2: {  	s0 =	srdreg.scid;
	s4 =	stileid.u32;
	s3 =	simm.s32 $0x0  }
0x3: {  	s11 =	simm.s32 $0x4;
	s12 =	simm.s32 $0x80;
	s20 =	simm.s32 $0x3900  }
0x4: {  	s21 =	simm.s32 $0x4100;
	s22 =	simm.s32 $0x4900;
	s23 =	simm.s32 $0x5100  }
0x5: {  	s24 =	simm.s32 $0x5900;
	s28 =	simm.s32 $0x3;
	s29 =	simm.s32 $0x400  }
0x6: {  	s30 =	simm.s32 $0x6100;
	s31 =	simm.s32 $0x6300;
	s0 =	sand.u32 $0x1, s0  }
0x7: {  	s1 =	sshll.u32 s4, $0x8;
	s4 =	sshrl.u32 s4, $0x2;
	[smem:$0x7FF] =	sst s3  }
0x8: {  	s9 =	sadd.s32 $0x100400, s2;
	s5 =	sshll.u32 s0, $0x7;
	s1 =	sand.u32 $0x300, s1  }
0x9: {  	s25 =	sshll.u32 s4, $0xA;
	s0 =	ssub.s32 $0x2, s0;
	s6 =	smul.u32 $0x2400, s4  }
0xa: {  	_ =	strace $0x80000047;
	s1 =	sor.u32 s5, s1;
	s26 =	sshrl.u32 s0, $0x1  }
0xb: {  	s5 =	sor.u32 s25, s1;
	s0 =	ssub.s32 s0, s26;
	s1 =	sor.u32 s6, s1  }
0xc: {  	s6 =	sadd.s32 $0x100, s2;
	s25 =	simm.s32 $0x1;
	s26 =	simm.s32 $0x2  }
0xd: {  	s5 =	sshrl.u32 s5, $0x3;
	s7 =	sadd.s32 $0x1000, s1;
	s8 =	sshrl.u32 s1, $0x3  }
0xe: {  	s1 =	sadd.s32 $0x2000, s1;
	s5 =	sadd.s32 s5, s2;
	s10 =	sshrl.u32 s7, $0x3  }
0xf: {  	v2 =	vlaneseq.u32;
	s7 =	sadd.s32 s9, s8;
	s1 =	sshrl.u32 s1, $0x3;
	s4 =	sadd.s32 $0x100000, s5  }
0x10: {  	vm0 =	vmmov $0xffff;
	v3 =	vimm.f32 $0.0e+00;
	v1 =	vshrl.u32 v2, $0x3;
	s5 =	sadd.s32 $0x100200, s5;
	s8 =	sadd.s32 s9, s10;
	s9 =	sadd.s32 s9, s1  }
0x11: {  	v0 =	vand.u32 $0x7, v2;
	v2 =	vor.u32 $0x8, v2;
	v1 =	vmul.u32 $0x8, v1;
	s10 =	smax.u32 s0, $0x1;
	s0 =	simm.s32 $0x6500;
	s1 =	simm.s32 $0x0  }
.LBB2_1:
0x12: {  	[tilespmem:s3], [sflag:$0x4] =	stream.linear.gather [hbm4b:s4+s3], $0x30, $0x38;
	[tilespmem:$0x6580] =	vst v63  }
0x13: {  	_ =	swait.ge [sflag:s11], $0x30  }
0x14: {  	[sflag:s11] =	ssyncset.done $0x0  }
0x15: {  	[sflag:s11] =	ssyncadd.s32 $0xFFFFFFD0  }
0x16: {  	[tilespmem:s12], [sflag:$0x4] =	stream.linear.gather [hbm4b:s5+s3], $0x30, $0x38;
	[tilespmem:$0x6580] =	vst v63  }
0x17: {  	_ =	swait.ge [sflag:s11], $0x30  }
0x18: {  	[sflag:s11] =	ssyncset.done $0x0  }
0x19: {  	[sflag:s11] =	ssyncadd.s32 $0xFFFFFFD0  }
0x1a: {  	v4 =	vld [tilespmem:$0x0];
	_ =	sdelay $0x4  }
0x1b: {  	v5 =	vshll.u32 v4, $0x2  }
0x1c: {  	v4 =	vand.u32 $0x7, v4;
	v5 =	vand.u32 $0xFFFFFFE0, v5  }
0x1d: {  	v4 =	vor.u32 v4, v5  }
0x1e: {  	v5 =	vperm.xlane v4, v0;
	_ =	sdelay $0x1  }
0x1f: {  	v5 =	vadd.s32 v1, v5;
	_ =	sdelay $0x1  }
0x20: {  	v4 =	vperm.xlane v4, v2;
	_ =	sdelay $0x1  }
0x21: {  	s13 =	simm.s32 $0x100;
	v4 =	vadd.s32 v1, v4  }
0x22: {  	[tilespmem:s13], [sflag:$0x1] =	stream.indirect_vreg.gather [hbm4b:s2+s3], $0x80, v5, vm0, $0xb8;
	[tilespmem:$0x6580] =	vst v63  }
0x23: {  	s19 =	simm.s32 $0x900  }
0x24: {  	[tilespmem:s19], [sflag:$0x1] =	stream.indirect_vreg.gather [hbm4b:s6+s3], $0x80, v5, vm0, $0xb8;
	[tilespmem:$0x6580] =	vst v63  }
0x25: {  	s14 =	simm.s32 $0x1100  }
0x26: {  	[tilespmem:s14], [sflag:$0x1] =	stream.indirect_vreg.gather [hbm4b:s2+s3], $0x80, v4, vm0, $0xb8;
	[tilespmem:$0x6580] =	vst v63  }
0x27: {  	s15 =	simm.s32 $0x1900  }
0x28: {  	[tilespmem:s15], [sflag:$0x1] =	stream.indirect_vreg.gather [hbm4b:s6+s3], $0x80, v4, vm0, $0xb8;
	[tilespmem:$0x6580] =	vst v63  }
0x29: {  	v4 =	vld [tilespmem:$0x10];
	_ =	sdelay $0x4  }
0x2a: {  	v5 =	vshll.u32 v4, $0x2  }
0x2b: {  	v4 =	vand.u32 $0x7, v4;
	v5 =	vand.u32 $0xFFFFFFE0, v5  }
0x2c: {  	v4 =	vor.u32 v4, v5  }
0x2d: {  	v5 =	vperm.xlane v4, v0;
	_ =	sdelay $0x1  }
0x2e: {  	v5 =	vadd.s32 v1, v5;
	_ =	sdelay $0x1  }
0x2f: {  	v4 =	vperm.xlane v4, v2;
	_ =	sdelay $0x1  }
0x30: {  	s16 =	simm.s32 $0x2100;
	v4 =	vadd.s32 v1, v4  }
0x31: {  	[tilespmem:s16], [sflag:$0x2] =	stream.indirect_vreg.gather [hbm4b:s2+s3], $0x80, v5, vm0, $0xb8;
	[tilespmem:$0x6580] =	vst v63  }
0x32: {  	s17 =	simm.s32 $0x2900  }
0x33: {  	[tilespmem:s17], [sflag:$0x2] =	stream.indirect_vreg.gather [hbm4b:s6+s3], $0x80, v5, vm0, $0xb8;
	[tilespmem:$0x6580] =	vst v63  }
0x34: {  	s18 =	simm.s32 $0x3100  }
0x35: {  	[tilespmem:s18], [sflag:$0x2] =	stream.indirect_vreg.gather [hbm4b:s2+s3], $0x80, v4, vm0, $0xb8;
	[tilespmem:$0x6580] =	vst v63  }
0x36: {  	_ = 	snop  }
0x37: {  	[tilespmem:s20], [sflag:$0x2] =	stream.indirect_vreg.gather [hbm4b:s6+s3], $0x80, v4, vm0, $0xb8;
	[tilespmem:$0x6580] =	vst v63  }
0x38: {  	v4 =	vld [tilespmem:$0x20];
	_ =	sdelay $0x4  }
0x39: {  	v5 =	vshll.u32 v4, $0x2  }
0x3a: {  	v4 =	vand.u32 $0x7, v4;
	v5 =	vand.u32 $0xFFFFFFE0, v5  }
0x3b: {  	v4 =	vor.u32 v4, v5  }
0x3c: {  	v5 =	vperm.xlane v4, v0;
	_ =	sdelay $0x1  }
0x3d: {  	v5 =	vadd.s32 v1, v5;
	_ =	sdelay $0x1  }
0x3e: {  	v4 =	vperm.xlane v4, v2;
	_ =	sdelay $0x1  }
0x3f: {  	v4 =	vadd.s32 v1, v4  }
0x40: {  	[tilespmem:s21], [sflag:$0x3] =	stream.indirect_vreg.gather [hbm4b:s2+s3], $0x80, v5, vm0, $0xb8;
	[tilespmem:$0x6580] =	vst v63  }
0x41: {  	_ = 	snop  }
0x42: {  	[tilespmem:s22], [sflag:$0x3] =	stream.indirect_vreg.gather [hbm4b:s6+s3], $0x80, v5, vm0, $0xb8;
	[tilespmem:$0x6580] =	vst v63  }
0x43: {  	_ = 	snop  }
0x44: {  	[tilespmem:s23], [sflag:$0x3] =	stream.indirect_vreg.gather [hbm4b:s2+s3], $0x80, v4, vm0, $0xb8;
	[tilespmem:$0x6580] =	vst v63  }
0x45: {  	_ = 	snop  }
0x46: {  	[tilespmem:s24], [sflag:$0x3] =	stream.indirect_vreg.gather [hbm4b:s6+s3], $0x80, v4, vm0, $0xb8;
	[tilespmem:$0x6580] =	vst v63  }
0x47: {  	[tilespmem:$0x6100] =	vst v3  }
0x48: {  	[tilespmem:$0x6300] =	vst v3  }
0x49: {  	[tilespmem:$0x6110] =	vst v3  }
0x4a: {  	[tilespmem:$0x6310] =	vst v3  }
0x4b: {  	[tilespmem:$0x6120] =	vst v3  }
0x4c: {  	[tilespmem:$0x6320] =	vst v3  }
0x4d: {  	[tilespmem:$0x6130] =	vst v3  }
0x4e: {  	[tilespmem:$0x6330] =	vst v3  }
0x4f: {  	[tilespmem:$0x6140] =	vst v3  }
0x50: {  	[tilespmem:$0x6340] =	vst v3  }
0x51: {  	[tilespmem:$0x6150] =	vst v3  }
0x52: {  	[tilespmem:$0x6350] =	vst v3  }
0x53: {  	[tilespmem:$0x6160] =	vst v3  }
0x54: {  	[tilespmem:$0x6360] =	vst v3  }
0x55: {  	[tilespmem:$0x6170] =	vst v3  }
0x56: {  	[tilespmem:$0x6370] =	vst v3  }
0x57: {  	[tilespmem:$0x6180] =	vst v3  }
0x58: {  	[tilespmem:$0x6380] =	vst v3  }
0x59: {  	[tilespmem:$0x6190] =	vst v3  }
0x5a: {  	[tilespmem:$0x6390] =	vst v3  }
0x5b: {  	[tilespmem:$0x61A0] =	vst v3  }
0x5c: {  	[tilespmem:$0x63A0] =	vst v3  }
0x5d: {  	[tilespmem:$0x61B0] =	vst v3  }
0x5e: {  	[tilespmem:$0x63B0] =	vst v3  }
0x5f: {  	[tilespmem:$0x61C0] =	vst v3  }
0x60: {  	[tilespmem:$0x63C0] =	vst v3  }
0x61: {  	[tilespmem:$0x61D0] =	vst v3  }
0x62: {  	[tilespmem:$0x63D0] =	vst v3  }
0x63: {  	[tilespmem:$0x61E0] =	vst v3  }
0x64: {  	[tilespmem:$0x63E0] =	vst v3  }
0x65: {  	[tilespmem:$0x61F0] =	vst v3  }
0x66: {  	[tilespmem:$0x63F0] =	vst v3  }
0x67: {  	[tilespmem:$0x6200] =	vst v3  }
0x68: {  	[tilespmem:$0x6400] =	vst v3  }
0x69: {  	[tilespmem:$0x6210] =	vst v3  }
0x6a: {  	[tilespmem:$0x6410] =	vst v3  }
0x6b: {  	[tilespmem:$0x6220] =	vst v3  }
0x6c: {  	[tilespmem:$0x6420] =	vst v3  }
0x6d: {  	[tilespmem:$0x6230] =	vst v3  }
0x6e: {  	[tilespmem:$0x6430] =	vst v3  }
0x6f: {  	[tilespmem:$0x6240] =	vst v3  }
0x70: {  	[tilespmem:$0x6440] =	vst v3  }
0x71: {  	[tilespmem:$0x6250] =	vst v3  }
0x72: {  	[tilespmem:$0x6450] =	vst v3  }
0x73: {  	[tilespmem:$0x6260] =	vst v3  }
0x74: {  	[tilespmem:$0x6460] =	vst v3  }
0x75: {  	[tilespmem:$0x6270] =	vst v3  }
0x76: {  	[tilespmem:$0x6470] =	vst v3  }
0x77: {  	[tilespmem:$0x6280] =	vst v3  }
0x78: {  	[tilespmem:$0x6480] =	vst v3  }
0x79: {  	[tilespmem:$0x6290] =	vst v3  }
0x7a: {  	[tilespmem:$0x6490] =	vst v3  }
0x7b: {  	[tilespmem:$0x62A0] =	vst v3  }
0x7c: {  	[tilespmem:$0x64A0] =	vst v3  }
0x7d: {  	[tilespmem:$0x62B0] =	vst v3  }
0x7e: {  	[tilespmem:$0x64B0] =	vst v3  }
0x7f: {  	[tilespmem:$0x62C0] =	vst v3  }
0x80: {  	[tilespmem:$0x64C0] =	vst v3  }
0x81: {  	[tilespmem:$0x62D0] =	vst v3  }
0x82: {  	[tilespmem:$0x64D0] =	vst v3  }
0x83: {  	[tilespmem:$0x62E0] =	vst v3  }
0x84: {  	[tilespmem:$0x64E0] =	vst v3  }
0x85: {  	[tilespmem:$0x62F0] =	vst v3  }
0x86: {  	[tilespmem:$0x64F0] =	vst v3  }
0x87: {  	_ =	swait.ge [sflag:s25], $0x2000  }
0x88: {  	[sflag:s25] =	ssyncset.done $0x0  }
0x89: {  	[sflag:s25] =	ssyncadd.s32 $0xFFFFE000  }
0x8a: {  	v4 =	vld [tilespmem:$0x80];
	_ =	sdelay $0x2  }
0x8b: {  	s19 =	sand.u32 $0x70, s3;
	s14 =	sand.u32 $0xC00, s3  }
0x8c: {  	s13 =	sor.u32 s19, s14  }
0x8d: {  	v21 =	vld [tilespmem:s13+$0x100];
	v5 =	vbroadcast v4, $0x0;
	v6 =	vbroadcast v4, $0x1  }
0x8e: {  	v22 =	vld [tilespmem:s13+$0x180];
	v7 =	vbroadcast v4, $0x2;
	v8 =	vbroadcast v4, $0x3  }
0x8f: {  	v23 =	vld [tilespmem:s13+$0x200];
	v9 =	vbroadcast v4, $0x4;
	v10 =	vbroadcast v4, $0x5  }
0x90: {  	v24 =	vld [tilespmem:s13+$0x280];
	v11 =	vbroadcast v4, $0x6;
	v12 =	vbroadcast v4, $0x7  }
0x91: {  	v25 =	vld [tilespmem:s13+$0x300];
	v13 =	vbroadcast v4, $0x8;
	v14 =	vbroadcast v4, $0x9  }
0x92: {  	v26 =	vld [tilespmem:s13+$0x380];
	v15 =	vbroadcast v4, $0xA;
	v16 =	vbroadcast v4, $0xB  }
0x93: {  	v29 =	vld [tilespmem:s13+$0x400];
	v17 =	vbroadcast v4, $0xC;
	v18 =	vbroadcast v4, $0xD  }
0x94: {  	v30 =	vld [tilespmem:s13+$0x480];
	v19 =	vbroadcast v4, $0xE;
	v20 =	vbroadcast v4, $0xF  }
0x95: {  	v46 =	vld [tilespmem:s13+$0x1180];
	v27 =	vmul.f32 v21, v5;
	v28 =	vmul.f32 v22, v6  }
0x96: {  	v35 =	vld [tilespmem:s13+$0x1100];
	v32 =	vmul.f32 v23, v7;
	v33 =	vmul.f32 v24, v8  }
0x97: {  	v47 =	vld [tilespmem:s13+$0x1280];
	v34 =	vmul.f32 v25, v9;
	v36 =	vmul.f32 v26, v10  }
0x98: {  	v48 =	vld [tilespmem:s13+$0x1200];
	v37 =	vmul.f32 v29, v11;
	v31 =	vadd.f32 $0.0e+00, v27;
	v45 =	vadd.f32 $0.0e+00, v28  }
0x99: {  	v49 =	vld [tilespmem:s13+$0x1380];
	v38 =	vmul.f32 v30, v12;
	v21 =	vmul.f32 v27, v21  }
0x9a: {  	v39 =	vld [tilespmem:s13+$0x1300];
	v50 =	vmul.f32 v46, v14;
	v31 =	vadd.f32 v32, v31;
	v27 =	vadd.f32 v33, v45  }
0x9b: {  	v40 =	vld [tilespmem:s13+$0x1480];
	v51 =	vmul.f32 v35, v13;
	v23 =	vmul.f32 v32, v23;
	v21 =	vadd.f32 $0.0e+00, v21  }
0x9c: {  	v52 =	vmul.f32 v47, v16;
	v31 =	vadd.f32 v34, v31;
	v27 =	vadd.f32 v36, v27  }
0x9d: {  	v53 =	vmul.f32 v48, v15;
	v22 =	vmul.f32 v28, v22;
	v21 =	vadd.f32 v23, v21  }
0x9e: {  	v56 =	vmul.f32 v49, v18;
	v23 =	vadd.f32 v37, v31;
	v27 =	vadd.f32 v38, v27  }
0x9f: {  	v41 =	vld [tilespmem:s13+$0x1400];
	v57 =	vmul.f32 v39, v17;
	v24 =	vmul.f32 v33, v24;
	v22 =	vadd.f32 $0.0e+00, v22  }
0xa0: {  	v59 =	vmul.f32 v40, v20;
	v27 =	vadd.f32 v50, v27;
	v23 =	vadd.f32 v51, v23  }
0xa1: {  	v25 =	vmul.f32 v34, v25;
	v54 =	vmul.f32 v36, v26;
	v22 =	vadd.f32 v24, v22  }
0xa2: {  	v30 =	vmul.f32 v38, v30;
	v55 =	vadd.f32 v52, v27;
	v23 =	vadd.f32 v53, v23  }
0xa3: {  	v29 =	vmul.f32 v37, v29;
	v21 =	vadd.f32 v25, v21;
	v22 =	vadd.f32 v54, v22  }
0xa4: {  	v60 =	vmul.f32 v41, v19;
	v26 =	vadd.f32 v56, v55;
	v23 =	vadd.f32 v57, v23  }
0xa5: {  	v61 =	vld [tilespmem:s30+$0x0];
	v58 =	vmul.f32 v51, v35;
	v21 =	vadd.f32 v29, v21;
	v22 =	vadd.f32 v30, v22  }
0xa6: {  	v28 =	vmul.f32 v50, v46;
	v23 =	vadd.f32 v60, v23;
	v26 =	vadd.f32 v59, v26  }
0xa7: {  	v33 =	vmul.f32 v53, v48;
	v21 =	vadd.f32 v58, v21  }
0xa8: {  	v25 =	vmul.f32 v52, v47;
	v22 =	vadd.f32 v28, v22;
	v23 =	vadd.f32 v26, v23  }
0xa9: {  	v24 =	vmul.f32 v57, v39;
	v21 =	vadd.f32 v33, v21  }
0xaa: {  	v27 =	vmul.f32 v56, v49;
	v22 =	vadd.f32 v25, v22;
	v23 =	vadd.f32 v23, v61  }
0xab: {  	v62 =	vmul.f32 v60, v41;
	v21 =	vadd.f32 v24, v21  }
0xac: {  	v63 =	vmul.f32 v59, v40;
	v22 =	vadd.f32 v27, v22;
	[tilespmem:s30+$0x0] =	vst v23  }
0xad: {  	v24 =	vadd.f32 v62, v21;
	v21 =	vld [tilespmem:s31+$0x0]  }
0xae: {  	v22 =	vadd.f32 v63, v22  }
0xaf: {  	s14 =	simm.s32 $0x0;
	s15 =	simm.s32 $0x6100  }
0xb0: {  	s16 =	simm.s32 $0x6300;
	s17 =	simm.s32 $0x6300;
	s13 =	simm.s32 $0x10;
	v22 =	vadd.f32 v22, v24  }
.LBB2_2:
0xb1: {  	s14 =	sadd.s32 $0x80, s14;
	s15 =	sadd.s32 $0x10, s15;
	s17 =	sadd.s32 $0x10, s17  }
0xb2: {  	p0 =	sne.s32 s13, $0x1F0;
	s18 =	smov.u32 s13;
	s13 =	sadd.s32 $0x10, s13;
	v21 =	vadd.f32 v22, v21  }
0xb3: {  	_ = 	snop  }
0xb4: {  	s18 =	sand.u32 $0x70, s18;
	s19 =	sand.u32 $0xC00, s14;
	[tilespmem:s16+$0x0] =	vst v21;
	s16 =	smov.u32 s17  }
0xb5: {  	s18 =	sor.u32 s18, s19  }
0xb6: {  	v21 =	vld [tilespmem:s18+$0x100]  }
0xb7: {  	v22 =	vld [tilespmem:s18+$0x280]  }
0xb8: {  	v23 =	vld [tilespmem:s18+$0x180]  }
0xb9: {  	v24 =	vld [tilespmem:s18+$0x200]  }
0xba: {  	v25 =	vld [tilespmem:s18+$0x380]  }
0xbb: {  	v26 =	vld [tilespmem:s18+$0x300]  }
0xbc: {  	v27 =	vmul.f32 v21, v5;
	v28 =	vld [tilespmem:s18+$0x480]  }
0xbd: {  	v29 =	vmul.f32 v23, v6;
	v30 =	vld [tilespmem:s18+$0x400]  }
0xbe: {  	v31 =	vadd.f32 $0.0e+00, v27;
	v21 =	vmul.f32 v27, v21;
	v27 =	vmul.f32 v24, v7  }
0xbf: {  	v32 =	vadd.f32 $0.0e+00, v29;
	v23 =	vmul.f32 v29, v23;
	v29 =	vmul.f32 v22, v8;
	v33 =	vld [tilespmem:s18+$0x1180]  }
0xc0: {  	v21 =	vadd.f32 $0.0e+00, v21;
	v31 =	vadd.f32 v27, v31;
	v34 =	vmul.f32 v26, v9;
	v35 =	vld [tilespmem:s18+$0x1100]  }
0xc1: {  	v24 =	vmul.f32 v27, v24;
	v27 =	vmul.f32 v25, v10;
	v32 =	vadd.f32 v29, v32;
	v36 =	vld [tilespmem:s18+$0x1280]  }
0xc2: {  	v22 =	vmul.f32 v29, v22;
	v29 =	vadd.f32 v34, v31;
	v31 =	vmul.f32 v30, v11;
	v37 =	vld [tilespmem:s18+$0x1200]  }
0xc3: {  	v26 =	vmul.f32 v34, v26;
	v34 =	vmul.f32 v28, v12;
	v32 =	vadd.f32 v27, v32  }
0xc4: {  	v21 =	vadd.f32 v24, v21;
	v24 =	vadd.f32 v31, v29;
	v29 =	vmul.f32 v33, v14;
	v38 =	vld [tilespmem:s18+$0x1380]  }
0xc5: {  	v28 =	vmul.f32 v34, v28;
	v32 =	vadd.f32 v34, v32;
	v34 =	vmul.f32 v35, v13;
	v39 =	vld [tilespmem:s18+$0x1300]  }
0xc6: {  	v23 =	vadd.f32 $0.0e+00, v23;
	v21 =	vadd.f32 v26, v21;
	v26 =	vmul.f32 v36, v16;
	v40 =	vld [tilespmem:s18+$0x1480]  }
0xc7: {  	v30 =	vmul.f32 v31, v30;
	v31 =	vadd.f32 v29, v32;
	v32 =	vmul.f32 v37, v15;
	v41 =	vld [tilespmem:s18+$0x1400]  }
0xc8: {  	v22 =	vadd.f32 v22, v23;
	v23 =	vmul.f32 v27, v25;
	v24 =	vadd.f32 v34, v24  }
0xc9: {  	v25 =	vadd.f32 v26, v31;
	v27 =	vmul.f32 v32, v37;
	v31 =	vmul.f32 v38, v18  }
0xca: {  	v29 =	vmul.f32 v29, v33;
	v24 =	vadd.f32 v32, v24;
	v32 =	vmul.f32 v39, v17  }
0xcb: {  	v22 =	vadd.f32 v23, v22;
	v23 =	vadd.f32 v31, v25;
	v25 =	vmul.f32 v40, v20  }
0xcc: {  	v24 =	vadd.f32 v32, v24;
	v32 =	vmul.f32 v32, v39;
	v33 =	vmul.f32 v41, v19  }
0xcd: {  	v21 =	vadd.f32 v30, v21;
	v22 =	vadd.f32 v28, v22;
	v28 =	vmul.f32 v34, v35;
	v30 =	vld [tilespmem:s15+$0x0]  }
0xce: {  	v23 =	vadd.f32 v25, v23;
	v24 =	vadd.f32 v33, v24;
	v33 =	vmul.f32 v33, v41  }
0xcf: {  	v21 =	vadd.f32 v28, v21;
	v22 =	vadd.f32 v29, v22;
	v28 =	vmul.f32 v31, v38  }
0xd0: {  	v26 =	vmul.f32 v26, v36;
	v25 =	vmul.f32 v25, v40;
	v23 =	vadd.f32 v23, v24  }
0xd1: {  	v21 =	vadd.f32 v27, v21  }
0xd2: {  	v22 =	vadd.f32 v26, v22;
	v23 =	vadd.f32 v23, v30  }
0xd3: {  	v24 =	vadd.f32 v32, v21  }
.Ltmp0:
0xd4: {  	v22 =	vadd.f32 v28, v22;
	[tilespmem:s15+$0x0] =	vst v23;
	(pc) =	sbr.rel @p0 .LBB2_2-.Ltmp0, $3  }
0xd5: {  	v21 =	vld [tilespmem:s17+$0x0]  }
0xd6: {  	v22 =	vadd.f32 v25, v22;
	v23 =	vadd.f32 v33, v24;
	_ =	sdelay $0x1  }
0xd7: {  	v22 =	vadd.f32 v22, v23  }
0xd8: {  	_ = 	snop  }
0xd9: {  	v5 =	vadd.f32 v22, v21;
	_ =	sdelay $0x1  }
0xda: {  	[tilespmem:s16+$0x0] =	vst v5  }
0xdb: {  	_ =	swait.ge [sflag:s26], $0x2000  }
0xdc: {  	[sflag:s26] =	ssyncset.done $0x0  }
0xdd: {  	[sflag:s26] =	ssyncadd.s32 $0xFFFFE000  }
0xde: {  	v5 =	vld [tilespmem:$0x90]  }
0xdf: {  	s13 =	simm.s32 $0x0  }
0xe0: {  	s14 =	sand.u32 $0x70, s13;
	s15 =	sand.u32 $0xC00, s13  }
0xe1: {  	s14 =	sor.u32 s14, s15  }
0xe2: {  	v22 =	vld [tilespmem:s14+$0x2100]  }
0xe3: {  	v23 =	vld [tilespmem:s14+$0x2180];
	v6 =	vbroadcast v5, $0x0  }
0xe4: {  	v24 =	vld [tilespmem:s14+$0x2200];
	v7 =	vbroadcast v5, $0x1;
	v8 =	vbroadcast v5, $0x2  }
0xe5: {  	v25 =	vld [tilespmem:s14+$0x2280];
	v9 =	vbroadcast v5, $0x3;
	v10 =	vbroadcast v5, $0x4  }
0xe6: {  	v26 =	vld [tilespmem:s14+$0x2300];
	v11 =	vbroadcast v5, $0x5;
	v12 =	vbroadcast v5, $0x6  }
0xe7: {  	v27 =	vld [tilespmem:s14+$0x2380];
	v13 =	vbroadcast v5, $0x7;
	v14 =	vbroadcast v5, $0x8  }
0xe8: {  	v30 =	vld [tilespmem:s14+$0x2400];
	v15 =	vbroadcast v5, $0x9;
	v16 =	vbroadcast v5, $0xA  }
0xe9: {  	v31 =	vld [tilespmem:s14+$0x2480];
	v17 =	vbroadcast v5, $0xB;
	v18 =	vbroadcast v5, $0xC  }
0xea: {  	v45 =	vld [tilespmem:s14+$0x3180];
	v19 =	vbroadcast v5, $0xD;
	v20 =	vbroadcast v5, $0xE  }
0xeb: {  	v36 =	vld [tilespmem:s14+$0x3100];
	v21 =	vbroadcast v5, $0xF;
	v28 =	vmul.f32 v22, v6  }
0xec: {  	v46 =	vld [tilespmem:s14+$0x3280];
	v29 =	vmul.f32 v23, v7;
	v33 =	vmul.f32 v24, v8  }
0xed: {  	v47 =	vld [tilespmem:s14+$0x3200];
	v34 =	vmul.f32 v25, v9;
	v35 =	vmul.f32 v26, v10  }
0xee: {  	v49 =	vld [tilespmem:s14+$0x3380];
	v37 =	vmul.f32 v27, v11;
	v38 =	vmul.f32 v30, v12  }
0xef: {  	v39 =	vmul.f32 v31, v13;
	v32 =	vadd.f32 $0.0e+00, v28;
	v44 =	vadd.f32 $0.0e+00, v29  }
0xf0: {  	v40 =	vld [tilespmem:s14+$0x3300];
	v50 =	vmul.f32 v45, v15;
	v51 =	vmul.f32 v36, v14  }
0xf1: {  	v22 =	vmul.f32 v28, v22;
	v32 =	vadd.f32 v33, v32;
	v28 =	vadd.f32 v34, v44  }
0xf2: {  	v41 =	vld [tilespmem:s14+$0x3480];
	v52 =	vmul.f32 v46, v17;
	v53 =	vmul.f32 v47, v16  }
0xf3: {  	v56 =	vmul.f32 v49, v19;
	v32 =	vadd.f32 v35, v32;
	v28 =	vadd.f32 v37, v28  }
0xf4: {  	v23 =	vmul.f32 v29, v23;
	v24 =	vmul.f32 v33, v24;
	v22 =	vadd.f32 $0.0e+00, v22  }
0xf5: {  	v57 =	vmul.f32 v40, v18;
	v48 =	vadd.f32 v38, v32;
	v28 =	vadd.f32 v39, v28  }
0xf6: {  	v42 =	vld [tilespmem:s14+$0x3400];
	v25 =	vmul.f32 v34, v25;
	v23 =	vadd.f32 $0.0e+00, v23;
	v22 =	vadd.f32 v24, v22  }
0xf7: {  	v59 =	vmul.f32 v41, v21;
	v28 =	vadd.f32 v50, v28;
	v24 =	vadd.f32 v51, v48  }
0xf8: {  	v26 =	vmul.f32 v35, v26;
	v54 =	vmul.f32 v37, v27;
	v23 =	vadd.f32 v25, v23  }
0xf9: {  	v31 =	vmul.f32 v39, v31;
	v55 =	vadd.f32 v52, v28;
	v24 =	vadd.f32 v53, v24  }
0xfa: {  	v30 =	vmul.f32 v38, v30;
	v22 =	vadd.f32 v26, v22;
	v23 =	vadd.f32 v54, v23  }
0xfb: {  	s14 =	simm.s32 $0x6100;
	v60 =	vmul.f32 v42, v20;
	v27 =	vadd.f32 v56, v55;
	v24 =	vadd.f32 v57, v24  }
0xfc: {  	v61 =	vld [tilespmem:s14+$0x0];
	v58 =	vmul.f32 v51, v36;
	v22 =	vadd.f32 v30, v22;
	v23 =	vadd.f32 v31, v23  }
0xfd: {  	v29 =	vmul.f32 v50, v45;
	v24 =	vadd.f32 v60, v24;
	v27 =	vadd.f32 v59, v27  }
0xfe: {  	v34 =	vmul.f32 v53, v47;
	v22 =	vadd.f32 v58, v22  }
0xff: {  	v26 =	vmul.f32 v52, v46;
	v23 =	vadd.f32 v29, v23;
	v24 =	vadd.f32 v27, v24  }
0x100: {  	v25 =	vmul.f32 v57, v40;
	v22 =	vadd.f32 v34, v22  }
0x101: {  	v28 =	vmul.f32 v56, v49;
	v23 =	vadd.f32 v26, v23;
	v24 =	vadd.f32 v24, v61  }
0x102: {  	v62 =	vmul.f32 v60, v42;
	v22 =	vadd.f32 v25, v22  }
0x103: {  	s15 =	simm.s32 $0x6300;
	v63 =	vmul.f32 v59, v41;
	v23 =	vadd.f32 v28, v23;
	[tilespmem:s14+$0x0] =	vst v24  }
0x104: {  	v25 =	vadd.f32 v62, v22;
	v22 =	vld [tilespmem:s15+$0x0]  }
0x105: {  	v23 =	vadd.f32 v63, v23;
	_ =	sdelay $0x1  }
0x106: {  	s17 =	simm.s32 $0x6300;
	s16 =	simm.s32 $0x10;
	v23 =	vadd.f32 v23, v25  }
.LBB2_4:
0x107: {  	s13 =	sadd.s32 $0x80, s13;
	s14 =	sadd.s32 $0x10, s14;
	s15 =	sadd.s32 $0x10, s15  }
0x108: {  	p0 =	sne.s32 s16, $0x1F0;
	s18 =	smov.u32 s16;
	s16 =	sadd.s32 $0x10, s16;
	v22 =	vadd.f32 v23, v22  }
0x109: {  	_ = 	snop  }
0x10a: {  	s18 =	sand.u32 $0x70, s18;
	s19 =	sand.u32 $0xC00, s13;
	[tilespmem:s17+$0x0] =	vst v22;
	s17 =	smov.u32 s15  }
0x10b: {  	s18 =	sor.u32 s18, s19  }
0x10c: {  	v22 =	vld [tilespmem:s18+$0x2100]  }
0x10d: {  	v23 =	vld [tilespmem:s18+$0x2280]  }
0x10e: {  	v24 =	vld [tilespmem:s18+$0x2180]  }
0x10f: {  	v25 =	vld [tilespmem:s18+$0x2200]  }
0x110: {  	v26 =	vld [tilespmem:s18+$0x2380]  }
0x111: {  	v27 =	vld [tilespmem:s18+$0x2300]  }
0x112: {  	v28 =	vmul.f32 v22, v6;
	v29 =	vld [tilespmem:s18+$0x2480]  }
0x113: {  	v30 =	vmul.f32 v24, v7;
	v31 =	vld [tilespmem:s18+$0x2400]  }
0x114: {  	v32 =	vadd.f32 $0.0e+00, v28;
	v22 =	vmul.f32 v28, v22;
	v28 =	vmul.f32 v25, v8  }
0x115: {  	v33 =	vadd.f32 $0.0e+00, v30;
	v24 =	vmul.f32 v30, v24;
	v30 =	vmul.f32 v23, v9;
	v34 =	vld [tilespmem:s18+$0x3180]  }
0x116: {  	v22 =	vadd.f32 $0.0e+00, v22;
	v32 =	vadd.f32 v28, v32;
	v35 =	vmul.f32 v27, v10;
	v36 =	vld [tilespmem:s18+$0x3100]  }
0x117: {  	v25 =	vmul.f32 v28, v25;
	v28 =	vmul.f32 v26, v11;
	v33 =	vadd.f32 v30, v33;
	v37 =	vld [tilespmem:s18+$0x3280]  }
0x118: {  	v23 =	vmul.f32 v30, v23;
	v30 =	vadd.f32 v35, v32;
	v32 =	vmul.f32 v31, v12;
	v38 =	vld [tilespmem:s18+$0x3200]  }
0x119: {  	v27 =	vmul.f32 v35, v27;
	v35 =	vmul.f32 v29, v13;
	v33 =	vadd.f32 v28, v33  }
0x11a: {  	v22 =	vadd.f32 v25, v22;
	v25 =	vadd.f32 v32, v30;
	v30 =	vmul.f32 v34, v15;
	v39 =	vld [tilespmem:s18+$0x3380]  }
0x11b: {  	v29 =	vmul.f32 v35, v29;
	v33 =	vadd.f32 v35, v33;
	v35 =	vmul.f32 v36, v14;
	v40 =	vld [tilespmem:s18+$0x3300]  }
0x11c: {  	v24 =	vadd.f32 $0.0e+00, v24;
	v22 =	vadd.f32 v27, v22;
	v27 =	vmul.f32 v37, v17;
	v41 =	vld [tilespmem:s18+$0x3480]  }
0x11d: {  	v31 =	vmul.f32 v32, v31;
	v32 =	vadd.f32 v30, v33;
	v33 =	vmul.f32 v38, v16;
	v42 =	vld [tilespmem:s18+$0x3400]  }
0x11e: {  	v23 =	vadd.f32 v23, v24;
	v24 =	vmul.f32 v28, v26;
	v25 =	vadd.f32 v35, v25  }
0x11f: {  	v26 =	vadd.f32 v27, v32;
	v28 =	vmul.f32 v33, v38;
	v32 =	vmul.f32 v39, v19  }
0x120: {  	v30 =	vmul.f32 v30, v34;
	v25 =	vadd.f32 v33, v25;
	v33 =	vmul.f32 v40, v18  }
0x121: {  	v23 =	vadd.f32 v24, v23;
	v24 =	vadd.f32 v32, v26;
	v26 =	vmul.f32 v41, v21  }
0x122: {  	v25 =	vadd.f32 v33, v25;
	v33 =	vmul.f32 v33, v40;
	v34 =	vmul.f32 v42, v20  }
0x123: {  	v22 =	vadd.f32 v31, v22;
	v23 =	vadd.f32 v29, v23;
	v29 =	vmul.f32 v35, v36;
	v31 =	vld [tilespmem:s14+$0x0]  }
0x124: {  	v24 =	vadd.f32 v26, v24;
	v25 =	vadd.f32 v34, v25;
	v34 =	vmul.f32 v34, v42  }
0x125: {  	v22 =	vadd.f32 v29, v22;
	v23 =	vadd.f32 v30, v23;
	v29 =	vmul.f32 v32, v39  }
0x126: {  	v27 =	vmul.f32 v27, v37;
	v26 =	vmul.f32 v26, v41;
	v24 =	vadd.f32 v24, v25  }
0x127: {  	v22 =	vadd.f32 v28, v22  }
0x128: {  	v23 =	vadd.f32 v27, v23;
	v24 =	vadd.f32 v24, v31  }
0x129: {  	v25 =	vadd.f32 v33, v22  }
.Ltmp1:
0x12a: {  	v23 =	vadd.f32 v29, v23;
	[tilespmem:s14+$0x0] =	vst v24;
	(pc) =	sbr.rel @p0 .LBB2_4-.Ltmp1, $3  }
0x12b: {  	v22 =	vld [tilespmem:s15+$0x0]  }
0x12c: {  	v23 =	vadd.f32 v26, v23;
	v24 =	vadd.f32 v34, v25;
	_ =	sdelay $0x1  }
0x12d: {  	v23 =	vadd.f32 v23, v24  }
0x12e: {  	_ = 	snop  }
0x12f: {  	v6 =	vadd.f32 v23, v22;
	_ =	sdelay $0x1  }
0x130: {  	[tilespmem:s17+$0x0] =	vst v6  }
0x131: {  	_ =	swait.ge [sflag:s28], $0x2000  }
0x132: {  	[sflag:s28] =	ssyncset.done $0x0  }
0x133: {  	[sflag:s28] =	ssyncadd.s32 $0xFFFFE000  }
0x134: {  	v6 =	vld [tilespmem:$0xA0];
	_ =	sdelay $0x1  }
0x135: {  	s13 =	simm.s32 $0x0  }
0x136: {  	s14 =	sand.u32 $0x70, s13;
	s15 =	sand.u32 $0xC00, s13  }
0x137: {  	s14 =	sor.u32 s14, s15  }
0x138: {  	v23 =	vld [tilespmem:s14+$0x4100];
	v7 =	vbroadcast v6, $0x0  }
0x139: {  	v24 =	vld [tilespmem:s14+$0x4180];
	v8 =	vbroadcast v6, $0x1;
	v9 =	vbroadcast v6, $0x2  }
0x13a: {  	v25 =	vld [tilespmem:s14+$0x4200];
	v10 =	vbroadcast v6, $0x3;
	v11 =	vbroadcast v6, $0x4  }
0x13b: {  	v26 =	vld [tilespmem:s14+$0x4280];
	v12 =	vbroadcast v6, $0x5;
	v13 =	vbroadcast v6, $0x6  }
0x13c: {  	v27 =	vld [tilespmem:s14+$0x4300];
	v14 =	vbroadcast v6, $0x7;
	v15 =	vbroadcast v6, $0x8  }
0x13d: {  	v28 =	vld [tilespmem:s14+$0x4380];
	v16 =	vbroadcast v6, $0x9;
	v17 =	vbroadcast v6, $0xA  }
0x13e: {  	v31 =	vld [tilespmem:s14+$0x4400];
	v18 =	vbroadcast v6, $0xB;
	v19 =	vbroadcast v6, $0xC  }
0x13f: {  	v32 =	vld [tilespmem:s14+$0x4480];
	v20 =	vbroadcast v6, $0xD;
	v21 =	vbroadcast v6, $0xE  }
0x140: {  	v50 =	vld [tilespmem:s14+$0x5180];
	v22 =	vbroadcast v6, $0xF;
	v29 =	vmul.f32 v23, v7  }
0x141: {  	v37 =	vld [tilespmem:s14+$0x5100];
	v30 =	vmul.f32 v24, v8;
	v34 =	vmul.f32 v25, v9  }
0x142: {  	v35 =	vmul.f32 v26, v10;
	v36 =	vmul.f32 v27, v11  }
0x143: {  	v38 =	vmul.f32 v28, v12;
	v39 =	vmul.f32 v31, v13  }
0x144: {  	v40 =	vmul.f32 v32, v14;
	v33 =	vadd.f32 $0.0e+00, v29;
	v49 =	vadd.f32 $0.0e+00, v30  }
0x145: {  	v52 =	vld [tilespmem:s14+$0x5200];
	v54 =	vmul.f32 v50, v16;
	v23 =	vmul.f32 v29, v23  }
0x146: {  	v51 =	vld [tilespmem:s14+$0x5280];
	v55 =	vmul.f32 v37, v15;
	v33 =	vadd.f32 v34, v33;
	v29 =	vadd.f32 v35, v49  }
0x147: {  	v53 =	vld [tilespmem:s14+$0x5380];
	v24 =	vmul.f32 v30, v24;
	v25 =	vmul.f32 v34, v25;
	v23 =	vadd.f32 $0.0e+00, v23  }
0x148: {  	v42 =	vld [tilespmem:s14+$0x5480];
	v26 =	vmul.f32 v35, v26;
	v33 =	vadd.f32 v36, v33;
	v29 =	vadd.f32 v38, v29  }
0x149: {  	v41 =	vld [tilespmem:s14+$0x5300];
	v27 =	vmul.f32 v36, v27;
	v24 =	vadd.f32 $0.0e+00, v24;
	v23 =	vadd.f32 v25, v23  }
0x14a: {  	v56 =	vmul.f32 v52, v17;
	v25 =	vadd.f32 v39, v33;
	v29 =	vadd.f32 v40, v29  }
0x14b: {  	v43 =	vld [tilespmem:s14+$0x5400];
	v24 =	vadd.f32 v26, v24;
	v26 =	vmul.f32 v38, v28;
	v23 =	vadd.f32 v27, v23  }
0x14c: {  	v27 =	vmul.f32 v51, v18;
	v29 =	vadd.f32 v54, v29;
	v25 =	vadd.f32 v55, v25  }
0x14d: {  	v58 =	vmul.f32 v53, v20;
	v60 =	vmul.f32 v42, v22;
	v24 =	vadd.f32 v26, v24  }
0x14e: {  	v26 =	vmul.f32 v41, v19;
	v57 =	vadd.f32 v27, v29;
	v25 =	vadd.f32 v56, v25  }
0x14f: {  	v32 =	vmul.f32 v40, v32;
	v31 =	vmul.f32 v39, v31  }
0x150: {  	s14 =	simm.s32 $0x6100;
	v61 =	vmul.f32 v43, v21;
	v28 =	vadd.f32 v58, v57;
	v25 =	vadd.f32 v26, v25  }
0x151: {  	v62 =	vld [tilespmem:s14+$0x0];
	v59 =	vmul.f32 v55, v37;
	v23 =	vadd.f32 v31, v23;
	v24 =	vadd.f32 v32, v24  }
0x152: {  	v30 =	vmul.f32 v54, v50;
	v25 =	vadd.f32 v61, v25;
	v28 =	vadd.f32 v60, v28  }
0x153: {  	v35 =	vmul.f32 v56, v52;
	v23 =	vadd.f32 v59, v23  }
0x154: {  	v24 =	vadd.f32 v30, v24;
	v27 =	vmul.f32 v27, v51;
	v25 =	vadd.f32 v28, v25  }
0x155: {  	v26 =	vmul.f32 v26, v41;
	v23 =	vadd.f32 v35, v23  }
0x156: {  	v29 =	vmul.f32 v58, v53;
	v24 =	vadd.f32 v27, v24;
	v25 =	vadd.f32 v25, v62  }
0x157: {  	v27 =	vmul.f32 v61, v43;
	v23 =	vadd.f32 v26, v23  }
0x158: {  	s15 =	simm.s32 $0x6300;
	v63 =	vmul.f32 v60, v42;
	v24 =	vadd.f32 v29, v24;
	[tilespmem:s14+$0x0] =	vst v25  }
0x159: {  	v26 =	vadd.f32 v27, v23;
	v23 =	vld [tilespmem:s15+$0x0]  }
0x15a: {  	v24 =	vadd.f32 v63, v24;
	_ =	sdelay $0x1  }
0x15b: {  	s16 =	simm.s32 $0x6300;
	s17 =	simm.s32 $0x10;
	v24 =	vadd.f32 v24, v26  }
.LBB2_6:
0x15c: {  	s13 =	sadd.s32 $0x80, s13;
	s14 =	sadd.s32 $0x10, s14;
	s15 =	sadd.s32 $0x10, s15  }
0x15d: {  	p0 =	sne.s32 s17, $0x1F0;
	s18 =	smov.u32 s17;
	s17 =	sadd.s32 $0x10, s17;
	v23 =	vadd.f32 v24, v23  }
0x15e: {  	_ = 	snop  }
0x15f: {  	s18 =	sand.u32 $0x70, s18;
	s19 =	sand.u32 $0xC00, s13;
	[tilespmem:s16+$0x0] =	vst v23;
	s16 =	smov.u32 s15  }
0x160: {  	s18 =	sor.u32 s18, s19  }
0x161: {  	v23 =	vld [tilespmem:s18+$0x4100]  }
0x162: {  	v24 =	vld [tilespmem:s18+$0x4280]  }
0x163: {  	v25 =	vld [tilespmem:s18+$0x4180]  }
0x164: {  	v26 =	vld [tilespmem:s18+$0x4200]  }
0x165: {  	v27 =	vld [tilespmem:s18+$0x4380]  }
0x166: {  	v28 =	vld [tilespmem:s18+$0x4300]  }
0x167: {  	v29 =	vmul.f32 v23, v7;
	v30 =	vld [tilespmem:s18+$0x4480]  }
0x168: {  	v31 =	vmul.f32 v25, v8;
	v32 =	vld [tilespmem:s18+$0x4400]  }
0x169: {  	v33 =	vadd.f32 $0.0e+00, v29;
	v23 =	vmul.f32 v29, v23;
	v29 =	vmul.f32 v26, v9  }
0x16a: {  	v34 =	vadd.f32 $0.0e+00, v31;
	v25 =	vmul.f32 v31, v25;
	v31 =	vmul.f32 v24, v10;
	v35 =	vld [tilespmem:s18+$0x5180]  }
0x16b: {  	v23 =	vadd.f32 $0.0e+00, v23;
	v33 =	vadd.f32 v29, v33;
	v36 =	vmul.f32 v28, v11;
	v37 =	vld [tilespmem:s18+$0x5100]  }
0x16c: {  	v26 =	vmul.f32 v29, v26;
	v29 =	vmul.f32 v27, v12;
	v34 =	vadd.f32 v31, v34;
	v38 =	vld [tilespmem:s18+$0x5280]  }
0x16d: {  	v24 =	vmul.f32 v31, v24;
	v31 =	vadd.f32 v36, v33;
	v33 =	vmul.f32 v32, v13;
	v39 =	vld [tilespmem:s18+$0x5200]  }
0x16e: {  	v28 =	vmul.f32 v36, v28;
	v36 =	vmul.f32 v30, v14;
	v34 =	vadd.f32 v29, v34  }
0x16f: {  	v23 =	vadd.f32 v26, v23;
	v26 =	vadd.f32 v33, v31;
	v31 =	vmul.f32 v35, v16;
	v40 =	vld [tilespmem:s18+$0x5380]  }
0x170: {  	v30 =	vmul.f32 v36, v30;
	v34 =	vadd.f32 v36, v34;
	v36 =	vmul.f32 v37, v15;
	v41 =	vld [tilespmem:s18+$0x5300]  }
0x171: {  	v25 =	vadd.f32 $0.0e+00, v25;
	v23 =	vadd.f32 v28, v23;
	v28 =	vmul.f32 v38, v18;
	v42 =	vld [tilespmem:s18+$0x5480]  }
0x172: {  	v32 =	vmul.f32 v33, v32;
	v33 =	vadd.f32 v31, v34;
	v34 =	vmul.f32 v39, v17;
	v43 =	vld [tilespmem:s18+$0x5400]  }
0x173: {  	v24 =	vadd.f32 v24, v25;
	v25 =	vmul.f32 v29, v27;
	v26 =	vadd.f32 v36, v26  }
0x174: {  	v27 =	vadd.f32 v28, v33;
	v29 =	vmul.f32 v34, v39;
	v33 =	vmul.f32 v40, v20  }
0x175: {  	v31 =	vmul.f32 v31, v35;
	v26 =	vadd.f32 v34, v26;
	v34 =	vmul.f32 v41, v19  }
0x176: {  	v24 =	vadd.f32 v25, v24;
	v25 =	vadd.f32 v33, v27;
	v27 =	vmul.f32 v42, v22  }
0x177: {  	v26 =	vadd.f32 v34, v26;
	v34 =	vmul.f32 v34, v41;
	v35 =	vmul.f32 v43, v21  }
0x178: {  	v23 =	vadd.f32 v32, v23;
	v24 =	vadd.f32 v30, v24;
	v30 =	vmul.f32 v36, v37;
	v32 =	vld [tilespmem:s14+$0x0]  }
0x179: {  	v25 =	vadd.f32 v27, v25;
	v26 =	vadd.f32 v35, v26;
	v35 =	vmul.f32 v35, v43  }
0x17a: {  	v23 =	vadd.f32 v30, v23;
	v24 =	vadd.f32 v31, v24;
	v30 =	vmul.f32 v33, v40  }
0x17b: {  	v28 =	vmul.f32 v28, v38;
	v27 =	vmul.f32 v27, v42;
	v25 =	vadd.f32 v25, v26  }
0x17c: {  	v23 =	vadd.f32 v29, v23  }
0x17d: {  	v24 =	vadd.f32 v28, v24;
	v25 =	vadd.f32 v25, v32  }
0x17e: {  	v26 =	vadd.f32 v34, v23  }
.Ltmp2:
0x17f: {  	v24 =	vadd.f32 v30, v24;
	[tilespmem:s14+$0x0] =	vst v25;
	(pc) =	sbr.rel @p0 .LBB2_6-.Ltmp2, $3  }
0x180: {  	v23 =	vld [tilespmem:s15+$0x0]  }
0x181: {  	v24 =	vadd.f32 v27, v24;
	v25 =	vadd.f32 v35, v26;
	_ =	sdelay $0x1  }
0x182: {  	v24 =	vadd.f32 v24, v25  }
0x183: {  	v4 =	vadd.f32 $0.0e+00, v4;
	_ =	sdelay $0x1  }
0x184: {  	v4 =	vadd.f32 v5, v4  }
0x185: {  	v5 =	vadd.f32 v24, v23  }
0x186: {  	v4 =	vadd.f32 v6, v4  }
0x187: {  	[tilespmem:s16+$0x0] =	vst v5  }
0x188: {  	[tilespmem:$0x6500] =	vst v4  }
0x189: {  	[hbm4b:s7+s12] =	stream.strided.scatter [tilespmem:s30], [sflag:$0x4], $0x200, s29, s12, $0x38;
	[tilespmem:$0x6580] =	vst v63  }
0x18a: {  	_ =	swait.ge [sflag:s11], $0x200  }
0x18b: {  	[sflag:s11] =	ssyncset.done $0x0  }
0x18c: {  	[sflag:s11] =	ssyncadd.s32 $0xFFFFFE00  }
0x18d: {  	[hbm4b:s8+s12] =	stream.strided.scatter [tilespmem:s31], [sflag:$0x4], $0x200, s29, s12, $0x38;
	[tilespmem:$0x6580] =	vst v63  }
0x18e: {  	s1 =	sadd.s32 $0x1, s1;
	_ =	swait.ge [sflag:s11], $0x200  }
0x18f: {  	p0 =	sne.s32 s1, s10;
	[sflag:s11] =	ssyncset.done $0x0  }
.Ltmp3:
0x190: {  	[sflag:s11] =	ssyncadd.s32 $0xFFFFFE00;
	(pc) =	sbr.rel @p0 .LBB2_1-.Ltmp3, $4  }
0x191: {  	[hbm4b:s9+s3] =	stream.linear.scatter [tilespmem:s0], [sflag:$0x4], $0x10, $0x38;
	[tilespmem:$0x6580] =	vst v63  }
0x192: {  	_ =	swait.ge [sflag:s11], $0x10  }
0x193: {  	[sflag:s11] =	ssyncset.done $0x0  }
0x194: {  	[sflag:s11] =	ssyncadd.s32 $0xFFFFFFF0  }
0x195: {  	_ =	sfence.sel $0x180000  }
0x196: {  	[bflag:$0x0] =	sbarrier.arrive $0xFFFF  }
0x197: {  	_ =	strace $0x90000047  }
0x198: {  	s0 =	stileid.u32;
	[bflag:$0x2] =	sbarrier.arrive $0xFFFF  }
0x199: {  	p0 =	sne.s32 s0, $0x0;
	s0 =	rddreg [dreg:$0x1]  }
0x19a: {  	s0 =	sadd.s32 @!p0 $0x100000, s0  }
0x19b: {  	[sflag:s0] =	ssyncadd.tile.s32 @!p0 $0x1;
	_ =	shalt  }
.Lfunc_end2:
_tile_overlayer_lowered:
.L_overlay_start_2:
0x19c: {  	(tag) =	ssettag $0x2  }
0x19d: {  	s0 =	rddreg [dreg:$0x0];
	s2 =	stileid.u32  }
0x19e: {  	s1 =	rddreg [dreg:$0x1];
	p0 =	sne.s32 s2, $0x0  }
0x19f: {  	s3 =	rddreg [dreg:$0x2];
	[bflag:$0x3] =	sbarrier.arrive $0xFFFF;
	s2 =	simm.s32 @!p0 $0x1C04  }
0x1a0: {  	[timem:s3], [sflag:s2] =	dma.local @!p0 [hbm:s0], s1  }
0x1a1: {  	s0 =	simm.s32 @!p0 $0x4  }
0x1a2: {  	_ =	swait.ge @!p0 [sflag:s0], s1  }
0x1a3: {  	s1 =	ssub.s32 @!p0 $0x0, s1;
	[sflag:s0] =	ssyncset.done @!p0 $0x0  }
0x1a4: {  	[sflag:s0] =	ssyncadd.s32 @!p0 s1  }
0x1a5: {  	[bflag:$0x3] =	sbarrier.arrive $0xFFFF  }
0x1a6: {  	_ =	shalt  }

</sc_bundles>
